<compile_context>
chip_gen: v7x
topology: tpu7x:2x2x1
jax: 0.10.2.dev20260603
libtpu: 0.0.44.dev20260713+nightly
codegen_flags: <defaults>
</compile_context>

<pallas_src>
import functools

import jax
import jax.numpy as jnp
from jax import lax
from jax.experimental import pallas as pl
from jax.experimental.pallas import tpu as pltpu
from jax.experimental.pallas import tpu_sc as plsc

NC = 2
NS = 16
NW = NC * NS
LANES = 16
CH = 80
NPAD = 10240


def _mesh():
    return plsc.VectorSubcoreMesh(core_axis_name="c", subcore_axis_name="s")


def _deg_call(E):
    ept = E // NS
    rows = ept // CH
    rpt = NPAD // NS

    @functools.partial(
        pl.kernel,
        out_type=(jax.ShapeDtypeStruct((NPAD,), jnp.float32),
                  jax.ShapeDtypeStruct((NPAD,), jnp.float32)),
        mesh=_mesh(),
        scratch_types=[
            pltpu.VMEM_SHARED((NPAD,), jnp.float32),
            pltpu.VMEM((ept,), jnp.int32),
            pltpu.VMEM((CH,), jnp.float32),
            pltpu.SemaphoreType.DMA,
        ],
    )
    def deg_kernel(src_h, dst_h, ones_h, zeros_h, out_o, out_i,
                   deg_sh, idx_v, ones_v, dsem):
        c = lax.axis_index("c")
        s = lax.axis_index("s")
        z0 = s * rpt
        pltpu.sync_copy(zeros_h.at[pl.ds(z0, rpt)],
                        deg_sh.at[pl.ds(z0, rpt)])
        pltpu.sync_copy(ones_h, ones_v)

        e0 = s * ept

        @pl.when(c == 0)
        def _():
            pltpu.sync_copy(src_h.at[pl.ds(e0, ept)], idx_v)

        @pl.when(c == 1)
        def _():
            pltpu.sync_copy(dst_h.at[pl.ds(e0, ept)], idx_v)

        plsc.subcore_barrier()

        G = 10
        assert rows % G == 0

        def step(g, carry):
            for k in range(G):
                o = pl.multiple_of((g * G + k) * CH, 8)
                pltpu.async_copy(ones_v, deg_sh.at[idx_v.at[pl.ds(o, CH)]],
                                 dsem, add=True)
            for k in range(G):
                pltpu.make_async_copy(ones_v,
                                      deg_sh.at[idx_v.at[pl.ds(0, CH)]],
                                      dsem).wait()
            return carry

        lax.fori_loop(0, rows // G, step, 0)
        plsc.subcore_barrier()

        @pl.when(c == 0)
        def _():
            pltpu.sync_copy(deg_sh.at[pl.ds(z0, rpt)], out_o.at[pl.ds(z0, rpt)])

        @pl.when(c == 1)
        def _():
            pltpu.sync_copy(deg_sh.at[pl.ds(z0, rpt)], out_i.at[pl.ds(z0, rpt)])

    return deg_kernel


def _agg_call(E, D):
    ept = E // NW
    rows = ept // CH
    rpt = NPAD // NS

    @functools.partial(
        pl.kernel,
        out_type=jax.ShapeDtypeStruct((NC, NPAD, D), jnp.float32),
        mesh=_mesh(),
        scratch_types=[
            pltpu.VMEM_SHARED((NPAD, D), jnp.float32),
            pltpu.VMEM((ept,), jnp.int32),
            pltpu.VMEM((ept,), jnp.int32),
            pltpu.VMEM((CH, D), jnp.float32),
            pltpu.VMEM((CH, D), jnp.float32),
            pltpu.SemaphoreType.DMA,
            pltpu.SemaphoreType.DMA,
            pltpu.SemaphoreType.DMA,
            pltpu.SemaphoreType.DMA,
        ],
    )
    def agg_kernel(table, src_h, dst_h, zeros_h, out,
                   acc_sh, si_v, di_v, buf0, buf1, g0, g1, s0, s1):
        c = lax.axis_index("c")
        s = lax.axis_index("s")
        r0 = s * rpt
        pltpu.sync_copy(zeros_h.at[pl.ds(r0, rpt)], acc_sh.at[pl.ds(r0, rpt)])
        w = c * NS + s
        e0 = w * ept
        pltpu.sync_copy(src_h.at[pl.ds(e0, ept)], si_v)
        pltpu.sync_copy(dst_h.at[pl.ds(e0, ept)], di_v)
        plsc.subcore_barrier()

        def sidx(j):
            return si_v.at[pl.ds(pl.multiple_of(j * CH, 8), CH)]

        def didx(j):
            return di_v.at[pl.ds(pl.multiple_of(j * CH, 8), CH)]

        pltpu.async_copy(table.at[sidx(0)], buf0, g0)

        def step(j, carry):
            def halfstep(bufa, bufb, ga, gb, sa, sb):
                pltpu.make_async_copy(table.at[sidx(j)], bufa, ga).wait()

                @pl.when(j >= 1)
                def _():
                    pltpu.make_async_copy(bufb, acc_sh.at[didx(j - 1)],
                                          sb).wait()

                @pl.when(j + 1 < rows)
                def _():
                    pltpu.async_copy(table.at[sidx(j + 1)], bufb, gb)

                pltpu.async_copy(bufa, acc_sh.at[didx(j)], sa, add=True)

            @pl.when(j % 2 == 0)
            def _():
                halfstep(buf0, buf1, g0, g1, s0, s1)

            @pl.when(j % 2 == 1)
            def _():
                halfstep(buf1, buf0, g1, g0, s1, s0)

            return carry

        lax.fori_loop(0, rows, step, 0)
        if rows % 2 == 1:
            pltpu.make_async_copy(buf0, acc_sh.at[didx(rows - 1)], s0).wait()
        else:
            pltpu.make_async_copy(buf1, acc_sh.at[didx(rows - 1)], s1).wait()
        plsc.subcore_barrier()

        @pl.when(c == 0)
        def _():
            pltpu.sync_copy(acc_sh.at[pl.ds(r0, rpt)], out.at[0, pl.ds(r0, rpt)])

        @pl.when(c == 1)
        def _():
            pltpu.sync_copy(acc_sh.at[pl.ds(r0, rpt)], out.at[1, pl.ds(r0, rpt)])

    return agg_kernel


def _edge_call(E, N):
    ept = E // NW
    blk = 2000
    nb = ept // blk
    nv = blk // LANES

    @functools.partial(
        pl.kernel,
        out_type=jax.ShapeDtypeStruct((E,), jnp.float32),
        mesh=_mesh(),
        scratch_types=[
            pltpu.VMEM((NPAD,), jnp.float32),
            pltpu.VMEM((NPAD,), jnp.float32),
            pltpu.VMEM((blk,), jnp.int32),
            pltpu.VMEM((blk,), jnp.int32),
            pltpu.VMEM((blk,), jnp.float32),
            pltpu.VMEM((blk,), jnp.float32),
            pltpu.VMEM((blk,), jnp.float32),
            pltpu.VMEM((blk,), jnp.float32),
            pltpu.VMEM((blk,), jnp.int32),
            pltpu.VMEM((blk,), jnp.int32),
            pltpu.VMEM((blk,), jnp.float32),
            pltpu.VMEM((blk,), jnp.float32),
            pltpu.VMEM((blk,), jnp.float32),
            pltpu.VMEM((blk,), jnp.float32),
            pltpu.VMEM((LANES,), jnp.float32),
            pltpu.SemaphoreType.DMA,
            pltpu.SemaphoreType.DMA,
            pltpu.SemaphoreType.DMA,
            pltpu.SemaphoreType.DMA,
        ],
        compiler_params=pltpu.CompilerParams(needs_layout_passes=False),
    )
    def edge_kernel(a_h, b_h, src, dst, ef0, ef1, ef2, wcb, out,
                    a_v, b_v, sa_v, da_v, ea0_v, ea1_v, ea2_v, oa_v,
                    sb_v, db_v, eb0_v, eb1_v, eb2_v, ob_v, w_v,
                    l0, l1, w0, w1):
        c = lax.axis_index("c")
        s = lax.axis_index("s")
        base = (c * NS + s) * ept
        pltpu.sync_copy(a_h, a_v)
        pltpu.sync_copy(b_h, b_v)
        pltpu.sync_copy(wcb, w_v)
        wvec = w_v[...]
        wc0 = wvec[0]
        wc1 = wvec[1]
        wc2 = wvec[2]
        bfc = wvec[3]
        seta = (sa_v, da_v, ea0_v, ea1_v, ea2_v, oa_v, l0, w0)
        setb = (sb_v, db_v, eb0_v, eb1_v, eb2_v, ob_v, l1, w1)

        def fire_loads(bi, st):
            off = base + bi * blk
            pltpu.async_copy(src.at[pl.ds(off, blk)], st[0], st[6])
            pltpu.async_copy(dst.at[pl.ds(off, blk)], st[1], st[6])
            pltpu.async_copy(ef0.at[pl.ds(off, blk)], st[2], st[6])
            pltpu.async_copy(ef1.at[pl.ds(off, blk)], st[3], st[6])
            pltpu.async_copy(ef2.at[pl.ds(off, blk)], st[4], st[6])

        fire_loads(0, seta)

        def blk_step(bi, carry):
            def half(st, st_next):
                s_v, d_v, e0_v, e1_v, e2_v, o_v, lsem, wsem = st

                @pl.when(bi + 1 < nb)
                def _():
                    fire_loads(bi + 1, st_next)

                for _ in range(5):
                    pltpu.make_async_copy(src.at[pl.ds(base, blk)], s_v,
                                          lsem).wait()

                @pl.when(bi >= 2)
                def _():
                    pltpu.make_async_copy(o_v, out.at[pl.ds(base, blk)],
                                          wsem).wait()

                def vstep(k, carry2):
                    sl = pl.ds(k * LANES, LANES)
                    av = plsc.load_gather(a_v, [s_v[sl]])
                    bv = plsc.load_gather(b_v, [d_v[sl]])
                    x = (av + bv + e0_v[sl] * wc0 + e1_v[sl] * wc1
                         + e2_v[sl] * wc2 + bfc)
                    o_v[sl] = 1.0 / (1.0 + jnp.exp(-x))
                    return carry2

                lax.fori_loop(0, nv, vstep, 0)
                off = base + bi * blk
                pltpu.async_copy(o_v, out.at[pl.ds(off, blk)], wsem)

            @pl.when(bi % 2 == 0)
            def _():
                half(seta, setb)

            @pl.when(bi % 2 == 1)
            def _():
                half(setb, seta)

            return carry

        lax.fori_loop(0, nb, blk_step, 0)
        assert nb >= 2
        pltpu.make_async_copy(oa_v, out.at[pl.ds(base, blk)], w0).wait()
        pltpu.make_async_copy(ob_v, out.at[pl.ds(base, blk)], w1).wait()

    return edge_kernel


def _tc_pre(x, W1, deg_t):
    N, D = x.shape
    H = W1.shape[1]
    R = 1000

    def body(x_ref, w_ref, dg_ref, o_ref):
        ns = lax.rsqrt(jnp.maximum(dg_ref[:, 0:1], 1.0))
        o_ref[...] = jnp.dot(x_ref[...], w_ref[...],
                             preferred_element_type=jnp.float32) * ns

    return pl.pallas_call(
        body,
        grid=(N // R,),
        in_specs=[
            pl.BlockSpec((R, D), lambda i: (i, 0)),
            pl.BlockSpec((D, H), lambda i: (0, 0)),
            pl.BlockSpec((R, 2), lambda i: (i, 0)),
        ],
        out_specs=pl.BlockSpec((R, H), lambda i: (i, 0)),
        out_shape=jax.ShapeDtypeStruct((N, H), jnp.float32),
    )(x, W1, deg_t)


def _tc_mid(acc, deg_t, b1, W2, Wab):
    N = deg_t.shape[0]
    H = W2.shape[0]
    R = 1000

    def body(a_ref, dg_ref, b_ref, w_ref, wab_ref, o_ref):
        asum = a_ref[0] + a_ref[1]
        nd = lax.rsqrt(jnp.maximum(dg_ref[:, 1:2], 1.0))
        h1 = jnp.maximum(asum * nd + b_ref[...], 0.0)
        ns = lax.rsqrt(jnp.maximum(dg_ref[:, 0:1], 1.0))
        xs2 = jnp.dot(h1, w_ref[...],
                      preferred_element_type=jnp.float32) * ns
        o_ref[...] = jnp.dot(xs2, wab_ref[...],
                             preferred_element_type=jnp.float32)

    return pl.pallas_call(
        body,
        grid=(N // R,),
        in_specs=[
            pl.BlockSpec((2, R, H), lambda i: (0, i, 0)),
            pl.BlockSpec((R, 2), lambda i: (i, 0)),
            pl.BlockSpec((1, H), lambda i: (0, 0)),
            pl.BlockSpec((H, H), lambda i: (0, 0)),
            pl.BlockSpec((H, 2), lambda i: (0, 0)),
        ],
        out_specs=pl.BlockSpec((R, 2), lambda i: (i, 0)),
        out_shape=jax.ShapeDtypeStruct((N, 2), jnp.float32),
    )(acc, deg_t, b1, W2, Wab)


def _agg2_call(E, N):
    ept = E // NW
    rows = ept // CH
    vs = CH // LANES
    rpt = NPAD // NS

    @functools.partial(
        pl.kernel,
        out_type=jax.ShapeDtypeStruct((4 * NPAD,), jnp.float32),
        mesh=_mesh(),
        scratch_types=[
            pltpu.VMEM_SHARED((NPAD,), jnp.float32),
            pltpu.VMEM_SHARED((NPAD,), jnp.float32),
            pltpu.VMEM((N,), jnp.float32),
            pltpu.VMEM((N,), jnp.float32),
            pltpu.VMEM((ept,), jnp.int32),
            pltpu.VMEM((ept,), jnp.int32),
            pltpu.VMEM((CH,), jnp.float32),
            pltpu.VMEM((CH,), jnp.float32),
            pltpu.VMEM((CH,), jnp.float32),
            pltpu.VMEM((CH,), jnp.float32),
            pltpu.SemaphoreType.DMA,
            pltpu.SemaphoreType.DMA,
        ],
        compiler_params=pltpu.CompilerParams(needs_layout_passes=False),
    )
    def agg2_kernel(t_h, u_h, src_h, dst_h, zeros_h, out,
                    t_sh, u_sh, t_v, u_v, si_v, di_v, tp0, up0, tp1, up1,
                    sm0, sm1):
        c = lax.axis_index("c")
        s = lax.axis_index("s")
        z0 = s * rpt
        pltpu.sync_copy(zeros_h.at[pl.ds(z0, rpt)], t_sh.at[pl.ds(z0, rpt)])
        pltpu.sync_copy(zeros_h.at[pl.ds(z0, rpt)], u_sh.at[pl.ds(z0, rpt)])
        pltpu.sync_copy(t_h, t_v)
        pltpu.sync_copy(u_h, u_v)
        e0 = (c * NS + s) * ept
        pltpu.sync_copy(src_h.at[pl.ds(e0, ept)], si_v)
        pltpu.sync_copy(dst_h.at[pl.ds(e0, ept)], di_v)
        plsc.subcore_barrier()

        def drain2(tp, sm):
            pltpu.make_async_copy(tp, t_sh.at[di_v.at[pl.ds(0, CH)]],
                                  sm).wait()
            pltpu.make_async_copy(tp, t_sh.at[di_v.at[pl.ds(0, CH)]],
                                  sm).wait()

        def step(j, carry):
            def halfstep(tp, up, sm):
                @pl.when(j >= 2)
                def _():
                    drain2(tp, sm)

                o = pl.multiple_of(j * CH, 8)
                for k in range(vs):
                    sl = pl.ds(o + k * LANES, LANES)
                    sv = si_v[sl]
                    tp[pl.ds(k * LANES, LANES)] = plsc.load_gather(
                        t_v, [sv])
                    up[pl.ds(k * LANES, LANES)] = plsc.load_gather(
                        u_v, [sv])
                didx = di_v.at[pl.ds(o, CH)]
                pltpu.async_copy(tp, t_sh.at[didx], sm, add=True)
                pltpu.async_copy(up, u_sh.at[didx], sm, add=True)

            @pl.when(j % 2 == 0)
            def _():
                halfstep(tp0, up0, sm0)

            @pl.when(j % 2 == 1)
            def _():
                halfstep(tp1, up1, sm1)

            return carry

        lax.fori_loop(0, rows, step, 0)
        assert rows >= 2
        drain2(tp0, sm0)
        drain2(tp1, sm1)
        plsc.subcore_barrier()
        base = pl.multiple_of(c * (2 * NPAD) + z0, 8)
        pltpu.sync_copy(t_sh.at[pl.ds(z0, rpt)], out.at[pl.ds(base, rpt)])
        pltpu.sync_copy(u_sh.at[pl.ds(z0, rpt)],
                        out.at[pl.ds(base + NPAD, rpt)])

    return agg2_kernel


def _tc_post2(t0, t1, u0, u1, dgi, b2, Wab):
    H = Wab.shape[0]
    R = 2048
    NP = dgi.shape[0]

    def body(t0_ref, t1_ref, u0_ref, u1_ref, dg_ref, b_ref, w_ref,
             a_ref, bv_ref):
        cab = jnp.dot(b_ref[...], w_ref[...],
                      preferred_element_type=jnp.float32)
        nd = lax.rsqrt(jnp.maximum(dg_ref[...], 1.0))
        a_ref[...] = (t0_ref[...] + t1_ref[...]) * nd + cab[0, 0]
        bv_ref[...] = (u0_ref[...] + u1_ref[...]) * nd + cab[0, 1]

    vec = pl.BlockSpec((R,), lambda i: (i,))
    return pl.pallas_call(
        body,
        grid=(NP // R,),
        in_specs=[
            vec, vec, vec, vec, vec,
            pl.BlockSpec((1, H), lambda i: (0, 0)),
            pl.BlockSpec((H, 2), lambda i: (0, 0)),
        ],
        out_specs=(vec, vec),
        out_shape=(jax.ShapeDtypeStruct((NP,), jnp.float32),
                   jax.ShapeDtypeStruct((NP,), jnp.float32)),
    )(t0, t1, u0, u1, dgi, b2, Wab)


def kernel(node_features, edge_index, edge_features, W1, b1, W2, b2, Wfc, bfc):
    N, D = node_features.shape
    E = edge_index.shape[1]
    H = W1.shape[1]

    src = edge_index[0]
    dst = edge_index[1]
    eft = edge_features.T
    ef0 = eft[0]
    ef1 = eft[1]
    ef2 = eft[2]

    zeros_nd = jnp.zeros((NPAD, H), jnp.float32)
    zeros_p = jnp.zeros((NPAD,), jnp.float32)
    ones_c = jnp.ones((CH,), jnp.float32)

    deg_o, deg_i = _deg_call(E)(src, dst, ones_c, zeros_p)
    deg_t = jnp.stack([deg_o[:N], deg_i[:N]], axis=1)

    xs1 = _tc_pre(node_features, W1, deg_t)
    acc1 = _agg_call(E, H)(xs1, src, dst, zeros_nd)

    Wab = jnp.concatenate([Wfc[:H], Wfc[H:2 * H]], axis=1)
    tu = _tc_mid(acc1, deg_t, b1.reshape(1, H), W2, Wab)
    out4 = _agg2_call(E, N)(tu[:, 0], tu[:, 1], src, dst, zeros_p)
    a_n, b_n = _tc_post2(out4[:NPAD], out4[2 * NPAD:3 * NPAD],
                         out4[NPAD:2 * NPAD], out4[3 * NPAD:],
                         deg_i, b2.reshape(1, H), Wab)

    wcb = jnp.concatenate(
        [Wfc[2 * H:, 0], bfc, jnp.zeros((12,), jnp.float32)])
    return _edge_call(E, N)(a_n, b_n, src, dst, ef0, ef1, ef2, wcb)

# --- scband reference (transcript-rebuilt; emitter-appended) ---
"""Pipeline reference for scband-gcnedge-77335181132320 (READ-ONLY COPY).

The authoritative reference and input builder live on the scoring server;
editing this copy changes nothing except your own understanding.
"""

import jax, jax.numpy as jnp
import numpy as np

N = 10000
E = 320000
D = 128
H = 128


def setup_inputs(seed: int = 0) -> dict:
    key = jax.random.key(seed)
    ks = jax.random.split(key, 9)
    node_features = jax.random.normal(ks[0], (N, D), dtype=jnp.float32)
    edge_index = jax.random.randint(ks[1], (2, E), 0, N, dtype=jnp.int32)
    edge_features = jax.random.normal(ks[2], (E, 3), dtype=jnp.float32)
    W1 = jax.random.normal(ks[3], (D, H), dtype=jnp.float32) * 0.05
    b1 = jnp.zeros((H,), dtype=jnp.float32)
    W2 = jax.random.normal(ks[4], (H, H), dtype=jnp.float32) * 0.05
    b2 = jnp.zeros((H,), dtype=jnp.float32)
    Wfc = jax.random.normal(ks[5], (2 * H + 3, 1), dtype=jnp.float32) * 0.05
    bfc = jnp.zeros((1,), dtype=jnp.float32)
    return {"node_features": node_features, "edge_index": edge_index,
            "edge_features": edge_features, "W1": W1, "b1": b1,
            "W2": W2, "b2": b2, "Wfc": Wfc, "bfc": bfc}


def _gcn_conv(x, src, dst, W, b):
    # DGL GraphConv with norm='both': y_i = b + sum_{j->i} h_j / sqrt(d_out(j) d_in(i))
    h = x @ W
    ones = jnp.ones((src.shape[0],), dtype=jnp.float32)
    deg_out = jnp.zeros((N,), jnp.float32).at[src].add(ones)
    deg_in = jnp.zeros((N,), jnp.float32).at[dst].add(ones)
    norm_src = jax.lax.rsqrt(jnp.maximum(deg_out, 1.0))
    norm_dst = jax.lax.rsqrt(jnp.maximum(deg_in, 1.0))
    m = h[src] * norm_src[src][:, None]
    agg = jnp.zeros((N, h.shape[1]), jnp.float32).at[dst].add(m)
    return agg * norm_dst[:, None] + b


def reference(node_features, edge_index, edge_features, W1, b1, W2, b2, Wfc, bfc):
    src = edge_index[0]
    dst = edge_index[1]
    h = jax.nn.relu(_gcn_conv(node_features, src, dst, W1, b1))
    h = _gcn_conv(h, src, dst, W2, b2)
    # apply_edges: e = fc(cat([src_h, dst_h, edge_feat]))
    e = jnp.concatenate([h[src], h[dst], edge_features], axis=1)
    e = e @ Wfc + bfc
    return jax.nn.sigmoid(e.squeeze(-1))

if __name__ == "__main__":
    import jax
    _d = setup_inputs()
    print(jax.jit(kernel)(*tuple(_d.values())))

</pallas_src>

<mosaic_0001>
#map = affine_map<(d0, d1) -> (0)>
module attributes {stable_mosaic.version = 14 : i64} {
  func.func @deg_kernel(%arg0: i32, %arg1: i32, %arg2: memref<320000xi32, #tpu.memory_space<hbm>>, %arg3: memref<320000xi32, #tpu.memory_space<hbm>>, %arg4: memref<80xf32, #tpu.memory_space<hbm>>, %arg5: memref<10240xf32, #tpu.memory_space<hbm>>, %arg6: memref<10240xf32, #tpu.memory_space<hbm>>, %arg7: memref<10240xf32, #tpu.memory_space<hbm>>, %arg8: memref<10240xf32, #tpu.memory_space<vmem_shared>>, %arg9: memref<20000xi32, #tpu.memory_space<vmem>>, %arg10: memref<80xf32, #tpu.memory_space<vmem>>, %arg11: memref<!tpu.dma_semaphore, #tpu.memory_space<semaphore_mem>>) attributes {dimension_semantics = [#tpu.dimension_semantics<core_parallel>, #tpu.dimension_semantics<subcore_parallel>], iteration_bounds = array<i64: 2, 16>, scalar_prefetch = 0 : i64, scratch_operands = 4 : i64, tpu.core_type = #tpu.core_type<sc_vector_subcore>, window_params = [{transform_indices = #map}, {transform_indices = #map}, {transform_indices = #map}, {transform_indices = #map}, {transform_indices = #map}, {transform_indices = #map}]} {
    %mul3A = arith.constant 640 : i32
    %mul3A_0 = arith.muli %arg1, %mul3A : i32
    "tpu.region"() ({
      %run_scoped3A = tpu.sem_alloc : memref<!tpu.dma_semaphore, #tpu.memory_space<semaphore_mem>>
      %dma_start3A = tpu.memref_slice %arg8[%mul3A_0] : memref<10240xf32, #tpu.memory_space<vmem_shared>> -> memref<640xf32, #tpu.memory_space<vmem_shared>>
      %dma_start3A_26 = tpu.memref_slice %arg5[%mul3A_0] : memref<10240xf32, #tpu.memory_space<hbm>> -> memref<640xf32, #tpu.memory_space<hbm>>
      tpu.enqueue_dma source(%dma_start3A_26 : memref<640xf32, #tpu.memory_space<hbm>>) target(%dma_start3A : memref<640xf32, #tpu.memory_space<vmem_shared>>) target_semaphore(%run_scoped3A : memref<!tpu.dma_semaphore, #tpu.memory_space<semaphore_mem>>)
      %dma_wait3A = tpu.memref_slice %arg8[%mul3A_0] : memref<10240xf32, #tpu.memory_space<vmem_shared>> -> memref<640xf32, #tpu.memory_space<vmem_shared>>
      %dma_wait3A_27 = tpu.memref_slice %arg5[%mul3A_0] : memref<10240xf32, #tpu.memory_space<hbm>> -> memref<640xf32, #tpu.memory_space<hbm>>
      tpu.wait_dma2 semaphore(%run_scoped3A : memref<!tpu.dma_semaphore, #tpu.memory_space<semaphore_mem>>) src(%dma_wait3A_27 : memref<640xf32, #tpu.memory_space<hbm>>) dst(%dma_wait3A : memref<640xf32, #tpu.memory_space<vmem_shared>>)
      tpu.yield
    }) : () -> ()
    "tpu.region"() ({
      %run_scoped3A = tpu.sem_alloc : memref<!tpu.dma_semaphore, #tpu.memory_space<semaphore_mem>>
      tpu.enqueue_dma source(%arg4 : memref<80xf32, #tpu.memory_space<hbm>>) target(%arg10 : memref<80xf32, #tpu.memory_space<vmem>>) target_semaphore(%run_scoped3A : memref<!tpu.dma_semaphore, #tpu.memory_space<semaphore_mem>>)
      tpu.wait_dma2 semaphore(%run_scoped3A : memref<!tpu.dma_semaphore, #tpu.memory_space<semaphore_mem>>) src(%arg4 : memref<80xf32, #tpu.memory_space<hbm>>) dst(%arg10 : memref<80xf32, #tpu.memory_space<vmem>>)
      tpu.yield
    }) : () -> ()
    %mul3A_1 = arith.constant 20000 : i32
    %mul3A_2 = arith.muli %arg1, %mul3A_1 : i32
    %eq3A = arith.constant 0 : i32
    %eq3A_3 = arith.cmpi eq, %arg0, %eq3A : i32
    %convert_element_type3A = arith.extui %eq3A_3 : i1 to i32
    %cond3A = arith.constant 0 : i32
    %cond3A_4 = arith.cmpi ne, %convert_element_type3A, %cond3A : i32
    scf.if %cond3A_4 {
      "tpu.region"() ({
        %run_scoped3A = tpu.sem_alloc : memref<!tpu.dma_semaphore, #tpu.memory_space<semaphore_mem>>
        %dma_start3A = tpu.memref_slice %arg2[%mul3A_2] : memref<320000xi32, #tpu.memory_space<hbm>> -> memref<20000xi32, #tpu.memory_space<hbm>>
        %dma_start3A_26 = tpu.memref_slice %arg2[%mul3A_2] : memref<320000xi32, #tpu.memory_space<hbm>> -> memref<20000xi32, #tpu.memory_space<hbm>>
        tpu.enqueue_dma source(%dma_start3A_26 : memref<20000xi32, #tpu.memory_space<hbm>>) target(%arg9 : memref<20000xi32, #tpu.memory_space<vmem>>) target_semaphore(%run_scoped3A : memref<!tpu.dma_semaphore, #tpu.memory_space<semaphore_mem>>)
        %dma_wait3A = tpu.memref_slice %arg2[%mul3A_2] : memref<320000xi32, #tpu.memory_space<hbm>> -> memref<20000xi32, #tpu.memory_space<hbm>>
        %dma_wait3A_27 = tpu.memref_slice %arg2[%mul3A_2] : memref<320000xi32, #tpu.memory_space<hbm>> -> memref<20000xi32, #tpu.memory_space<hbm>>
        tpu.wait_dma2 semaphore(%run_scoped3A : memref<!tpu.dma_semaphore, #tpu.memory_space<semaphore_mem>>) src(%dma_wait3A_27 : memref<20000xi32, #tpu.memory_space<hbm>>) dst(%arg9 : memref<20000xi32, #tpu.memory_space<vmem>>)
        tpu.yield
      }) : () -> ()
    } else {
    }
    %eq3A_5 = arith.constant 1 : i32
    %eq3A_6 = arith.cmpi eq, %arg0, %eq3A_5 : i32
    %convert_element_type3A_7 = arith.extui %eq3A_6 : i1 to i32
    %cond3A_8 = arith.constant 0 : i32
    %cond3A_9 = arith.cmpi ne, %convert_element_type3A_7, %cond3A_8 : i32
    scf.if %cond3A_9 {
      "tpu.region"() ({
        %run_scoped3A = tpu.sem_alloc : memref<!tpu.dma_semaphore, #tpu.memory_space<semaphore_mem>>
        %dma_start3A = tpu.memref_slice %arg3[%mul3A_2] : memref<320000xi32, #tpu.memory_space<hbm>> -> memref<20000xi32, #tpu.memory_space<hbm>>
        %dma_start3A_26 = tpu.memref_slice %arg3[%mul3A_2] : memref<320000xi32, #tpu.memory_space<hbm>> -> memref<20000xi32, #tpu.memory_space<hbm>>
        tpu.enqueue_dma source(%dma_start3A_26 : memref<20000xi32, #tpu.memory_space<hbm>>) target(%arg9 : memref<20000xi32, #tpu.memory_space<vmem>>) target_semaphore(%run_scoped3A : memref<!tpu.dma_semaphore, #tpu.memory_space<semaphore_mem>>)
        %dma_wait3A = tpu.memref_slice %arg3[%mul3A_2] : memref<320000xi32, #tpu.memory_space<hbm>> -> memref<20000xi32, #tpu.memory_space<hbm>>
        %dma_wait3A_27 = tpu.memref_slice %arg3[%mul3A_2] : memref<320000xi32, #tpu.memory_space<hbm>> -> memref<20000xi32, #tpu.memory_space<hbm>>
        tpu.wait_dma2 semaphore(%run_scoped3A : memref<!tpu.dma_semaphore, #tpu.memory_space<semaphore_mem>>) src(%dma_wait3A_27 : memref<20000xi32, #tpu.memory_space<hbm>>) dst(%arg9 : memref<20000xi32, #tpu.memory_space<vmem>>)
        tpu.yield
      }) : () -> ()
    } else {
    }
    %barrier3A = arith.constant 0 : index
    tpu.barrier barrier_id(%barrier3A)
    %scan3A = arith.constant 0 : i32
    %scan3A_10 = arith.constant 0 : i32
    %scan3A_11 = arith.constant 25 : i32
    %scan3A_12 = arith.addi %scan3A_10, %scan3A_11 : i32
    %scan3A_13 = arith.constant 1 : i32
    scf.for %scan3A_26 = %scan3A_10 to %scan3A_12 step %scan3A_13  : i32 {
      %mul3A_27 = arith.constant 10 : i32
      %mul3A_28 = arith.muli %scan3A_26, %mul3A_27 : i32
      %add3A = arith.constant 0 : i32
      %add3A_29 = arith.addi %mul3A_28, %add3A : i32
      %mul3A_30 = arith.constant 80 : i32
      %mul3A_31 = arith.muli %add3A_29, %mul3A_30 : i32
      %multiple_of3A = tpu.assume_multiple %mul3A_31, 8 : i32
      %dma_start3A = tpu.memref_slice %arg9[%multiple_of3A] : memref<20000xi32, #tpu.memory_space<vmem>> -> memref<80xi32, #tpu.memory_space<vmem>>
      %dma_start3A_32 = arith.constant 0 : i32
      %dma_start3A_33 = tpu.memref_slice %arg8[%dma_start3A_32] : memref<10240xf32, #tpu.memory_space<vmem_shared>> -> memref<10240xf32, #tpu.memory_space<vmem_shared>>
      tpu.enqueue_indirect_dma source(%arg10 : memref<80xf32, #tpu.memory_space<vmem>>) target(%dma_start3A_33 : memref<10240xf32, #tpu.memory_space<vmem_shared>>) offsets(%dma_start3A : memref<80xi32, #tpu.memory_space<vmem>>) semaphore(%arg11 : memref<!tpu.dma_semaphore, #tpu.memory_space<semaphore_mem>>) {add = true}
      %mul3A_34 = arith.constant 10 : i32
      %mul3A_35 = arith.muli %scan3A_26, %mul3A_34 : i32
      %add3A_36 = arith.constant 1 : i32
      %add3A_37 = arith.addi %mul3A_35, %add3A_36 : i32
      %mul3A_38 = arith.constant 80 : i32
      %mul3A_39 = arith.muli %add3A_37, %mul3A_38 : i32
      %multiple_of3A_40 = tpu.assume_multiple %mul3A_39, 8 : i32
      %dma_start3A_41 = tpu.memref_slice %arg9[%multiple_of3A_40] : memref<20000xi32, #tpu.memory_space<vmem>> -> memref<80xi32, #tpu.memory_space<vmem>>
      %dma_start3A_42 = arith.constant 0 : i32
      %dma_start3A_43 = tpu.memref_slice %arg8[%dma_start3A_42] : memref<10240xf32, #tpu.memory_space<vmem_shared>> -> memref<10240xf32, #tpu.memory_space<vmem_shared>>
      tpu.enqueue_indirect_dma source(%arg10 : memref<80xf32, #tpu.memory_space<vmem>>) target(%dma_start3A_43 : memref<10240xf32, #tpu.memory_space<vmem_shared>>) offsets(%dma_start3A_41 : memref<80xi32, #tpu.memory_space<vmem>>) semaphore(%arg11 : memref<!tpu.dma_semaphore, #tpu.memory_space<semaphore_mem>>) {add = true}
      %mul3A_44 = arith.constant 10 : i32
      %mul3A_45 = arith.muli %scan3A_26, %mul3A_44 : i32
      %add3A_46 = arith.constant 2 : i32
      %add3A_47 = arith.addi %mul3A_45, %add3A_46 : i32
      %mul3A_48 = arith.constant 80 : i32
      %mul3A_49 = arith.muli %add3A_47, %mul3A_48 : i32
      %multiple_of3A_50 = tpu.assume_multiple %mul3A_49, 8 : i32
      %dma_start3A_51 = tpu.memref_slice %arg9[%multiple_of3A_50] : memref<20000xi32, #tpu.memory_space<vmem>> -> memref<80xi32, #tpu.memory_space<vmem>>
      %dma_start3A_52 = arith.constant 0 : i32
      %dma_start3A_53 = tpu.memref_slice %arg8[%dma_start3A_52] : memref<10240xf32, #tpu.memory_space<vmem_shared>> -> memref<10240xf32, #tpu.memory_space<vmem_shared>>
      tpu.enqueue_indirect_dma source(%arg10 : memref<80xf32, #tpu.memory_space<vmem>>) target(%dma_start3A_53 : memref<10240xf32, #tpu.memory_space<vmem_shared>>) offsets(%dma_start3A_51 : memref<80xi32, #tpu.memory_space<vmem>>) semaphore(%arg11 : memref<!tpu.dma_semaphore, #tpu.memory_space<semaphore_mem>>) {add = true}
      %mul3A_54 = arith.constant 10 : i32
      %mul3A_55 = arith.muli %scan3A_26, %mul3A_54 : i32
      %add3A_56 = arith.constant 3 : i32
      %add3A_57 = arith.addi %mul3A_55, %add3A_56 : i32
      %mul3A_58 = arith.constant 80 : i32
      %mul3A_59 = arith.muli %add3A_57, %mul3A_58 : i32
      %multiple_of3A_60 = tpu.assume_multiple %mul3A_59, 8 : i32
      %dma_start3A_61 = tpu.memref_slice %arg9[%multiple_of3A_60] : memref<20000xi32, #tpu.memory_space<vmem>> -> memref<80xi32, #tpu.memory_space<vmem>>
      %dma_start3A_62 = arith.constant 0 : i32
      %dma_start3A_63 = tpu.memref_slice %arg8[%dma_start3A_62] : memref<10240xf32, #tpu.memory_space<vmem_shared>> -> memref<10240xf32, #tpu.memory_space<vmem_shared>>
      tpu.enqueue_indirect_dma source(%arg10 : memref<80xf32, #tpu.memory_space<vmem>>) target(%dma_start3A_63 : memref<10240xf32, #tpu.memory_space<vmem_shared>>) offsets(%dma_start3A_61 : memref<80xi32, #tpu.memory_space<vmem>>) semaphore(%arg11 : memref<!tpu.dma_semaphore, #tpu.memory_space<semaphore_mem>>) {add = true}
      %mul3A_64 = arith.constant 10 : i32
      %mul3A_65 = arith.muli %scan3A_26, %mul3A_64 : i32
      %add3A_66 = arith.constant 4 : i32
      %add3A_67 = arith.addi %mul3A_65, %add3A_66 : i32
      %mul3A_68 = arith.constant 80 : i32
      %mul3A_69 = arith.muli %add3A_67, %mul3A_68 : i32
      %multiple_of3A_70 = tpu.assume_multiple %mul3A_69, 8 : i32
      %dma_start3A_71 = tpu.memref_slice %arg9[%multiple_of3A_70] : memref<20000xi32, #tpu.memory_space<vmem>> -> memref<80xi32, #tpu.memory_space<vmem>>
      %dma_start3A_72 = arith.constant 0 : i32
      %dma_start3A_73 = tpu.memref_slice %arg8[%dma_start3A_72] : memref<10240xf32, #tpu.memory_space<vmem_shared>> -> memref<10240xf32, #tpu.memory_space<vmem_shared>>
      tpu.enqueue_indirect_dma source(%arg10 : memref<80xf32, #tpu.memory_space<vmem>>) target(%dma_start3A_73 : memref<10240xf32, #tpu.memory_space<vmem_shared>>) offsets(%dma_start3A_71 : memref<80xi32, #tpu.memory_space<vmem>>) semaphore(%arg11 : memref<!tpu.dma_semaphore, #tpu.memory_space<semaphore_mem>>) {add = true}
      %mul3A_74 = arith.constant 10 : i32
      %mul3A_75 = arith.muli %scan3A_26, %mul3A_74 : i32
      %add3A_76 = arith.constant 5 : i32
      %add3A_77 = arith.addi %mul3A_75, %add3A_76 : i32
      %mul3A_78 = arith.constant 80 : i32
      %mul3A_79 = arith.muli %add3A_77, %mul3A_78 : i32
      %multiple_of3A_80 = tpu.assume_multiple %mul3A_79, 8 : i32
      %dma_start3A_81 = tpu.memref_slice %arg9[%multiple_of3A_80] : memref<20000xi32, #tpu.memory_space<vmem>> -> memref<80xi32, #tpu.memory_space<vmem>>
      %dma_start3A_82 = arith.constant 0 : i32
      %dma_start3A_83 = tpu.memref_slice %arg8[%dma_start3A_82] : memref<10240xf32, #tpu.memory_space<vmem_shared>> -> memref<10240xf32, #tpu.memory_space<vmem_shared>>
      tpu.enqueue_indirect_dma source(%arg10 : memref<80xf32, #tpu.memory_space<vmem>>) target(%dma_start3A_83 : memref<10240xf32, #tpu.memory_space<vmem_shared>>) offsets(%dma_start3A_81 : memref<80xi32, #tpu.memory_space<vmem>>) semaphore(%arg11 : memref<!tpu.dma_semaphore, #tpu.memory_space<semaphore_mem>>) {add = true}
      %mul3A_84 = arith.constant 10 : i32
      %mul3A_85 = arith.muli %scan3A_26, %mul3A_84 : i32
      %add3A_86 = arith.constant 6 : i32
      %add3A_87 = arith.addi %mul3A_85, %add3A_86 : i32
      %mul3A_88 = arith.constant 80 : i32
      %mul3A_89 = arith.muli %add3A_87, %mul3A_88 : i32
      %multiple_of3A_90 = tpu.assume_multiple %mul3A_89, 8 : i32
      %dma_start3A_91 = tpu.memref_slice %arg9[%multiple_of3A_90] : memref<20000xi32, #tpu.memory_space<vmem>> -> memref<80xi32, #tpu.memory_space<vmem>>
      %dma_start3A_92 = arith.constant 0 : i32
      %dma_start3A_93 = tpu.memref_slice %arg8[%dma_start3A_92] : memref<10240xf32, #tpu.memory_space<vmem_shared>> -> memref<10240xf32, #tpu.memory_space<vmem_shared>>
      tpu.enqueue_indirect_dma source(%arg10 : memref<80xf32, #tpu.memory_space<vmem>>) target(%dma_start3A_93 : memref<10240xf32, #tpu.memory_space<vmem_shared>>) offsets(%dma_start3A_91 : memref<80xi32, #tpu.memory_space<vmem>>) semaphore(%arg11 : memref<!tpu.dma_semaphore, #tpu.memory_space<semaphore_mem>>) {add = true}
      %mul3A_94 = arith.constant 10 : i32
      %mul3A_95 = arith.muli %scan3A_26, %mul3A_94 : i32
      %add3A_96 = arith.constant 7 : i32
      %add3A_97 = arith.addi %mul3A_95, %add3A_96 : i32
      %mul3A_98 = arith.constant 80 : i32
      %mul3A_99 = arith.muli %add3A_97, %mul3A_98 : i32
      %multiple_of3A_100 = tpu.assume_multiple %mul3A_99, 8 : i32
      %dma_start3A_101 = tpu.memref_slice %arg9[%multiple_of3A_100] : memref<20000xi32, #tpu.memory_space<vmem>> -> memref<80xi32, #tpu.memory_space<vmem>>
      %dma_start3A_102 = arith.constant 0 : i32
      %dma_start3A_103 = tpu.memref_slice %arg8[%dma_start3A_102] : memref<10240xf32, #tpu.memory_space<vmem_shared>> -> memref<10240xf32, #tpu.memory_space<vmem_shared>>
      tpu.enqueue_indirect_dma source(%arg10 : memref<80xf32, #tpu.memory_space<vmem>>) target(%dma_start3A_103 : memref<10240xf32, #tpu.memory_space<vmem_shared>>) offsets(%dma_start3A_101 : memref<80xi32, #tpu.memory_space<vmem>>) semaphore(%arg11 : memref<!tpu.dma_semaphore, #tpu.memory_space<semaphore_mem>>) {add = true}
      %mul3A_104 = arith.constant 10 : i32
      %mul3A_105 = arith.muli %scan3A_26, %mul3A_104 : i32
      %add3A_106 = arith.constant 8 : i32
      %add3A_107 = arith.addi %mul3A_105, %add3A_106 : i32
      %mul3A_108 = arith.constant 80 : i32
      %mul3A_109 = arith.muli %add3A_107, %mul3A_108 : i32
      %multiple_of3A_110 = tpu.assume_multiple %mul3A_109, 8 : i32
      %dma_start3A_111 = tpu.memref_slice %arg9[%multiple_of3A_110] : memref<20000xi32, #tpu.memory_space<vmem>> -> memref<80xi32, #tpu.memory_space<vmem>>
      %dma_start3A_112 = arith.constant 0 : i32
      %dma_start3A_113 = tpu.memref_slice %arg8[%dma_start3A_112] : memref<10240xf32, #tpu.memory_space<vmem_shared>> -> memref<10240xf32, #tpu.memory_space<vmem_shared>>
      tpu.enqueue_indirect_dma source(%arg10 : memref<80xf32, #tpu.memory_space<vmem>>) target(%dma_start3A_113 : memref<10240xf32, #tpu.memory_space<vmem_shared>>) offsets(%dma_start3A_111 : memref<80xi32, #tpu.memory_space<vmem>>) semaphore(%arg11 : memref<!tpu.dma_semaphore, #tpu.memory_space<semaphore_mem>>) {add = true}
      %mul3A_114 = arith.constant 10 : i32
      %mul3A_115 = arith.muli %scan3A_26, %mul3A_114 : i32
      %add3A_116 = arith.constant 9 : i32
      %add3A_117 = arith.addi %mul3A_115, %add3A_116 : i32
      %mul3A_118 = arith.constant 80 : i32
      %mul3A_119 = arith.muli %add3A_117, %mul3A_118 : i32
      %multiple_of3A_120 = tpu.assume_multiple %mul3A_119, 8 : i32
      %dma_start3A_121 = tpu.memref_slice %arg9[%multiple_of3A_120] : memref<20000xi32, #tpu.memory_space<vmem>> -> memref<80xi32, #tpu.memory_space<vmem>>
      %dma_start3A_122 = arith.constant 0 : i32
      %dma_start3A_123 = tpu.memref_slice %arg8[%dma_start3A_122] : memref<10240xf32, #tpu.memory_space<vmem_shared>> -> memref<10240xf32, #tpu.memory_space<vmem_shared>>
      tpu.enqueue_indirect_dma source(%arg10 : memref<80xf32, #tpu.memory_space<vmem>>) target(%dma_start3A_123 : memref<10240xf32, #tpu.memory_space<vmem_shared>>) offsets(%dma_start3A_121 : memref<80xi32, #tpu.memory_space<vmem>>) semaphore(%arg11 : memref<!tpu.dma_semaphore, #tpu.memory_space<semaphore_mem>>) {add = true}
      %dma_wait3A = arith.constant 0 : i32
      %dma_wait3A_124 = tpu.memref_slice %arg9[%dma_wait3A] : memref<20000xi32, #tpu.memory_space<vmem>> -> memref<80xi32, #tpu.memory_space<vmem>>
      %dma_wait3A_125 = arith.constant 0 : i32
      %dma_wait3A_126 = tpu.memref_slice %arg8[%dma_wait3A_125] : memref<10240xf32, #tpu.memory_space<vmem_shared>> -> memref<10240xf32, #tpu.memory_space<vmem_shared>>
      tpu.wait_indirect_dma semaphore(%arg11 : memref<!tpu.dma_semaphore, #tpu.memory_space<semaphore_mem>>) src(%arg10 : memref<80xf32, #tpu.memory_space<vmem>>) dst(%dma_wait3A_126 : memref<10240xf32, #tpu.memory_space<vmem_shared>>)
      %dma_wait3A_127 = arith.constant 0 : i32
      %dma_wait3A_128 = tpu.memref_slice %arg9[%dma_wait3A_127] : memref<20000xi32, #tpu.memory_space<vmem>> -> memref<80xi32, #tpu.memory_space<vmem>>
      %dma_wait3A_129 = arith.constant 0 : i32
      %dma_wait3A_130 = tpu.memref_slice %arg8[%dma_wait3A_129] : memref<10240xf32, #tpu.memory_space<vmem_shared>> -> memref<10240xf32, #tpu.memory_space<vmem_shared>>
      tpu.wait_indirect_dma semaphore(%arg11 : memref<!tpu.dma_semaphore, #tpu.memory_space<semaphore_mem>>) src(%arg10 : memref<80xf32, #tpu.memory_space<vmem>>) dst(%dma_wait3A_130 : memref<10240xf32, #tpu.memory_space<vmem_shared>>)
      %dma_wait3A_131 = arith.constant 0 : i32
      %dma_wait3A_132 = tpu.memref_slice %arg9[%dma_wait3A_131] : memref<20000xi32, #tpu.memory_space<vmem>> -> memref<80xi32, #tpu.memory_space<vmem>>
      %dma_wait3A_133 = arith.constant 0 : i32
      %dma_wait3A_134 = tpu.memref_slice %arg8[%dma_wait3A_133] : memref<10240xf32, #tpu.memory_space<vmem_shared>> -> memref<10240xf32, #tpu.memory_space<vmem_shared>>
      tpu.wait_indirect_dma semaphore(%arg11 : memref<!tpu.dma_semaphore, #tpu.memory_space<semaphore_mem>>) src(%arg10 : memref<80xf32, #tpu.memory_space<vmem>>) dst(%dma_wait3A_134 : memref<10240xf32, #tpu.memory_space<vmem_shared>>)
      %dma_wait3A_135 = arith.constant 0 : i32
      %dma_wait3A_136 = tpu.memref_slice %arg9[%dma_wait3A_135] : memref<20000xi32, #tpu.memory_space<vmem>> -> memref<80xi32, #tpu.memory_space<vmem>>
      %dma_wait3A_137 = arith.constant 0 : i32
      %dma_wait3A_138 = tpu.memref_slice %arg8[%dma_wait3A_137] : memref<10240xf32, #tpu.memory_space<vmem_shared>> -> memref<10240xf32, #tpu.memory_space<vmem_shared>>
      tpu.wait_indirect_dma semaphore(%arg11 : memref<!tpu.dma_semaphore, #tpu.memory_space<semaphore_mem>>) src(%arg10 : memref<80xf32, #tpu.memory_space<vmem>>) dst(%dma_wait3A_138 : memref<10240xf32, #tpu.memory_space<vmem_shared>>)
      %dma_wait3A_139 = arith.constant 0 : i32
      %dma_wait3A_140 = tpu.memref_slice %arg9[%dma_wait3A_139] : memref<20000xi32, #tpu.memory_space<vmem>> -> memref<80xi32, #tpu.memory_space<vmem>>
      %dma_wait3A_141 = arith.constant 0 : i32
      %dma_wait3A_142 = tpu.memref_slice %arg8[%dma_wait3A_141] : memref<10240xf32, #tpu.memory_space<vmem_shared>> -> memref<10240xf32, #tpu.memory_space<vmem_shared>>
      tpu.wait_indirect_dma semaphore(%arg11 : memref<!tpu.dma_semaphore, #tpu.memory_space<semaphore_mem>>) src(%arg10 : memref<80xf32, #tpu.memory_space<vmem>>) dst(%dma_wait3A_142 : memref<10240xf32, #tpu.memory_space<vmem_shared>>)
      %dma_wait3A_143 = arith.constant 0 : i32
      %dma_wait3A_144 = tpu.memref_slice %arg9[%dma_wait3A_143] : memref<20000xi32, #tpu.memory_space<vmem>> -> memref<80xi32, #tpu.memory_space<vmem>>
      %dma_wait3A_145 = arith.constant 0 : i32
      %dma_wait3A_146 = tpu.memref_slice %arg8[%dma_wait3A_145] : memref<10240xf32, #tpu.memory_space<vmem_shared>> -> memref<10240xf32, #tpu.memory_space<vmem_shared>>
      tpu.wait_indirect_dma semaphore(%arg11 : memref<!tpu.dma_semaphore, #tpu.memory_space<semaphore_mem>>) src(%arg10 : memref<80xf32, #tpu.memory_space<vmem>>) dst(%dma_wait3A_146 : memref<10240xf32, #tpu.memory_space<vmem_shared>>)
      %dma_wait3A_147 = arith.constant 0 : i32
      %dma_wait3A_148 = tpu.memref_slice %arg9[%dma_wait3A_147] : memref<20000xi32, #tpu.memory_space<vmem>> -> memref<80xi32, #tpu.memory_space<vmem>>
      %dma_wait3A_149 = arith.constant 0 : i32
      %dma_wait3A_150 = tpu.memref_slice %arg8[%dma_wait3A_149] : memref<10240xf32, #tpu.memory_space<vmem_shared>> -> memref<10240xf32, #tpu.memory_space<vmem_shared>>
      tpu.wait_indirect_dma semaphore(%arg11 : memref<!tpu.dma_semaphore, #tpu.memory_space<semaphore_mem>>) src(%arg10 : memref<80xf32, #tpu.memory_space<vmem>>) dst(%dma_wait3A_150 : memref<10240xf32, #tpu.memory_space<vmem_shared>>)
      %dma_wait3A_151 = arith.constant 0 : i32
      %dma_wait3A_152 = tpu.memref_slice %arg9[%dma_wait3A_151] : memref<20000xi32, #tpu.memory_space<vmem>> -> memref<80xi32, #tpu.memory_space<vmem>>
      %dma_wait3A_153 = arith.constant 0 : i32
      %dma_wait3A_154 = tpu.memref_slice %arg8[%dma_wait3A_153] : memref<10240xf32, #tpu.memory_space<vmem_shared>> -> memref<10240xf32, #tpu.memory_space<vmem_shared>>
      tpu.wait_indirect_dma semaphore(%arg11 : memref<!tpu.dma_semaphore, #tpu.memory_space<semaphore_mem>>) src(%arg10 : memref<80xf32, #tpu.memory_space<vmem>>) dst(%dma_wait3A_154 : memref<10240xf32, #tpu.memory_space<vmem_shared>>)
      %dma_wait3A_155 = arith.constant 0 : i32
      %dma_wait3A_156 = tpu.memref_slice %arg9[%dma_wait3A_155] : memref<20000xi32, #tpu.memory_space<vmem>> -> memref<80xi32, #tpu.memory_space<vmem>>
      %dma_wait3A_157 = arith.constant 0 : i32
      %dma_wait3A_158 = tpu.memref_slice %arg8[%dma_wait3A_157] : memref<10240xf32, #tpu.memory_space<vmem_shared>> -> memref<10240xf32, #tpu.memory_space<vmem_shared>>
      tpu.wait_indirect_dma semaphore(%arg11 : memref<!tpu.dma_semaphore, #tpu.memory_space<semaphore_mem>>) src(%arg10 : memref<80xf32, #tpu.memory_space<vmem>>) dst(%dma_wait3A_158 : memref<10240xf32, #tpu.memory_space<vmem_shared>>)
      %dma_wait3A_159 = arith.constant 0 : i32
      %dma_wait3A_160 = tpu.memref_slice %arg9[%dma_wait3A_159] : memref<20000xi32, #tpu.memory_space<vmem>> -> memref<80xi32, #tpu.memory_space<vmem>>
      %dma_wait3A_161 = arith.constant 0 : i32
      %dma_wait3A_162 = tpu.memref_slice %arg8[%dma_wait3A_161] : memref<10240xf32, #tpu.memory_space<vmem_shared>> -> memref<10240xf32, #tpu.memory_space<vmem_shared>>
      tpu.wait_indirect_dma semaphore(%arg11 : memref<!tpu.dma_semaphore, #tpu.memory_space<semaphore_mem>>) src(%arg10 : memref<80xf32, #tpu.memory_space<vmem>>) dst(%dma_wait3A_162 : memref<10240xf32, #tpu.memory_space<vmem_shared>>)
    }
    %scan3A_14 = arith.constant 25 : i32
    %barrier3A_15 = arith.constant 0 : index
    tpu.barrier barrier_id(%barrier3A_15)
    %eq3A_16 = arith.constant 0 : i32
    %eq3A_17 = arith.cmpi eq, %arg0, %eq3A_16 : i32
    %convert_element_type3A_18 = arith.extui %eq3A_17 : i1 to i32
    %cond3A_19 = arith.constant 0 : i32
    %cond3A_20 = arith.cmpi ne, %convert_element_type3A_18, %cond3A_19 : i32
    scf.if %cond3A_20 {
      "tpu.region"() ({
        %run_scoped3A = tpu.sem_alloc : memref<!tpu.dma_semaphore, #tpu.memory_space<semaphore_mem>>
        %dma_start3A = tpu.memref_slice %arg6[%mul3A_0] : memref<10240xf32, #tpu.memory_space<hbm>> -> memref<640xf32, #tpu.memory_space<hbm>>
        %dma_start3A_26 = tpu.memref_slice %arg8[%mul3A_0] : memref<10240xf32, #tpu.memory_space<vmem_shared>> -> memref<640xf32, #tpu.memory_space<vmem_shared>>
        tpu.enqueue_dma source(%dma_start3A_26 : memref<640xf32, #tpu.memory_space<vmem_shared>>) target(%dma_start3A : memref<640xf32, #tpu.memory_space<hbm>>) target_semaphore(%run_scoped3A : memref<!tpu.dma_semaphore, #tpu.memory_space<semaphore_mem>>)
        %dma_wait3A = tpu.memref_slice %arg6[%mul3A_0] : memref<10240xf32, #tpu.memory_space<hbm>> -> memref<640xf32, #tpu.memory_space<hbm>>
        %dma_wait3A_27 = tpu.memref_slice %arg8[%mul3A_0] : memref<10240xf32, #tpu.memory_space<vmem_shared>> -> memref<640xf32, #tpu.memory_space<vmem_shared>>
        tpu.wait_dma2 semaphore(%run_scoped3A : memref<!tpu.dma_semaphore, #tpu.memory_space<semaphore_mem>>) src(%dma_wait3A_27 : memref<640xf32, #tpu.memory_space<vmem_shared>>) dst(%dma_wait3A : memref<640xf32, #tpu.memory_space<hbm>>)
        tpu.yield
      }) : () -> ()
    } else {
    }
    %eq3A_21 = arith.constant 1 : i32
    %eq3A_22 = arith.cmpi eq, %arg0, %eq3A_21 : i32
    %convert_element_type3A_23 = arith.extui %eq3A_22 : i1 to i32
    %cond3A_24 = arith.constant 0 : i32
    %cond3A_25 = arith.cmpi ne, %convert_element_type3A_23, %cond3A_24 : i32
    scf.if %cond3A_25 {
      "tpu.region"() ({
        %run_scoped3A = tpu.sem_alloc : memref<!tpu.dma_semaphore, #tpu.memory_space<semaphore_mem>>
        %dma_start3A = tpu.memref_slice %arg7[%mul3A_0] : memref<10240xf32, #tpu.memory_space<hbm>> -> memref<640xf32, #tpu.memory_space<hbm>>
        %dma_start3A_26 = tpu.memref_slice %arg8[%mul3A_0] : memref<10240xf32, #tpu.memory_space<vmem_shared>> -> memref<640xf32, #tpu.memory_space<vmem_shared>>
        tpu.enqueue_dma source(%dma_start3A_26 : memref<640xf32, #tpu.memory_space<vmem_shared>>) target(%dma_start3A : memref<640xf32, #tpu.memory_space<hbm>>) target_semaphore(%run_scoped3A : memref<!tpu.dma_semaphore, #tpu.memory_space<semaphore_mem>>)
        %dma_wait3A = tpu.memref_slice %arg7[%mul3A_0] : memref<10240xf32, #tpu.memory_space<hbm>> -> memref<640xf32, #tpu.memory_space<hbm>>
        %dma_wait3A_27 = tpu.memref_slice %arg8[%mul3A_0] : memref<10240xf32, #tpu.memory_space<vmem_shared>> -> memref<640xf32, #tpu.memory_space<vmem_shared>>
        tpu.wait_dma2 semaphore(%run_scoped3A : memref<!tpu.dma_semaphore, #tpu.memory_space<semaphore_mem>>) src(%dma_wait3A_27 : memref<640xf32, #tpu.memory_space<vmem_shared>>) dst(%dma_wait3A : memref<640xf32, #tpu.memory_space<hbm>>)
        tpu.yield
      }) : () -> ()
    } else {
    }
    return
  }
}

#map = affine_map<(d0, d1) -> (0, 0)>
#map1 = affine_map<(d0, d1) -> (0)>
#map2 = affine_map<(d0, d1) -> (0, 0, 0)>
module attributes {stable_mosaic.version = 14 : i64} {
  func.func @agg_kernel(%arg0: i32, %arg1: i32, %arg2: memref<10000x128xf32, #tpu.memory_space<hbm>>, %arg3: memref<320000xi32, #tpu.memory_space<hbm>>, %arg4: memref<320000xi32, #tpu.memory_space<hbm>>, %arg5: memref<10240x128xf32, #tpu.memory_space<hbm>>, %arg6: memref<2x10240x128xf32, #tpu.memory_space<hbm>>, %arg7: memref<10240x128xf32, #tpu.memory_space<vmem_shared>>, %arg8: memref<10000xi32, #tpu.memory_space<vmem>>, %arg9: memref<10000xi32, #tpu.memory_space<vmem>>, %arg10: memref<80x128xf32, #tpu.memory_space<vmem>>, %arg11: memref<80x128xf32, #tpu.memory_space<vmem>>, %arg12: memref<!tpu.dma_semaphore, #tpu.memory_space<semaphore_mem>>, %arg13: memref<!tpu.dma_semaphore, #tpu.memory_space<semaphore_mem>>, %arg14: memref<!tpu.dma_semaphore, #tpu.memory_space<semaphore_mem>>, %arg15: memref<!tpu.dma_semaphore, #tpu.memory_space<semaphore_mem>>) attributes {dimension_semantics = [#tpu.dimension_semantics<core_parallel>, #tpu.dimension_semantics<subcore_parallel>], iteration_bounds = array<i64: 2, 16>, scalar_prefetch = 0 : i64, scratch_operands = 9 : i64, tpu.core_type = #tpu.core_type<sc_vector_subcore>, window_params = [{transform_indices = #map}, {transform_indices = #map1}, {transform_indices = #map1}, {transform_indices = #map}, {transform_indices = #map2}]} {
    %mul3A = arith.constant 640 : i32
    %mul3A_0 = arith.muli %arg1, %mul3A : i32
    "tpu.region"() ({
      %run_scoped3A = tpu.sem_alloc : memref<!tpu.dma_semaphore, #tpu.memory_space<semaphore_mem>>
      %dma_start3A_27 = arith.constant 0 : i32
      %dma_start3A_28 = tpu.memref_slice %arg7[%mul3A_0, %dma_start3A_27] : memref<10240x128xf32, #tpu.memory_space<vmem_shared>> -> memref<640x128xf32, #tpu.memory_space<vmem_shared>>
      %dma_start3A_29 = arith.constant 0 : i32
      %dma_start3A_30 = tpu.memref_slice %arg5[%mul3A_0, %dma_start3A_29] : memref<10240x128xf32, #tpu.memory_space<hbm>> -> memref<640x128xf32, #tpu.memory_space<hbm>>
      tpu.enqueue_dma source(%dma_start3A_30 : memref<640x128xf32, #tpu.memory_space<hbm>>) target(%dma_start3A_28 : memref<640x128xf32, #tpu.memory_space<vmem_shared>>) target_semaphore(%run_scoped3A : memref<!tpu.dma_semaphore, #tpu.memory_space<semaphore_mem>>)
      %dma_wait3A_31 = arith.constant 0 : i32
      %dma_wait3A_32 = tpu.memref_slice %arg7[%mul3A_0, %dma_wait3A_31] : memref<10240x128xf32, #tpu.memory_space<vmem_shared>> -> memref<640x128xf32, #tpu.memory_space<vmem_shared>>
      %dma_wait3A_33 = arith.constant 0 : i32
      %dma_wait3A_34 = tpu.memref_slice %arg5[%mul3A_0, %dma_wait3A_33] : memref<10240x128xf32, #tpu.memory_space<hbm>> -> memref<640x128xf32, #tpu.memory_space<hbm>>
      tpu.wait_dma2 semaphore(%run_scoped3A : memref<!tpu.dma_semaphore, #tpu.memory_space<semaphore_mem>>) src(%dma_wait3A_34 : memref<640x128xf32, #tpu.memory_space<hbm>>) dst(%dma_wait3A_32 : memref<640x128xf32, #tpu.memory_space<vmem_shared>>)
      tpu.yield
    }) : () -> ()
    %mul3A_1 = arith.constant 16 : i32
    %mul3A_2 = arith.muli %arg0, %mul3A_1 : i32
    %add3A = arith.addi %mul3A_2, %arg1 : i32
    %mul3A_3 = arith.constant 10000 : i32
    %mul3A_4 = arith.muli %add3A, %mul3A_3 : i32
    "tpu.region"() ({
      %run_scoped3A = tpu.sem_alloc : memref<!tpu.dma_semaphore, #tpu.memory_space<semaphore_mem>>
      %dma_start3A_27 = tpu.memref_slice %arg3[%mul3A_4] : memref<320000xi32, #tpu.memory_space<hbm>> -> memref<10000xi32, #tpu.memory_space<hbm>>
      %dma_start3A_28 = tpu.memref_slice %arg3[%mul3A_4] : memref<320000xi32, #tpu.memory_space<hbm>> -> memref<10000xi32, #tpu.memory_space<hbm>>
      tpu.enqueue_dma source(%dma_start3A_28 : memref<10000xi32, #tpu.memory_space<hbm>>) target(%arg8 : memref<10000xi32, #tpu.memory_space<vmem>>) target_semaphore(%run_scoped3A : memref<!tpu.dma_semaphore, #tpu.memory_space<semaphore_mem>>)
      %dma_wait3A_29 = tpu.memref_slice %arg3[%mul3A_4] : memref<320000xi32, #tpu.memory_space<hbm>> -> memref<10000xi32, #tpu.memory_space<hbm>>
      %dma_wait3A_30 = tpu.memref_slice %arg3[%mul3A_4] : memref<320000xi32, #tpu.memory_space<hbm>> -> memref<10000xi32, #tpu.memory_space<hbm>>
      tpu.wait_dma2 semaphore(%run_scoped3A : memref<!tpu.dma_semaphore, #tpu.memory_space<semaphore_mem>>) src(%dma_wait3A_30 : memref<10000xi32, #tpu.memory_space<hbm>>) dst(%arg8 : memref<10000xi32, #tpu.memory_space<vmem>>)
      tpu.yield
    }) : () -> ()
    "tpu.region"() ({
      %run_scoped3A = tpu.sem_alloc : memref<!tpu.dma_semaphore, #tpu.memory_space<semaphore_mem>>
      %dma_start3A_27 = tpu.memref_slice %arg4[%mul3A_4] : memref<320000xi32, #tpu.memory_space<hbm>> -> memref<10000xi32, #tpu.memory_space<hbm>>
      %dma_start3A_28 = tpu.memref_slice %arg4[%mul3A_4] : memref<320000xi32, #tpu.memory_space<hbm>> -> memref<10000xi32, #tpu.memory_space<hbm>>
      tpu.enqueue_dma source(%dma_start3A_28 : memref<10000xi32, #tpu.memory_space<hbm>>) target(%arg9 : memref<10000xi32, #tpu.memory_space<vmem>>) target_semaphore(%run_scoped3A : memref<!tpu.dma_semaphore, #tpu.memory_space<semaphore_mem>>)
      %dma_wait3A_29 = tpu.memref_slice %arg4[%mul3A_4] : memref<320000xi32, #tpu.memory_space<hbm>> -> memref<10000xi32, #tpu.memory_space<hbm>>
      %dma_wait3A_30 = tpu.memref_slice %arg4[%mul3A_4] : memref<320000xi32, #tpu.memory_space<hbm>> -> memref<10000xi32, #tpu.memory_space<hbm>>
      tpu.wait_dma2 semaphore(%run_scoped3A : memref<!tpu.dma_semaphore, #tpu.memory_space<semaphore_mem>>) src(%dma_wait3A_30 : memref<10000xi32, #tpu.memory_space<hbm>>) dst(%arg9 : memref<10000xi32, #tpu.memory_space<vmem>>)
      tpu.yield
    }) : () -> ()
    %barrier3A = arith.constant 0 : index
    tpu.barrier barrier_id(%barrier3A)
    %multiple_of3A = arith.constant 0 : i32
    %multiple_of3A_5 = tpu.assume_multiple %multiple_of3A, 8 : i32
    %dma_start3A = tpu.memref_slice %arg8[%multiple_of3A_5] : memref<10000xi32, #tpu.memory_space<vmem>> -> memref<80xi32, #tpu.memory_space<vmem>>
    %dma_start3A_6 = arith.constant 0 : i32
    %dma_start3A_7 = arith.constant 0 : i32
    %dma_start3A_8 = tpu.memref_slice %arg2[%dma_start3A_6, %dma_start3A_7] : memref<10000x128xf32, #tpu.memory_space<hbm>> -> memref<10000x128xf32, #tpu.memory_space<hbm>>
    tpu.enqueue_indirect_dma source(%dma_start3A_8 : memref<10000x128xf32, #tpu.memory_space<hbm>>) target(%arg10 : memref<80x128xf32, #tpu.memory_space<vmem>>) offsets(%dma_start3A : memref<80xi32, #tpu.memory_space<vmem>>) semaphore(%arg12 : memref<!tpu.dma_semaphore, #tpu.memory_space<semaphore_mem>>)
    %scan3A = arith.constant 0 : i32
    %scan3A_9 = arith.constant 0 : i32
    %scan3A_10 = arith.constant 125 : i32
    %scan3A_11 = arith.addi %scan3A_9, %scan3A_10 : i32
    %scan3A_12 = arith.constant 1 : i32
    scf.for %scan3A_27 = %scan3A_9 to %scan3A_11 step %scan3A_12  : i32 {
      %jit3A = arith.constant 2 : i32
      %eq3A_28 = arith.constant 0 : i32
      %eq3A_29 = arith.cmpi eq, %jit3A, %eq3A_28 : i32
      %jit3A_30 = arith.constant 1 : i32
      %select_n3A = arith.select %eq3A_29, %jit3A_30, %jit3A : i32
      %rem3A = arith.remsi %scan3A_27, %select_n3A : i32
      %ne3A = arith.constant 0 : i32
      %ne3A_31 = arith.cmpi ne, %rem3A, %ne3A : i32
      %lt3A = arith.constant 0 : i32
      %lt3A_32 = arith.cmpi slt, %rem3A, %lt3A : i32
      %lt3A_33 = arith.constant 0 : i32
      %lt3A_34 = arith.cmpi slt, %select_n3A, %lt3A_33 : i32
      %ne3A_35 = arith.xori %lt3A_32, %lt3A_34 : i1
      %and3A = arith.andi %ne3A_35, %ne3A_31 : i1
      %add3A_36 = arith.addi %rem3A, %select_n3A : i32
      %select_n3A_37 = arith.select %and3A, %add3A_36, %rem3A : i32
      %eq3A_38 = arith.constant 0 : i32
      %eq3A_39 = arith.cmpi eq, %select_n3A_37, %eq3A_38 : i32
      %convert_element_type3A_40 = arith.extui %eq3A_39 : i1 to i32
      %cond3A_41 = arith.constant 0 : i32
      %cond3A_42 = arith.cmpi ne, %convert_element_type3A_40, %cond3A_41 : i32
      scf.if %cond3A_42 {
        %mul3A_64 = arith.constant 80 : i32
        %mul3A_65 = arith.muli %scan3A_27, %mul3A_64 : i32
        %multiple_of3A_66 = tpu.assume_multiple %mul3A_65, 8 : i32
        %dma_wait3A_67 = tpu.memref_slice %arg8[%multiple_of3A_66] : memref<10000xi32, #tpu.memory_space<vmem>> -> memref<80xi32, #tpu.memory_space<vmem>>
        %dma_wait3A_68 = arith.constant 0 : i32
        %dma_wait3A_69 = arith.constant 0 : i32
        %dma_wait3A_70 = tpu.memref_slice %arg2[%dma_wait3A_68, %dma_wait3A_69] : memref<10000x128xf32, #tpu.memory_space<hbm>> -> memref<10000x128xf32, #tpu.memory_space<hbm>>
        tpu.wait_indirect_dma semaphore(%arg12 : memref<!tpu.dma_semaphore, #tpu.memory_space<semaphore_mem>>) src(%dma_wait3A_70 : memref<10000x128xf32, #tpu.memory_space<hbm>>) dst(%arg10 : memref<80x128xf32, #tpu.memory_space<vmem>>)
        %ge3A = arith.constant 1 : i32
        %ge3A_71 = arith.cmpi sge, %scan3A_27, %ge3A : i32
        %convert_element_type3A_72 = arith.extui %ge3A_71 : i1 to i32
        %cond3A_73 = arith.constant 0 : i32
        %cond3A_74 = arith.cmpi ne, %convert_element_type3A_72, %cond3A_73 : i32
        scf.if %cond3A_74 {
          %sub3A = arith.constant 1 : i32
          %sub3A_89 = arith.subi %scan3A_27, %sub3A : i32
          %mul3A_90 = arith.constant 80 : i32
          %mul3A_91 = arith.muli %sub3A_89, %mul3A_90 : i32
          %multiple_of3A_92 = tpu.assume_multiple %mul3A_91, 8 : i32
          %dma_wait3A_93 = tpu.memref_slice %arg9[%multiple_of3A_92] : memref<10000xi32, #tpu.memory_space<vmem>> -> memref<80xi32, #tpu.memory_space<vmem>>
          %dma_wait3A_94 = arith.constant 0 : i32
          %dma_wait3A_95 = arith.constant 0 : i32
          %dma_wait3A_96 = tpu.memref_slice %arg7[%dma_wait3A_94, %dma_wait3A_95] : memref<10240x128xf32, #tpu.memory_space<vmem_shared>> -> memref<10240x128xf32, #tpu.memory_space<vmem_shared>>
          tpu.wait_indirect_dma semaphore(%arg15 : memref<!tpu.dma_semaphore, #tpu.memory_space<semaphore_mem>>) src(%arg11 : memref<80x128xf32, #tpu.memory_space<vmem>>) dst(%dma_wait3A_96 : memref<10240x128xf32, #tpu.memory_space<vmem_shared>>)
        } else {
        }
        %add3A_75 = arith.constant 1 : i32
        %add3A_76 = arith.addi %scan3A_27, %add3A_75 : i32
        %lt3A_77 = arith.constant 125 : i32
        %lt3A_78 = arith.cmpi slt, %add3A_76, %lt3A_77 : i32
        %convert_element_type3A_79 = arith.extui %lt3A_78 : i1 to i32
        %cond3A_80 = arith.constant 0 : i32
        %cond3A_81 = arith.cmpi ne, %convert_element_type3A_79, %cond3A_80 : i32
        scf.if %cond3A_81 {
          %add3A_89 = arith.constant 1 : i32
          %add3A_90 = arith.addi %scan3A_27, %add3A_89 : i32
          %mul3A_91 = arith.constant 80 : i32
          %mul3A_92 = arith.muli %add3A_90, %mul3A_91 : i32
          %multiple_of3A_93 = tpu.assume_multiple %mul3A_92, 8 : i32
          %dma_start3A_94 = tpu.memref_slice %arg8[%multiple_of3A_93] : memref<10000xi32, #tpu.memory_space<vmem>> -> memref<80xi32, #tpu.memory_space<vmem>>
          %dma_start3A_95 = arith.constant 0 : i32
          %dma_start3A_96 = arith.constant 0 : i32
          %dma_start3A_97 = tpu.memref_slice %arg2[%dma_start3A_95, %dma_start3A_96] : memref<10000x128xf32, #tpu.memory_space<hbm>> -> memref<10000x128xf32, #tpu.memory_space<hbm>>
          tpu.enqueue_indirect_dma source(%dma_start3A_97 : memref<10000x128xf32, #tpu.memory_space<hbm>>) target(%arg11 : memref<80x128xf32, #tpu.memory_space<vmem>>) offsets(%dma_start3A_94 : memref<80xi32, #tpu.memory_space<vmem>>) semaphore(%arg13 : memref<!tpu.dma_semaphore, #tpu.memory_space<semaphore_mem>>)
        } else {
        }
        %mul3A_82 = arith.constant 80 : i32
        %mul3A_83 = arith.muli %scan3A_27, %mul3A_82 : i32
        %multiple_of3A_84 = tpu.assume_multiple %mul3A_83, 8 : i32
        %dma_start3A_85 = tpu.memref_slice %arg9[%multiple_of3A_84] : memref<10000xi32, #tpu.memory_space<vmem>> -> memref<80xi32, #tpu.memory_space<vmem>>
        %dma_start3A_86 = arith.constant 0 : i32
        %dma_start3A_87 = arith.constant 0 : i32
        %dma_start3A_88 = tpu.memref_slice %arg7[%dma_start3A_86, %dma_start3A_87] : memref<10240x128xf32, #tpu.memory_space<vmem_shared>> -> memref<10240x128xf32, #tpu.memory_space<vmem_shared>>
        tpu.enqueue_indirect_dma source(%arg10 : memref<80x128xf32, #tpu.memory_space<vmem>>) target(%dma_start3A_88 : memref<10240x128xf32, #tpu.memory_space<vmem_shared>>) offsets(%dma_start3A_85 : memref<80xi32, #tpu.memory_space<vmem>>) semaphore(%arg14 : memref<!tpu.dma_semaphore, #tpu.memory_space<semaphore_mem>>) {add = true}
      } else {
      }
      %jit3A_43 = arith.constant 2 : i32
      %eq3A_44 = arith.constant 0 : i32
      %eq3A_45 = arith.cmpi eq, %jit3A_43, %eq3A_44 : i32
      %jit3A_46 = arith.constant 1 : i32
      %select_n3A_47 = arith.select %eq3A_45, %jit3A_46, %jit3A_43 : i32
      %rem3A_48 = arith.remsi %scan3A_27, %select_n3A_47 : i32
      %ne3A_49 = arith.constant 0 : i32
      %ne3A_50 = arith.cmpi ne, %rem3A_48, %ne3A_49 : i32
      %lt3A_51 = arith.constant 0 : i32
      %lt3A_52 = arith.cmpi slt, %rem3A_48, %lt3A_51 : i32
      %lt3A_53 = arith.constant 0 : i32
      %lt3A_54 = arith.cmpi slt, %select_n3A_47, %lt3A_53 : i32
      %ne3A_55 = arith.xori %lt3A_52, %lt3A_54 : i1
      %and3A_56 = arith.andi %ne3A_55, %ne3A_50 : i1
      %add3A_57 = arith.addi %rem3A_48, %select_n3A_47 : i32
      %select_n3A_58 = arith.select %and3A_56, %add3A_57, %rem3A_48 : i32
      %eq3A_59 = arith.constant 1 : i32
      %eq3A_60 = arith.cmpi eq, %select_n3A_58, %eq3A_59 : i32
      %convert_element_type3A_61 = arith.extui %eq3A_60 : i1 to i32
      %cond3A_62 = arith.constant 0 : i32
      %cond3A_63 = arith.cmpi ne, %convert_element_type3A_61, %cond3A_62 : i32
      scf.if %cond3A_63 {
        %mul3A_64 = arith.constant 80 : i32
        %mul3A_65 = arith.muli %scan3A_27, %mul3A_64 : i32
        %multiple_of3A_66 = tpu.assume_multiple %mul3A_65, 8 : i32
        %dma_wait3A_67 = tpu.memref_slice %arg8[%multiple_of3A_66] : memref<10000xi32, #tpu.memory_space<vmem>> -> memref<80xi32, #tpu.memory_space<vmem>>
        %dma_wait3A_68 = arith.constant 0 : i32
        %dma_wait3A_69 = arith.constant 0 : i32
        %dma_wait3A_70 = tpu.memref_slice %arg2[%dma_wait3A_68, %dma_wait3A_69] : memref<10000x128xf32, #tpu.memory_space<hbm>> -> memref<10000x128xf32, #tpu.memory_space<hbm>>
        tpu.wait_indirect_dma semaphore(%arg13 : memref<!tpu.dma_semaphore, #tpu.memory_space<semaphore_mem>>) src(%dma_wait3A_70 : memref<10000x128xf32, #tpu.memory_space<hbm>>) dst(%arg11 : memref<80x128xf32, #tpu.memory_space<vmem>>)
        %ge3A = arith.constant 1 : i32
        %ge3A_71 = arith.cmpi sge, %scan3A_27, %ge3A : i32
        %convert_element_type3A_72 = arith.extui %ge3A_71 : i1 to i32
        %cond3A_73 = arith.constant 0 : i32
        %cond3A_74 = arith.cmpi ne, %convert_element_type3A_72, %cond3A_73 : i32
        scf.if %cond3A_74 {
          %sub3A = arith.constant 1 : i32
          %sub3A_89 = arith.subi %scan3A_27, %sub3A : i32
          %mul3A_90 = arith.constant 80 : i32
          %mul3A_91 = arith.muli %sub3A_89, %mul3A_90 : i32
          %multiple_of3A_92 = tpu.assume_multiple %mul3A_91, 8 : i32
          %dma_wait3A_93 = tpu.memref_slice %arg9[%multiple_of3A_92] : memref<10000xi32, #tpu.memory_space<vmem>> -> memref<80xi32, #tpu.memory_space<vmem>>
          %dma_wait3A_94 = arith.constant 0 : i32
          %dma_wait3A_95 = arith.constant 0 : i32
          %dma_wait3A_96 = tpu.memref_slice %arg7[%dma_wait3A_94, %dma_wait3A_95] : memref<10240x128xf32, #tpu.memory_space<vmem_shared>> -> memref<10240x128xf32, #tpu.memory_space<vmem_shared>>
          tpu.wait_indirect_dma semaphore(%arg14 : memref<!tpu.dma_semaphore, #tpu.memory_space<semaphore_mem>>) src(%arg10 : memref<80x128xf32, #tpu.memory_space<vmem>>) dst(%dma_wait3A_96 : memref<10240x128xf32, #tpu.memory_space<vmem_shared>>)
        } else {
        }
        %add3A_75 = arith.constant 1 : i32
        %add3A_76 = arith.addi %scan3A_27, %add3A_75 : i32
        %lt3A_77 = arith.constant 125 : i32
        %lt3A_78 = arith.cmpi slt, %add3A_76, %lt3A_77 : i32
        %convert_element_type3A_79 = arith.extui %lt3A_78 : i1 to i32
        %cond3A_80 = arith.constant 0 : i32
        %cond3A_81 = arith.cmpi ne, %convert_element_type3A_79, %cond3A_80 : i32
        scf.if %cond3A_81 {
          %add3A_89 = arith.constant 1 : i32
          %add3A_90 = arith.addi %scan3A_27, %add3A_89 : i32
          %mul3A_91 = arith.constant 80 : i32
          %mul3A_92 = arith.muli %add3A_90, %mul3A_91 : i32
          %multiple_of3A_93 = tpu.assume_multiple %mul3A_92, 8 : i32
          %dma_start3A_94 = tpu.memref_slice %arg8[%multiple_of3A_93] : memref<10000xi32, #tpu.memory_space<vmem>> -> memref<80xi32, #tpu.memory_space<vmem>>
          %dma_start3A_95 = arith.constant 0 : i32
          %dma_start3A_96 = arith.constant 0 : i32
          %dma_start3A_97 = tpu.memref_slice %arg2[%dma_start3A_95, %dma_start3A_96] : memref<10000x128xf32, #tpu.memory_space<hbm>> -> memref<10000x128xf32, #tpu.memory_space<hbm>>
          tpu.enqueue_indirect_dma source(%dma_start3A_97 : memref<10000x128xf32, #tpu.memory_space<hbm>>) target(%arg10 : memref<80x128xf32, #tpu.memory_space<vmem>>) offsets(%dma_start3A_94 : memref<80xi32, #tpu.memory_space<vmem>>) semaphore(%arg12 : memref<!tpu.dma_semaphore, #tpu.memory_space<semaphore_mem>>)
        } else {
        }
        %mul3A_82 = arith.constant 80 : i32
        %mul3A_83 = arith.muli %scan3A_27, %mul3A_82 : i32
        %multiple_of3A_84 = tpu.assume_multiple %mul3A_83, 8 : i32
        %dma_start3A_85 = tpu.memref_slice %arg9[%multiple_of3A_84] : memref<10000xi32, #tpu.memory_space<vmem>> -> memref<80xi32, #tpu.memory_space<vmem>>
        %dma_start3A_86 = arith.constant 0 : i32
        %dma_start3A_87 = arith.constant 0 : i32
        %dma_start3A_88 = tpu.memref_slice %arg7[%dma_start3A_86, %dma_start3A_87] : memref<10240x128xf32, #tpu.memory_space<vmem_shared>> -> memref<10240x128xf32, #tpu.memory_space<vmem_shared>>
        tpu.enqueue_indirect_dma source(%arg11 : memref<80x128xf32, #tpu.memory_space<vmem>>) target(%dma_start3A_88 : memref<10240x128xf32, #tpu.memory_space<vmem_shared>>) offsets(%dma_start3A_85 : memref<80xi32, #tpu.memory_space<vmem>>) semaphore(%arg15 : memref<!tpu.dma_semaphore, #tpu.memory_space<semaphore_mem>>) {add = true}
      } else {
      }
    }
    %scan3A_13 = arith.constant 125 : i32
    %multiple_of3A_14 = arith.constant 9920 : i32
    %multiple_of3A_15 = tpu.assume_multiple %multiple_of3A_14, 8 : i32
    %dma_wait3A = tpu.memref_slice %arg9[%multiple_of3A_15] : memref<10000xi32, #tpu.memory_space<vmem>> -> memref<80xi32, #tpu.memory_space<vmem>>
    %dma_wait3A_16 = arith.constant 0 : i32
    %dma_wait3A_17 = arith.constant 0 : i32
    %dma_wait3A_18 = tpu.memref_slice %arg7[%dma_wait3A_16, %dma_wait3A_17] : memref<10240x128xf32, #tpu.memory_space<vmem_shared>> -> memref<10240x128xf32, #tpu.memory_space<vmem_shared>>
    tpu.wait_indirect_dma semaphore(%arg14 : memref<!tpu.dma_semaphore, #tpu.memory_space<semaphore_mem>>) src(%arg10 : memref<80x128xf32, #tpu.memory_space<vmem>>) dst(%dma_wait3A_18 : memref<10240x128xf32, #tpu.memory_space<vmem_shared>>)
    %barrier3A_19 = arith.constant 0 : index
    tpu.barrier barrier_id(%barrier3A_19)
    %eq3A = arith.constant 0 : i32
    %eq3A_20 = arith.cmpi eq, %arg0, %eq3A : i32
    %convert_element_type3A = arith.extui %eq3A_20 : i1 to i32
    %cond3A = arith.constant 0 : i32
    %cond3A_21 = arith.cmpi ne, %convert_element_type3A, %cond3A : i32
    scf.if %cond3A_21 {
      %run_scoped3A = arith.constant 0 : i32
      "tpu.region"() ({
        %run_scoped3A_27 = tpu.sem_alloc : memref<!tpu.dma_semaphore, #tpu.memory_space<semaphore_mem>>
        %dma_start3A_28 = arith.constant 0 : i32
        %dma_start3A_29 = tpu.memref_slice %arg6[%run_scoped3A, %mul3A_0, %dma_start3A_28] : memref<2x10240x128xf32, #tpu.memory_space<hbm>> -> memref<1x640x128xf32, #tpu.memory_space<hbm>>
        %dma_start3A_30 = tpu.memref_squeeze %dma_start3A_29 : memref<1x640x128xf32, #tpu.memory_space<hbm>> -> memref<640x128xf32, #tpu.memory_space<hbm>>
        %dma_start3A_31 = arith.constant 0 : i32
        %dma_start3A_32 = tpu.memref_slice %arg7[%mul3A_0, %dma_start3A_31] : memref<10240x128xf32, #tpu.memory_space<vmem_shared>> -> memref<640x128xf32, #tpu.memory_space<vmem_shared>>
        tpu.enqueue_dma source(%dma_start3A_32 : memref<640x128xf32, #tpu.memory_space<vmem_shared>>) target(%dma_start3A_30 : memref<640x128xf32, #tpu.memory_space<hbm>>) target_semaphore(%run_scoped3A_27 : memref<!tpu.dma_semaphore, #tpu.memory_space<semaphore_mem>>)
        %dma_wait3A_33 = arith.constant 0 : i32
        %dma_wait3A_34 = tpu.memref_slice %arg6[%run_scoped3A, %mul3A_0, %dma_wait3A_33] : memref<2x10240x128xf32, #tpu.memory_space<hbm>> -> memref<1x640x128xf32, #tpu.memory_space<hbm>>
        %dma_wait3A_35 = tpu.memref_squeeze %dma_wait3A_34 : memref<1x640x128xf32, #tpu.memory_space<hbm>> -> memref<640x128xf32, #tpu.memory_space<hbm>>
        %dma_wait3A_36 = arith.constant 0 : i32
        %dma_wait3A_37 = tpu.memref_slice %arg7[%mul3A_0, %dma_wait3A_36] : memref<10240x128xf32, #tpu.memory_space<vmem_shared>> -> memref<640x128xf32, #tpu.memory_space<vmem_shared>>
        tpu.wait_dma2 semaphore(%run_scoped3A_27 : memref<!tpu.dma_semaphore, #tpu.memory_space<semaphore_mem>>) src(%dma_wait3A_37 : memref<640x128xf32, #tpu.memory_space<vmem_shared>>) dst(%dma_wait3A_35 : memref<640x128xf32, #tpu.memory_space<hbm>>)
        tpu.yield
      }) : () -> ()
    } else {
    }
    %eq3A_22 = arith.constant 1 : i32
    %eq3A_23 = arith.cmpi eq, %arg0, %eq3A_22 : i32
    %convert_element_type3A_24 = arith.extui %eq3A_23 : i1 to i32
    %cond3A_25 = arith.constant 0 : i32
    %cond3A_26 = arith.cmpi ne, %convert_element_type3A_24, %cond3A_25 : i32
    scf.if %cond3A_26 {
      %run_scoped3A = arith.constant 1 : i32
      "tpu.region"() ({
        %run_scoped3A_27 = tpu.sem_alloc : memref<!tpu.dma_semaphore, #tpu.memory_space<semaphore_mem>>
        %dma_start3A_28 = arith.constant 0 : i32
        %dma_start3A_29 = tpu.memref_slice %arg6[%run_scoped3A, %mul3A_0, %dma_start3A_28] : memref<2x10240x128xf32, #tpu.memory_space<hbm>> -> memref<1x640x128xf32, #tpu.memory_space<hbm>>
        %dma_start3A_30 = tpu.memref_squeeze %dma_start3A_29 : memref<1x640x128xf32, #tpu.memory_space<hbm>> -> memref<640x128xf32, #tpu.memory_space<hbm>>
        %dma_start3A_31 = arith.constant 0 : i32
        %dma_start3A_32 = tpu.memref_slice %arg7[%mul3A_0, %dma_start3A_31] : memref<10240x128xf32, #tpu.memory_space<vmem_shared>> -> memref<640x128xf32, #tpu.memory_space<vmem_shared>>
        tpu.enqueue_dma source(%dma_start3A_32 : memref<640x128xf32, #tpu.memory_space<vmem_shared>>) target(%dma_start3A_30 : memref<640x128xf32, #tpu.memory_space<hbm>>) target_semaphore(%run_scoped3A_27 : memref<!tpu.dma_semaphore, #tpu.memory_space<semaphore_mem>>)
        %dma_wait3A_33 = arith.constant 0 : i32
        %dma_wait3A_34 = tpu.memref_slice %arg6[%run_scoped3A, %mul3A_0, %dma_wait3A_33] : memref<2x10240x128xf32, #tpu.memory_space<hbm>> -> memref<1x640x128xf32, #tpu.memory_space<hbm>>
        %dma_wait3A_35 = tpu.memref_squeeze %dma_wait3A_34 : memref<1x640x128xf32, #tpu.memory_space<hbm>> -> memref<640x128xf32, #tpu.memory_space<hbm>>
        %dma_wait3A_36 = arith.constant 0 : i32
        %dma_wait3A_37 = tpu.memref_slice %arg7[%mul3A_0, %dma_wait3A_36] : memref<10240x128xf32, #tpu.memory_space<vmem_shared>> -> memref<640x128xf32, #tpu.memory_space<vmem_shared>>
        tpu.wait_dma2 semaphore(%run_scoped3A_27 : memref<!tpu.dma_semaphore, #tpu.memory_space<semaphore_mem>>) src(%dma_wait3A_37 : memref<640x128xf32, #tpu.memory_space<vmem_shared>>) dst(%dma_wait3A_35 : memref<640x128xf32, #tpu.memory_space<hbm>>)
        tpu.yield
      }) : () -> ()
    } else {
    }
    return
  }
}

#map = affine_map<(d0, d1) -> (0)>
module attributes {stable_mosaic.version = 14 : i64} {
  func.func @edge_kernel(%arg0: i32, %arg1: i32, %arg2: memref<10240xf32, #tpu.memory_space<hbm>>, %arg3: memref<10240xf32, #tpu.memory_space<hbm>>, %arg4: memref<320000xi32, #tpu.memory_space<hbm>>, %arg5: memref<320000xi32, #tpu.memory_space<hbm>>, %arg6: memref<320000xf32, #tpu.memory_space<hbm>>, %arg7: memref<320000xf32, #tpu.memory_space<hbm>>, %arg8: memref<320000xf32, #tpu.memory_space<hbm>>, %arg9: memref<16xf32, #tpu.memory_space<hbm>>, %arg10: memref<320000xf32, #tpu.memory_space<hbm>>, %arg11: memref<10240xf32, #tpu.memory_space<vmem>>, %arg12: memref<10240xf32, #tpu.memory_space<vmem>>, %arg13: memref<2000xi32, #tpu.memory_space<vmem>>, %arg14: memref<2000xi32, #tpu.memory_space<vmem>>, %arg15: memref<2000xf32, #tpu.memory_space<vmem>>, %arg16: memref<2000xf32, #tpu.memory_space<vmem>>, %arg17: memref<2000xf32, #tpu.memory_space<vmem>>, %arg18: memref<2000xf32, #tpu.memory_space<vmem>>, %arg19: memref<2000xi32, #tpu.memory_space<vmem>>, %arg20: memref<2000xi32, #tpu.memory_space<vmem>>, %arg21: memref<2000xf32, #tpu.memory_space<vmem>>, %arg22: memref<2000xf32, #tpu.memory_space<vmem>>, %arg23: memref<2000xf32, #tpu.memory_space<vmem>>, %arg24: memref<2000xf32, #tpu.memory_space<vmem>>, %arg25: memref<16xf32, #tpu.memory_space<vmem>>, %arg26: memref<!tpu.dma_semaphore, #tpu.memory_space<semaphore_mem>>, %arg27: memref<!tpu.dma_semaphore, #tpu.memory_space<semaphore_mem>>, %arg28: memref<!tpu.dma_semaphore, #tpu.memory_space<semaphore_mem>>, %arg29: memref<!tpu.dma_semaphore, #tpu.memory_space<semaphore_mem>>) attributes {dimension_semantics = [#tpu.dimension_semantics<core_parallel>, #tpu.dimension_semantics<subcore_parallel>], iteration_bounds = array<i64: 2, 16>, scalar_prefetch = 0 : i64, scratch_operands = 19 : i64, tpu.core_type = #tpu.core_type<sc_vector_subcore>, window_params = [{transform_indices = #map}, {transform_indices = #map}, {transform_indices = #map}, {transform_indices = #map}, {transform_indices = #map}, {transform_indices = #map}, {transform_indices = #map}, {transform_indices = #map}, {transform_indices = #map}]} {
    %mul3A = arith.constant 16 : i32
    %mul3A_0 = arith.muli %arg0, %mul3A : i32
    %add3A = arith.addi %mul3A_0, %arg1 : i32
    %mul3A_1 = arith.constant 10000 : i32
    %mul3A_2 = arith.muli %add3A, %mul3A_1 : i32
    "tpu.region"() ({
      %run_scoped3A = tpu.sem_alloc : memref<!tpu.dma_semaphore, #tpu.memory_space<semaphore_mem>>
      tpu.enqueue_dma source(%arg2 : memref<10240xf32, #tpu.memory_space<hbm>>) target(%arg11 : memref<10240xf32, #tpu.memory_space<vmem>>) target_semaphore(%run_scoped3A : memref<!tpu.dma_semaphore, #tpu.memory_space<semaphore_mem>>)
      tpu.wait_dma2 semaphore(%run_scoped3A : memref<!tpu.dma_semaphore, #tpu.memory_space<semaphore_mem>>) src(%arg2 : memref<10240xf32, #tpu.memory_space<hbm>>) dst(%arg11 : memref<10240xf32, #tpu.memory_space<vmem>>)
      tpu.yield
    }) : () -> ()
    "tpu.region"() ({
      %run_scoped3A = tpu.sem_alloc : memref<!tpu.dma_semaphore, #tpu.memory_space<semaphore_mem>>
      tpu.enqueue_dma source(%arg3 : memref<10240xf32, #tpu.memory_space<hbm>>) target(%arg12 : memref<10240xf32, #tpu.memory_space<vmem>>) target_semaphore(%run_scoped3A : memref<!tpu.dma_semaphore, #tpu.memory_space<semaphore_mem>>)
      tpu.wait_dma2 semaphore(%run_scoped3A : memref<!tpu.dma_semaphore, #tpu.memory_space<semaphore_mem>>) src(%arg3 : memref<10240xf32, #tpu.memory_space<hbm>>) dst(%arg12 : memref<10240xf32, #tpu.memory_space<vmem>>)
      tpu.yield
    }) : () -> ()
    "tpu.region"() ({
      %run_scoped3A = tpu.sem_alloc : memref<!tpu.dma_semaphore, #tpu.memory_space<semaphore_mem>>
      tpu.enqueue_dma source(%arg9 : memref<16xf32, #tpu.memory_space<hbm>>) target(%arg25 : memref<16xf32, #tpu.memory_space<vmem>>) target_semaphore(%run_scoped3A : memref<!tpu.dma_semaphore, #tpu.memory_space<semaphore_mem>>)
      tpu.wait_dma2 semaphore(%run_scoped3A : memref<!tpu.dma_semaphore, #tpu.memory_space<semaphore_mem>>) src(%arg9 : memref<16xf32, #tpu.memory_space<hbm>>) dst(%arg25 : memref<16xf32, #tpu.memory_space<vmem>>)
      tpu.yield
    }) : () -> ()
    %get3A = arith.constant 0 : index
    %get3A_3 = tpu.vector_load %arg25[%get3A] {strides = array<i32>} : memref<16xf32, #tpu.memory_space<vmem>>, vector<16xf32>,
    %slice3A = vector.extract_strided_slice %get3A_3 {offsets = [0], sizes = [1], strides = [1]} : vector<16xf32> to vector<1xf32>
    %squeeze3A = vector.extract %slice3A[0] : f32 from vector<1xf32>
    %slice3A_4 = vector.extract_strided_slice %get3A_3 {offsets = [1], sizes = [1], strides = [1]} : vector<16xf32> to vector<1xf32>
    %squeeze3A_5 = vector.extract %slice3A_4[0] : f32 from vector<1xf32>
    %slice3A_6 = vector.extract_strided_slice %get3A_3 {offsets = [2], sizes = [1], strides = [1]} : vector<16xf32> to vector<1xf32>
    %squeeze3A_7 = vector.extract %slice3A_6[0] : f32 from vector<1xf32>
    %slice3A_8 = vector.extract_strided_slice %get3A_3 {offsets = [3], sizes = [1], strides = [1]} : vector<16xf32> to vector<1xf32>
    %squeeze3A_9 = vector.extract %slice3A_8[0] : f32 from vector<1xf32>
    %add3A_10 = arith.constant 0 : i32
    %add3A_11 = arith.addi %mul3A_2, %add3A_10 : i32
    %dma_start3A = tpu.memref_slice %arg4[%add3A_11] : memref<320000xi32, #tpu.memory_space<hbm>> -> memref<2000xi32, #tpu.memory_space<hbm>>
    %dma_start3A_12 = tpu.memref_slice %arg4[%add3A_11] : memref<320000xi32, #tpu.memory_space<hbm>> -> memref<2000xi32, #tpu.memory_space<hbm>>
    tpu.enqueue_dma source(%dma_start3A_12 : memref<2000xi32, #tpu.memory_space<hbm>>) target(%arg13 : memref<2000xi32, #tpu.memory_space<vmem>>) target_semaphore(%arg26 : memref<!tpu.dma_semaphore, #tpu.memory_space<semaphore_mem>>)
    %dma_start3A_13 = tpu.memref_slice %arg5[%add3A_11] : memref<320000xi32, #tpu.memory_space<hbm>> -> memref<2000xi32, #tpu.memory_space<hbm>>
    %dma_start3A_14 = tpu.memref_slice %arg5[%add3A_11] : memref<320000xi32, #tpu.memory_space<hbm>> -> memref<2000xi32, #tpu.memory_space<hbm>>
    tpu.enqueue_dma source(%dma_start3A_14 : memref<2000xi32, #tpu.memory_space<hbm>>) target(%arg14 : memref<2000xi32, #tpu.memory_space<vmem>>) target_semaphore(%arg26 : memref<!tpu.dma_semaphore, #tpu.memory_space<semaphore_mem>>)
    %dma_start3A_15 = tpu.memref_slice %arg6[%add3A_11] : memref<320000xf32, #tpu.memory_space<hbm>> -> memref<2000xf32, #tpu.memory_space<hbm>>
    %dma_start3A_16 = tpu.memref_slice %arg6[%add3A_11] : memref<320000xf32, #tpu.memory_space<hbm>> -> memref<2000xf32, #tpu.memory_space<hbm>>
    tpu.enqueue_dma source(%dma_start3A_16 : memref<2000xf32, #tpu.memory_space<hbm>>) target(%arg15 : memref<2000xf32, #tpu.memory_space<vmem>>) target_semaphore(%arg26 : memref<!tpu.dma_semaphore, #tpu.memory_space<semaphore_mem>>)
    %dma_start3A_17 = tpu.memref_slice %arg7[%add3A_11] : memref<320000xf32, #tpu.memory_space<hbm>> -> memref<2000xf32, #tpu.memory_space<hbm>>
    %dma_start3A_18 = tpu.memref_slice %arg7[%add3A_11] : memref<320000xf32, #tpu.memory_space<hbm>> -> memref<2000xf32, #tpu.memory_space<hbm>>
    tpu.enqueue_dma source(%dma_start3A_18 : memref<2000xf32, #tpu.memory_space<hbm>>) target(%arg16 : memref<2000xf32, #tpu.memory_space<vmem>>) target_semaphore(%arg26 : memref<!tpu.dma_semaphore, #tpu.memory_space<semaphore_mem>>)
    %dma_start3A_19 = tpu.memref_slice %arg8[%add3A_11] : memref<320000xf32, #tpu.memory_space<hbm>> -> memref<2000xf32, #tpu.memory_space<hbm>>
    %dma_start3A_20 = tpu.memref_slice %arg8[%add3A_11] : memref<320000xf32, #tpu.memory_space<hbm>> -> memref<2000xf32, #tpu.memory_space<hbm>>
    tpu.enqueue_dma source(%dma_start3A_20 : memref<2000xf32, #tpu.memory_space<hbm>>) target(%arg17 : memref<2000xf32, #tpu.memory_space<vmem>>) target_semaphore(%arg26 : memref<!tpu.dma_semaphore, #tpu.memory_space<semaphore_mem>>)
    %scan3A = arith.constant 0 : i32
    %scan3A_21 = arith.constant 0 : i32
    %scan3A_22 = arith.constant 5 : i32
    %scan3A_23 = arith.addi %scan3A_21, %scan3A_22 : i32
    %scan3A_24 = arith.constant 1 : i32
    scf.for %scan3A_29 = %scan3A_21 to %scan3A_23 step %scan3A_24  : i32 {
      %jit3A = arith.constant 2 : i32
      %eq3A = arith.constant 0 : i32
      %eq3A_30 = arith.cmpi eq, %jit3A, %eq3A : i32
      %jit3A_31 = arith.constant 1 : i32
      %select_n3A = arith.select %eq3A_30, %jit3A_31, %jit3A : i32
      %rem3A = arith.remsi %scan3A_29, %select_n3A : i32
      %ne3A = arith.constant 0 : i32
      %ne3A_32 = arith.cmpi ne, %rem3A, %ne3A : i32
      %lt3A = arith.constant 0 : i32
      %lt3A_33 = arith.cmpi slt, %rem3A, %lt3A : i32
      %lt3A_34 = arith.constant 0 : i32
      %lt3A_35 = arith.cmpi slt, %select_n3A, %lt3A_34 : i32
      %ne3A_36 = arith.xori %lt3A_33, %lt3A_35 : i1
      %and3A = arith.andi %ne3A_36, %ne3A_32 : i1
      %add3A_37 = arith.addi %rem3A, %select_n3A : i32
      %select_n3A_38 = arith.select %and3A, %add3A_37, %rem3A : i32
      %eq3A_39 = arith.constant 0 : i32
      %eq3A_40 = arith.cmpi eq, %select_n3A_38, %eq3A_39 : i32
      %convert_element_type3A = arith.extui %eq3A_40 : i1 to i32
      %cond3A = arith.constant 0 : i32
      %cond3A_41 = arith.cmpi ne, %convert_element_type3A, %cond3A : i32
      scf.if %cond3A_41 {
        %add3A_63 = arith.constant 1 : i32
        %add3A_64 = arith.addi %scan3A_29, %add3A_63 : i32
        %lt3A_65 = arith.constant 5 : i32
        %lt3A_66 = arith.cmpi slt, %add3A_64, %lt3A_65 : i32
        %convert_element_type3A_67 = arith.extui %lt3A_66 : i1 to i32
        %cond3A_68 = arith.constant 0 : i32
        %cond3A_69 = arith.cmpi ne, %convert_element_type3A_67, %cond3A_68 : i32
        scf.if %cond3A_69 {
          %add3A_95 = arith.constant 1 : i32
          %add3A_96 = arith.addi %scan3A_29, %add3A_95 : i32
          %mul3A_97 = arith.constant 2000 : i32
          %mul3A_98 = arith.muli %add3A_96, %mul3A_97 : i32
          %add3A_99 = arith.addi %mul3A_2, %mul3A_98 : i32
          %dma_start3A_100 = tpu.memref_slice %arg4[%add3A_99] : memref<320000xi32, #tpu.memory_space<hbm>> -> memref<2000xi32, #tpu.memory_space<hbm>>
          %dma_start3A_101 = tpu.memref_slice %arg4[%add3A_99] : memref<320000xi32, #tpu.memory_space<hbm>> -> memref<2000xi32, #tpu.memory_space<hbm>>
          tpu.enqueue_dma source(%dma_start3A_101 : memref<2000xi32, #tpu.memory_space<hbm>>) target(%arg19 : memref<2000xi32, #tpu.memory_space<vmem>>) target_semaphore(%arg27 : memref<!tpu.dma_semaphore, #tpu.memory_space<semaphore_mem>>)
          %dma_start3A_102 = tpu.memref_slice %arg5[%add3A_99] : memref<320000xi32, #tpu.memory_space<hbm>> -> memref<2000xi32, #tpu.memory_space<hbm>>
          %dma_start3A_103 = tpu.memref_slice %arg5[%add3A_99] : memref<320000xi32, #tpu.memory_space<hbm>> -> memref<2000xi32, #tpu.memory_space<hbm>>
          tpu.enqueue_dma source(%dma_start3A_103 : memref<2000xi32, #tpu.memory_space<hbm>>) target(%arg20 : memref<2000xi32, #tpu.memory_space<vmem>>) target_semaphore(%arg27 : memref<!tpu.dma_semaphore, #tpu.memory_space<semaphore_mem>>)
          %dma_start3A_104 = tpu.memref_slice %arg6[%add3A_99] : memref<320000xf32, #tpu.memory_space<hbm>> -> memref<2000xf32, #tpu.memory_space<hbm>>
          %dma_start3A_105 = tpu.memref_slice %arg6[%add3A_99] : memref<320000xf32, #tpu.memory_space<hbm>> -> memref<2000xf32, #tpu.memory_space<hbm>>
          tpu.enqueue_dma source(%dma_start3A_105 : memref<2000xf32, #tpu.memory_space<hbm>>) target(%arg21 : memref<2000xf32, #tpu.memory_space<vmem>>) target_semaphore(%arg27 : memref<!tpu.dma_semaphore, #tpu.memory_space<semaphore_mem>>)
          %dma_start3A_106 = tpu.memref_slice %arg7[%add3A_99] : memref<320000xf32, #tpu.memory_space<hbm>> -> memref<2000xf32, #tpu.memory_space<hbm>>
          %dma_start3A_107 = tpu.memref_slice %arg7[%add3A_99] : memref<320000xf32, #tpu.memory_space<hbm>> -> memref<2000xf32, #tpu.memory_space<hbm>>
          tpu.enqueue_dma source(%dma_start3A_107 : memref<2000xf32, #tpu.memory_space<hbm>>) target(%arg22 : memref<2000xf32, #tpu.memory_space<vmem>>) target_semaphore(%arg27 : memref<!tpu.dma_semaphore, #tpu.memory_space<semaphore_mem>>)
          %dma_start3A_108 = tpu.memref_slice %arg8[%add3A_99] : memref<320000xf32, #tpu.memory_space<hbm>> -> memref<2000xf32, #tpu.memory_space<hbm>>
          %dma_start3A_109 = tpu.memref_slice %arg8[%add3A_99] : memref<320000xf32, #tpu.memory_space<hbm>> -> memref<2000xf32, #tpu.memory_space<hbm>>
          tpu.enqueue_dma source(%dma_start3A_109 : memref<2000xf32, #tpu.memory_space<hbm>>) target(%arg23 : memref<2000xf32, #tpu.memory_space<vmem>>) target_semaphore(%arg27 : memref<!tpu.dma_semaphore, #tpu.memory_space<semaphore_mem>>)
        } else {
        }
        %dma_wait3A_70 = tpu.memref_slice %arg4[%mul3A_2] : memref<320000xi32, #tpu.memory_space<hbm>> -> memref<2000xi32, #tpu.memory_space<hbm>>
        %dma_wait3A_71 = tpu.memref_slice %arg4[%mul3A_2] : memref<320000xi32, #tpu.memory_space<hbm>> -> memref<2000xi32, #tpu.memory_space<hbm>>
        tpu.wait_dma2 semaphore(%arg26 : memref<!tpu.dma_semaphore, #tpu.memory_space<semaphore_mem>>) src(%dma_wait3A_71 : memref<2000xi32, #tpu.memory_space<hbm>>) dst(%arg13 : memref<2000xi32, #tpu.memory_space<vmem>>)
        %dma_wait3A_72 = tpu.memref_slice %arg4[%mul3A_2] : memref<320000xi32, #tpu.memory_space<hbm>> -> memref<2000xi32, #tpu.memory_space<hbm>>
        %dma_wait3A_73 = tpu.memref_slice %arg4[%mul3A_2] : memref<320000xi32, #tpu.memory_space<hbm>> -> memref<2000xi32, #tpu.memory_space<hbm>>
        tpu.wait_dma2 semaphore(%arg26 : memref<!tpu.dma_semaphore, #tpu.memory_space<semaphore_mem>>) src(%dma_wait3A_73 : memref<2000xi32, #tpu.memory_space<hbm>>) dst(%arg13 : memref<2000xi32, #tpu.memory_space<vmem>>)
        %dma_wait3A_74 = tpu.memref_slice %arg4[%mul3A_2] : memref<320000xi32, #tpu.memory_space<hbm>> -> memref<2000xi32, #tpu.memory_space<hbm>>
        %dma_wait3A_75 = tpu.memref_slice %arg4[%mul3A_2] : memref<320000xi32, #tpu.memory_space<hbm>> -> memref<2000xi32, #tpu.memory_space<hbm>>
        tpu.wait_dma2 semaphore(%arg26 : memref<!tpu.dma_semaphore, #tpu.memory_space<semaphore_mem>>) src(%dma_wait3A_75 : memref<2000xi32, #tpu.memory_space<hbm>>) dst(%arg13 : memref<2000xi32, #tpu.memory_space<vmem>>)
        %dma_wait3A_76 = tpu.memref_slice %arg4[%mul3A_2] : memref<320000xi32, #tpu.memory_space<hbm>> -> memref<2000xi32, #tpu.memory_space<hbm>>
        %dma_wait3A_77 = tpu.memref_slice %arg4[%mul3A_2] : memref<320000xi32, #tpu.memory_space<hbm>> -> memref<2000xi32, #tpu.memory_space<hbm>>
        tpu.wait_dma2 semaphore(%arg26 : memref<!tpu.dma_semaphore, #tpu.memory_space<semaphore_mem>>) src(%dma_wait3A_77 : memref<2000xi32, #tpu.memory_space<hbm>>) dst(%arg13 : memref<2000xi32, #tpu.memory_space<vmem>>)
        %dma_wait3A_78 = tpu.memref_slice %arg4[%mul3A_2] : memref<320000xi32, #tpu.memory_space<hbm>> -> memref<2000xi32, #tpu.memory_space<hbm>>
        %dma_wait3A_79 = tpu.memref_slice %arg4[%mul3A_2] : memref<320000xi32, #tpu.memory_space<hbm>> -> memref<2000xi32, #tpu.memory_space<hbm>>
        tpu.wait_dma2 semaphore(%arg26 : memref<!tpu.dma_semaphore, #tpu.memory_space<semaphore_mem>>) src(%dma_wait3A_79 : memref<2000xi32, #tpu.memory_space<hbm>>) dst(%arg13 : memref<2000xi32, #tpu.memory_space<vmem>>)
        %ge3A = arith.constant 2 : i32
        %ge3A_80 = arith.cmpi sge, %scan3A_29, %ge3A : i32
        %convert_element_type3A_81 = arith.extui %ge3A_80 : i1 to i32
        %cond3A_82 = arith.constant 0 : i32
        %cond3A_83 = arith.cmpi ne, %convert_element_type3A_81, %cond3A_82 : i32
        scf.if %cond3A_83 {
          %dma_wait3A_95 = tpu.memref_slice %arg10[%mul3A_2] : memref<320000xf32, #tpu.memory_space<hbm>> -> memref<2000xf32, #tpu.memory_space<hbm>>
          %dma_wait3A_96 = tpu.memref_slice %arg10[%mul3A_2] : memref<320000xf32, #tpu.memory_space<hbm>> -> memref<2000xf32, #tpu.memory_space<hbm>>
          tpu.wait_dma2 semaphore(%arg28 : memref<!tpu.dma_semaphore, #tpu.memory_space<semaphore_mem>>) src(%arg18 : memref<2000xf32, #tpu.memory_space<vmem>>) dst(%dma_wait3A_96 : memref<2000xf32, #tpu.memory_space<hbm>>)
        } else {
        }
        %scan3A_84 = arith.constant 0 : i32
        %scan3A_85 = arith.constant 0 : i32
        %scan3A_86 = arith.constant 125 : i32
        %scan3A_87 = arith.addi %scan3A_85, %scan3A_86 : i32
        %scan3A_88 = arith.constant 1 : i32
        scf.for %scan3A_95 = %scan3A_85 to %scan3A_87 step %scan3A_88  : i32 {
          %mul3A_96 = arith.constant 16 : i32
          %mul3A_97 = arith.muli %scan3A_95, %mul3A_96 : i32
          %get3A_98 = arith.index_cast %mul3A_97 : i32 to index
          %get3A_99 = tpu.vector_load %arg13[%get3A_98] {strides = array<i32>} : memref<2000xi32, #tpu.memory_space<vmem>>, vector<16xi32>,
          %gather3A = tpu.vector_load_idx %arg11[%get3A_99] : memref<10240xf32, #tpu.memory_space<vmem>>[vector<16xi32>], vector<16xf32>,
          %get3A_100 = arith.index_cast %mul3A_97 : i32 to index
          %get3A_101 = tpu.vector_load %arg14[%get3A_100] {strides = array<i32>} : memref<2000xi32, #tpu.memory_space<vmem>>, vector<16xi32>,
          %gather3A_102 = tpu.vector_load_idx %arg12[%get3A_101] : memref<10240xf32, #tpu.memory_space<vmem>>[vector<16xi32>], vector<16xf32>,
          %add3A_103 = arith.addf %gather3A, %gather3A_102 : vector<16xf32>
          %get3A_104 = arith.index_cast %mul3A_97 : i32 to index
          %get3A_105 = tpu.vector_load %arg15[%get3A_104] {strides = array<i32>} : memref<2000xf32, #tpu.memory_space<vmem>>, vector<16xf32>,
          %mul3A_106 = vector.broadcast %squeeze3A : f32 to vector<16xf32>
          %mul3A_107 = arith.mulf %get3A_105, %mul3A_106 : vector<16xf32>
          %add3A_108 = arith.addf %add3A_103, %mul3A_107 : vector<16xf32>
          %get3A_109 = arith.index_cast %mul3A_97 : i32 to index
          %get3A_110 = tpu.vector_load %arg16[%get3A_109] {strides = array<i32>} : memref<2000xf32, #tpu.memory_space<vmem>>, vector<16xf32>,
          %mul3A_111 = vector.broadcast %squeeze3A_5 : f32 to vector<16xf32>
          %mul3A_112 = arith.mulf %get3A_110, %mul3A_111 : vector<16xf32>
          %add3A_113 = arith.addf %add3A_108, %mul3A_112 : vector<16xf32>
          %get3A_114 = arith.index_cast %mul3A_97 : i32 to index
          %get3A_115 = tpu.vector_load %arg17[%get3A_114] {strides = array<i32>} : memref<2000xf32, #tpu.memory_space<vmem>>, vector<16xf32>,
          %mul3A_116 = vector.broadcast %squeeze3A_7 : f32 to vector<16xf32>
          %mul3A_117 = arith.mulf %get3A_115, %mul3A_116 : vector<16xf32>
          %add3A_118 = arith.addf %add3A_113, %mul3A_117 : vector<16xf32>
          %add3A_119 = vector.broadcast %squeeze3A_9 : f32 to vector<16xf32>
          %add3A_120 = arith.addf %add3A_118, %add3A_119 : vector<16xf32>
          %neg3A = arith.constant 0.000000e+00 : f32
          %neg3A_121 = vector.broadcast %neg3A : f32 to vector<16xf32>
          %neg3A_122 = arith.subf %neg3A_121, %add3A_120 : vector<16xf32>
          %exp3A = math.exp %neg3A_122 : vector<16xf32>
          %add3A_123 = arith.constant 1.000000e+00 : f32
          %add3A_124 = vector.broadcast %add3A_123 : f32 to vector<16xf32>
          %add3A_125 = arith.addf %add3A_124, %exp3A : vector<16xf32>
          %div3A = arith.constant 1.000000e+00 : f32
          %div3A_126 = vector.broadcast %div3A : f32 to vector<16xf32>
          %div3A_127 = arith.divf %div3A_126, %add3A_125 : vector<16xf32>
          %swap3A = arith.index_cast %mul3A_97 : i32 to index
          %swap3A_128 = tpu.vector_load %arg18[%swap3A] {strides = array<i32>} : memref<2000xf32, #tpu.memory_space<vmem>>, vector<16xf32>,
          tpu.vector_store %arg18[%swap3A], %div3A_127 {strides = array<i32>} : memref<2000xf32, #tpu.memory_space<vmem>>, vector<16xf32>,
        }
        %scan3A_89 = arith.constant 125 : i32
        %mul3A_90 = arith.constant 2000 : i32
        %mul3A_91 = arith.muli %scan3A_29, %mul3A_90 : i32
        %add3A_92 = arith.addi %mul3A_2, %mul3A_91 : i32
        %dma_start3A_93 = tpu.memref_slice %arg10[%add3A_92] : memref<320000xf32, #tpu.memory_space<hbm>> -> memref<2000xf32, #tpu.memory_space<hbm>>
        %dma_start3A_94 = tpu.memref_slice %arg10[%add3A_92] : memref<320000xf32, #tpu.memory_space<hbm>> -> memref<2000xf32, #tpu.memory_space<hbm>>
        tpu.enqueue_dma source(%arg18 : memref<2000xf32, #tpu.memory_space<vmem>>) target(%dma_start3A_94 : memref<2000xf32, #tpu.memory_space<hbm>>) target_semaphore(%arg28 : memref<!tpu.dma_semaphore, #tpu.memory_space<semaphore_mem>>)
      } else {
      }
      %jit3A_42 = arith.constant 2 : i32
      %eq3A_43 = arith.constant 0 : i32
      %eq3A_44 = arith.cmpi eq, %jit3A_42, %eq3A_43 : i32
      %jit3A_45 = arith.constant 1 : i32
      %select_n3A_46 = arith.select %eq3A_44, %jit3A_45, %jit3A_42 : i32
      %rem3A_47 = arith.remsi %scan3A_29, %select_n3A_46 : i32
      %ne3A_48 = arith.constant 0 : i32
      %ne3A_49 = arith.cmpi ne, %rem3A_47, %ne3A_48 : i32
      %lt3A_50 = arith.constant 0 : i32
      %lt3A_51 = arith.cmpi slt, %rem3A_47, %lt3A_50 : i32
      %lt3A_52 = arith.constant 0 : i32
      %lt3A_53 = arith.cmpi slt, %select_n3A_46, %lt3A_52 : i32
      %ne3A_54 = arith.xori %lt3A_51, %lt3A_53 : i1
      %and3A_55 = arith.andi %ne3A_54, %ne3A_49 : i1
      %add3A_56 = arith.addi %rem3A_47, %select_n3A_46 : i32
      %select_n3A_57 = arith.select %and3A_55, %add3A_56, %rem3A_47 : i32
      %eq3A_58 = arith.constant 1 : i32
      %eq3A_59 = arith.cmpi eq, %select_n3A_57, %eq3A_58 : i32
      %convert_element_type3A_60 = arith.extui %eq3A_59 : i1 to i32
      %cond3A_61 = arith.constant 0 : i32
      %cond3A_62 = arith.cmpi ne, %convert_element_type3A_60, %cond3A_61 : i32
      scf.if %cond3A_62 {
        %add3A_63 = arith.constant 1 : i32
        %add3A_64 = arith.addi %scan3A_29, %add3A_63 : i32
        %lt3A_65 = arith.constant 5 : i32
        %lt3A_66 = arith.cmpi slt, %add3A_64, %lt3A_65 : i32
        %convert_element_type3A_67 = arith.extui %lt3A_66 : i1 to i32
        %cond3A_68 = arith.constant 0 : i32
        %cond3A_69 = arith.cmpi ne, %convert_element_type3A_67, %cond3A_68 : i32
        scf.if %cond3A_69 {
          %add3A_95 = arith.constant 1 : i32
          %add3A_96 = arith.addi %scan3A_29, %add3A_95 : i32
          %mul3A_97 = arith.constant 2000 : i32
          %mul3A_98 = arith.muli %add3A_96, %mul3A_97 : i32
          %add3A_99 = arith.addi %mul3A_2, %mul3A_98 : i32
          %dma_start3A_100 = tpu.memref_slice %arg4[%add3A_99] : memref<320000xi32, #tpu.memory_space<hbm>> -> memref<2000xi32, #tpu.memory_space<hbm>>
          %dma_start3A_101 = tpu.memref_slice %arg4[%add3A_99] : memref<320000xi32, #tpu.memory_space<hbm>> -> memref<2000xi32, #tpu.memory_space<hbm>>
          tpu.enqueue_dma source(%dma_start3A_101 : memref<2000xi32, #tpu.memory_space<hbm>>) target(%arg13 : memref<2000xi32, #tpu.memory_space<vmem>>) target_semaphore(%arg26 : memref<!tpu.dma_semaphore, #tpu.memory_space<semaphore_mem>>)
          %dma_start3A_102 = tpu.memref_slice %arg5[%add3A_99] : memref<320000xi32, #tpu.memory_space<hbm>> -> memref<2000xi32, #tpu.memory_space<hbm>>
          %dma_start3A_103 = tpu.memref_slice %arg5[%add3A_99] : memref<320000xi32, #tpu.memory_space<hbm>> -> memref<2000xi32, #tpu.memory_space<hbm>>
          tpu.enqueue_dma source(%dma_start3A_103 : memref<2000xi32, #tpu.memory_space<hbm>>) target(%arg14 : memref<2000xi32, #tpu.memory_space<vmem>>) target_semaphore(%arg26 : memref<!tpu.dma_semaphore, #tpu.memory_space<semaphore_mem>>)
          %dma_start3A_104 = tpu.memref_slice %arg6[%add3A_99] : memref<320000xf32, #tpu.memory_space<hbm>> -> memref<2000xf32, #tpu.memory_space<hbm>>
          %dma_start3A_105 = tpu.memref_slice %arg6[%add3A_99] : memref<320000xf32, #tpu.memory_space<hbm>> -> memref<2000xf32, #tpu.memory_space<hbm>>
          tpu.enqueue_dma source(%dma_start3A_105 : memref<2000xf32, #tpu.memory_space<hbm>>) target(%arg15 : memref<2000xf32, #tpu.memory_space<vmem>>) target_semaphore(%arg26 : memref<!tpu.dma_semaphore, #tpu.memory_space<semaphore_mem>>)
          %dma_start3A_106 = tpu.memref_slice %arg7[%add3A_99] : memref<320000xf32, #tpu.memory_space<hbm>> -> memref<2000xf32, #tpu.memory_space<hbm>>
          %dma_start3A_107 = tpu.memref_slice %arg7[%add3A_99] : memref<320000xf32, #tpu.memory_space<hbm>> -> memref<2000xf32, #tpu.memory_space<hbm>>
          tpu.enqueue_dma source(%dma_start3A_107 : memref<2000xf32, #tpu.memory_space<hbm>>) target(%arg16 : memref<2000xf32, #tpu.memory_space<vmem>>) target_semaphore(%arg26 : memref<!tpu.dma_semaphore, #tpu.memory_space<semaphore_mem>>)
          %dma_start3A_108 = tpu.memref_slice %arg8[%add3A_99] : memref<320000xf32, #tpu.memory_space<hbm>> -> memref<2000xf32, #tpu.memory_space<hbm>>
          %dma_start3A_109 = tpu.memref_slice %arg8[%add3A_99] : memref<320000xf32, #tpu.memory_space<hbm>> -> memref<2000xf32, #tpu.memory_space<hbm>>
          tpu.enqueue_dma source(%dma_start3A_109 : memref<2000xf32, #tpu.memory_space<hbm>>) target(%arg17 : memref<2000xf32, #tpu.memory_space<vmem>>) target_semaphore(%arg26 : memref<!tpu.dma_semaphore, #tpu.memory_space<semaphore_mem>>)
        } else {
        }
        %dma_wait3A_70 = tpu.memref_slice %arg4[%mul3A_2] : memref<320000xi32, #tpu.memory_space<hbm>> -> memref<2000xi32, #tpu.memory_space<hbm>>
        %dma_wait3A_71 = tpu.memref_slice %arg4[%mul3A_2] : memref<320000xi32, #tpu.memory_space<hbm>> -> memref<2000xi32, #tpu.memory_space<hbm>>
        tpu.wait_dma2 semaphore(%arg27 : memref<!tpu.dma_semaphore, #tpu.memory_space<semaphore_mem>>) src(%dma_wait3A_71 : memref<2000xi32, #tpu.memory_space<hbm>>) dst(%arg19 : memref<2000xi32, #tpu.memory_space<vmem>>)
        %dma_wait3A_72 = tpu.memref_slice %arg4[%mul3A_2] : memref<320000xi32, #tpu.memory_space<hbm>> -> memref<2000xi32, #tpu.memory_space<hbm>>
        %dma_wait3A_73 = tpu.memref_slice %arg4[%mul3A_2] : memref<320000xi32, #tpu.memory_space<hbm>> -> memref<2000xi32, #tpu.memory_space<hbm>>
        tpu.wait_dma2 semaphore(%arg27 : memref<!tpu.dma_semaphore, #tpu.memory_space<semaphore_mem>>) src(%dma_wait3A_73 : memref<2000xi32, #tpu.memory_space<hbm>>) dst(%arg19 : memref<2000xi32, #tpu.memory_space<vmem>>)
        %dma_wait3A_74 = tpu.memref_slice %arg4[%mul3A_2] : memref<320000xi32, #tpu.memory_space<hbm>> -> memref<2000xi32, #tpu.memory_space<hbm>>
        %dma_wait3A_75 = tpu.memref_slice %arg4[%mul3A_2] : memref<320000xi32, #tpu.memory_space<hbm>> -> memref<2000xi32, #tpu.memory_space<hbm>>
        tpu.wait_dma2 semaphore(%arg27 : memref<!tpu.dma_semaphore, #tpu.memory_space<semaphore_mem>>) src(%dma_wait3A_75 : memref<2000xi32, #tpu.memory_space<hbm>>) dst(%arg19 : memref<2000xi32, #tpu.memory_space<vmem>>)
        %dma_wait3A_76 = tpu.memref_slice %arg4[%mul3A_2] : memref<320000xi32, #tpu.memory_space<hbm>> -> memref<2000xi32, #tpu.memory_space<hbm>>
        %dma_wait3A_77 = tpu.memref_slice %arg4[%mul3A_2] : memref<320000xi32, #tpu.memory_space<hbm>> -> memref<2000xi32, #tpu.memory_space<hbm>>
        tpu.wait_dma2 semaphore(%arg27 : memref<!tpu.dma_semaphore, #tpu.memory_space<semaphore_mem>>) src(%dma_wait3A_77 : memref<2000xi32, #tpu.memory_space<hbm>>) dst(%arg19 : memref<2000xi32, #tpu.memory_space<vmem>>)
        %dma_wait3A_78 = tpu.memref_slice %arg4[%mul3A_2] : memref<320000xi32, #tpu.memory_space<hbm>> -> memref<2000xi32, #tpu.memory_space<hbm>>
        %dma_wait3A_79 = tpu.memref_slice %arg4[%mul3A_2] : memref<320000xi32, #tpu.memory_space<hbm>> -> memref<2000xi32, #tpu.memory_space<hbm>>
        tpu.wait_dma2 semaphore(%arg27 : memref<!tpu.dma_semaphore, #tpu.memory_space<semaphore_mem>>) src(%dma_wait3A_79 : memref<2000xi32, #tpu.memory_space<hbm>>) dst(%arg19 : memref<2000xi32, #tpu.memory_space<vmem>>)
        %ge3A = arith.constant 2 : i32
        %ge3A_80 = arith.cmpi sge, %scan3A_29, %ge3A : i32
        %convert_element_type3A_81 = arith.extui %ge3A_80 : i1 to i32
        %cond3A_82 = arith.constant 0 : i32
        %cond3A_83 = arith.cmpi ne, %convert_element_type3A_81, %cond3A_82 : i32
        scf.if %cond3A_83 {
          %dma_wait3A_95 = tpu.memref_slice %arg10[%mul3A_2] : memref<320000xf32, #tpu.memory_space<hbm>> -> memref<2000xf32, #tpu.memory_space<hbm>>
          %dma_wait3A_96 = tpu.memref_slice %arg10[%mul3A_2] : memref<320000xf32, #tpu.memory_space<hbm>> -> memref<2000xf32, #tpu.memory_space<hbm>>
          tpu.wait_dma2 semaphore(%arg29 : memref<!tpu.dma_semaphore, #tpu.memory_space<semaphore_mem>>) src(%arg24 : memref<2000xf32, #tpu.memory_space<vmem>>) dst(%dma_wait3A_96 : memref<2000xf32, #tpu.memory_space<hbm>>)
        } else {
        }
        %scan3A_84 = arith.constant 0 : i32
        %scan3A_85 = arith.constant 0 : i32
        %scan3A_86 = arith.constant 125 : i32
        %scan3A_87 = arith.addi %scan3A_85, %scan3A_86 : i32
        %scan3A_88 = arith.constant 1 : i32
        scf.for %scan3A_95 = %scan3A_85 to %scan3A_87 step %scan3A_88  : i32 {
          %mul3A_96 = arith.constant 16 : i32
          %mul3A_97 = arith.muli %scan3A_95, %mul3A_96 : i32
          %get3A_98 = arith.index_cast %mul3A_97 : i32 to index
          %get3A_99 = tpu.vector_load %arg19[%get3A_98] {strides = array<i32>} : memref<2000xi32, #tpu.memory_space<vmem>>, vector<16xi32>,
          %gather3A = tpu.vector_load_idx %arg11[%get3A_99] : memref<10240xf32, #tpu.memory_space<vmem>>[vector<16xi32>], vector<16xf32>,
          %get3A_100 = arith.index_cast %mul3A_97 : i32 to index
          %get3A_101 = tpu.vector_load %arg20[%get3A_100] {strides = array<i32>} : memref<2000xi32, #tpu.memory_space<vmem>>, vector<16xi32>,
          %gather3A_102 = tpu.vector_load_idx %arg12[%get3A_101] : memref<10240xf32, #tpu.memory_space<vmem>>[vector<16xi32>], vector<16xf32>,
          %add3A_103 = arith.addf %gather3A, %gather3A_102 : vector<16xf32>
          %get3A_104 = arith.index_cast %mul3A_97 : i32 to index
          %get3A_105 = tpu.vector_load %arg21[%get3A_104] {strides = array<i32>} : memref<2000xf32, #tpu.memory_space<vmem>>, vector<16xf32>,
          %mul3A_106 = vector.broadcast %squeeze3A : f32 to vector<16xf32>
          %mul3A_107 = arith.mulf %get3A_105, %mul3A_106 : vector<16xf32>
          %add3A_108 = arith.addf %add3A_103, %mul3A_107 : vector<16xf32>
          %get3A_109 = arith.index_cast %mul3A_97 : i32 to index
          %get3A_110 = tpu.vector_load %arg22[%get3A_109] {strides = array<i32>} : memref<2000xf32, #tpu.memory_space<vmem>>, vector<16xf32>,
          %mul3A_111 = vector.broadcast %squeeze3A_5 : f32 to vector<16xf32>
          %mul3A_112 = arith.mulf %get3A_110, %mul3A_111 : vector<16xf32>
          %add3A_113 = arith.addf %add3A_108, %mul3A_112 : vector<16xf32>
          %get3A_114 = arith.index_cast %mul3A_97 : i32 to index
          %get3A_115 = tpu.vector_load %arg23[%get3A_114] {strides = array<i32>} : memref<2000xf32, #tpu.memory_space<vmem>>, vector<16xf32>,
          %mul3A_116 = vector.broadcast %squeeze3A_7 : f32 to vector<16xf32>
          %mul3A_117 = arith.mulf %get3A_115, %mul3A_116 : vector<16xf32>
          %add3A_118 = arith.addf %add3A_113, %mul3A_117 : vector<16xf32>
          %add3A_119 = vector.broadcast %squeeze3A_9 : f32 to vector<16xf32>
          %add3A_120 = arith.addf %add3A_118, %add3A_119 : vector<16xf32>
          %neg3A = arith.constant 0.000000e+00 : f32
          %neg3A_121 = vector.broadcast %neg3A : f32 to vector<16xf32>
          %neg3A_122 = arith.subf %neg3A_121, %add3A_120 : vector<16xf32>
          %exp3A = math.exp %neg3A_122 : vector<16xf32>
          %add3A_123 = arith.constant 1.000000e+00 : f32
          %add3A_124 = vector.broadcast %add3A_123 : f32 to vector<16xf32>
          %add3A_125 = arith.addf %add3A_124, %exp3A : vector<16xf32>
          %div3A = arith.constant 1.000000e+00 : f32
          %div3A_126 = vector.broadcast %div3A : f32 to vector<16xf32>
          %div3A_127 = arith.divf %div3A_126, %add3A_125 : vector<16xf32>
          %swap3A = arith.index_cast %mul3A_97 : i32 to index
          %swap3A_128 = tpu.vector_load %arg24[%swap3A] {strides = array<i32>} : memref<2000xf32, #tpu.memory_space<vmem>>, vector<16xf32>,
          tpu.vector_store %arg24[%swap3A], %div3A_127 {strides = array<i32>} : memref<2000xf32, #tpu.memory_space<vmem>>, vector<16xf32>,
        }
        %scan3A_89 = arith.constant 125 : i32
        %mul3A_90 = arith.constant 2000 : i32
        %mul3A_91 = arith.muli %scan3A_29, %mul3A_90 : i32
        %add3A_92 = arith.addi %mul3A_2, %mul3A_91 : i32
        %dma_start3A_93 = tpu.memref_slice %arg10[%add3A_92] : memref<320000xf32, #tpu.memory_space<hbm>> -> memref<2000xf32, #tpu.memory_space<hbm>>
        %dma_start3A_94 = tpu.memref_slice %arg10[%add3A_92] : memref<320000xf32, #tpu.memory_space<hbm>> -> memref<2000xf32, #tpu.memory_space<hbm>>
        tpu.enqueue_dma source(%arg24 : memref<2000xf32, #tpu.memory_space<vmem>>) target(%dma_start3A_94 : memref<2000xf32, #tpu.memory_space<hbm>>) target_semaphore(%arg29 : memref<!tpu.dma_semaphore, #tpu.memory_space<semaphore_mem>>)
      } else {
      }
    }
    %scan3A_25 = arith.constant 5 : i32
    %dma_wait3A = tpu.memref_slice %arg10[%mul3A_2] : memref<320000xf32, #tpu.memory_space<hbm>> -> memref<2000xf32, #tpu.memory_space<hbm>>
    %dma_wait3A_26 = tpu.memref_slice %arg10[%mul3A_2] : memref<320000xf32, #tpu.memory_space<hbm>> -> memref<2000xf32, #tpu.memory_space<hbm>>
    tpu.wait_dma2 semaphore(%arg28 : memref<!tpu.dma_semaphore, #tpu.memory_space<semaphore_mem>>) src(%arg18 : memref<2000xf32, #tpu.memory_space<vmem>>) dst(%dma_wait3A_26 : memref<2000xf32, #tpu.memory_space<hbm>>)
    %dma_wait3A_27 = tpu.memref_slice %arg10[%mul3A_2] : memref<320000xf32, #tpu.memory_space<hbm>> -> memref<2000xf32, #tpu.memory_space<hbm>>
    %dma_wait3A_28 = tpu.memref_slice %arg10[%mul3A_2] : memref<320000xf32, #tpu.memory_space<hbm>> -> memref<2000xf32, #tpu.memory_space<hbm>>
    tpu.wait_dma2 semaphore(%arg29 : memref<!tpu.dma_semaphore, #tpu.memory_space<semaphore_mem>>) src(%arg24 : memref<2000xf32, #tpu.memory_space<vmem>>) dst(%dma_wait3A_28 : memref<2000xf32, #tpu.memory_space<hbm>>)
    return
  }
}

#map = affine_map<(d0, d1) -> (0)>
module attributes {stable_mosaic.version = 14 : i64} {
  func.func @agg2_kernel(%arg0: i32, %arg1: i32, %arg2: memref<10000xf32, #tpu.memory_space<hbm>>, %arg3: memref<10000xf32, #tpu.memory_space<hbm>>, %arg4: memref<320000xi32, #tpu.memory_space<hbm>>, %arg5: memref<320000xi32, #tpu.memory_space<hbm>>, %arg6: memref<10240xf32, #tpu.memory_space<hbm>>, %arg7: memref<40960xf32, #tpu.memory_space<hbm>>, %arg8: memref<10240xf32, #tpu.memory_space<vmem_shared>>, %arg9: memref<10240xf32, #tpu.memory_space<vmem_shared>>, %arg10: memref<10000xf32, #tpu.memory_space<vmem>>, %arg11: memref<10000xf32, #tpu.memory_space<vmem>>, %arg12: memref<10000xi32, #tpu.memory_space<vmem>>, %arg13: memref<10000xi32, #tpu.memory_space<vmem>>, %arg14: memref<80xf32, #tpu.memory_space<vmem>>, %arg15: memref<80xf32, #tpu.memory_space<vmem>>, %arg16: memref<80xf32, #tpu.memory_space<vmem>>, %arg17: memref<80xf32, #tpu.memory_space<vmem>>, %arg18: memref<!tpu.dma_semaphore, #tpu.memory_space<semaphore_mem>>, %arg19: memref<!tpu.dma_semaphore, #tpu.memory_space<semaphore_mem>>) attributes {dimension_semantics = [#tpu.dimension_semantics<core_parallel>, #tpu.dimension_semantics<subcore_parallel>], iteration_bounds = array<i64: 2, 16>, scalar_prefetch = 0 : i64, scratch_operands = 12 : i64, tpu.core_type = #tpu.core_type<sc_vector_subcore>, window_params = [{transform_indices = #map}, {transform_indices = #map}, {transform_indices = #map}, {transform_indices = #map}, {transform_indices = #map}, {transform_indices = #map}]} {
    %mul3A = arith.constant 640 : i32
    %mul3A_0 = arith.muli %arg1, %mul3A : i32
    "tpu.region"() ({
      %run_scoped3A = tpu.sem_alloc : memref<!tpu.dma_semaphore, #tpu.memory_space<semaphore_mem>>
      %dma_start3A = tpu.memref_slice %arg8[%mul3A_0] : memref<10240xf32, #tpu.memory_space<vmem_shared>> -> memref<640xf32, #tpu.memory_space<vmem_shared>>
      %dma_start3A_31 = tpu.memref_slice %arg6[%mul3A_0] : memref<10240xf32, #tpu.memory_space<hbm>> -> memref<640xf32, #tpu.memory_space<hbm>>
      tpu.enqueue_dma source(%dma_start3A_31 : memref<640xf32, #tpu.memory_space<hbm>>) target(%dma_start3A : memref<640xf32, #tpu.memory_space<vmem_shared>>) target_semaphore(%run_scoped3A : memref<!tpu.dma_semaphore, #tpu.memory_space<semaphore_mem>>)
      %dma_wait3A_32 = tpu.memref_slice %arg8[%mul3A_0] : memref<10240xf32, #tpu.memory_space<vmem_shared>> -> memref<640xf32, #tpu.memory_space<vmem_shared>>
      %dma_wait3A_33 = tpu.memref_slice %arg6[%mul3A_0] : memref<10240xf32, #tpu.memory_space<hbm>> -> memref<640xf32, #tpu.memory_space<hbm>>
      tpu.wait_dma2 semaphore(%run_scoped3A : memref<!tpu.dma_semaphore, #tpu.memory_space<semaphore_mem>>) src(%dma_wait3A_33 : memref<640xf32, #tpu.memory_space<hbm>>) dst(%dma_wait3A_32 : memref<640xf32, #tpu.memory_space<vmem_shared>>)
      tpu.yield
    }) : () -> ()
    "tpu.region"() ({
      %run_scoped3A = tpu.sem_alloc : memref<!tpu.dma_semaphore, #tpu.memory_space<semaphore_mem>>
      %dma_start3A = tpu.memref_slice %arg9[%mul3A_0] : memref<10240xf32, #tpu.memory_space<vmem_shared>> -> memref<640xf32, #tpu.memory_space<vmem_shared>>
      %dma_start3A_31 = tpu.memref_slice %arg6[%mul3A_0] : memref<10240xf32, #tpu.memory_space<hbm>> -> memref<640xf32, #tpu.memory_space<hbm>>
      tpu.enqueue_dma source(%dma_start3A_31 : memref<640xf32, #tpu.memory_space<hbm>>) target(%dma_start3A : memref<640xf32, #tpu.memory_space<vmem_shared>>) target_semaphore(%run_scoped3A : memref<!tpu.dma_semaphore, #tpu.memory_space<semaphore_mem>>)
      %dma_wait3A_32 = tpu.memref_slice %arg9[%mul3A_0] : memref<10240xf32, #tpu.memory_space<vmem_shared>> -> memref<640xf32, #tpu.memory_space<vmem_shared>>
      %dma_wait3A_33 = tpu.memref_slice %arg6[%mul3A_0] : memref<10240xf32, #tpu.memory_space<hbm>> -> memref<640xf32, #tpu.memory_space<hbm>>
      tpu.wait_dma2 semaphore(%run_scoped3A : memref<!tpu.dma_semaphore, #tpu.memory_space<semaphore_mem>>) src(%dma_wait3A_33 : memref<640xf32, #tpu.memory_space<hbm>>) dst(%dma_wait3A_32 : memref<640xf32, #tpu.memory_space<vmem_shared>>)
      tpu.yield
    }) : () -> ()
    "tpu.region"() ({
      %run_scoped3A = tpu.sem_alloc : memref<!tpu.dma_semaphore, #tpu.memory_space<semaphore_mem>>
      tpu.enqueue_dma source(%arg2 : memref<10000xf32, #tpu.memory_space<hbm>>) target(%arg10 : memref<10000xf32, #tpu.memory_space<vmem>>) target_semaphore(%run_scoped3A : memref<!tpu.dma_semaphore, #tpu.memory_space<semaphore_mem>>)
      tpu.wait_dma2 semaphore(%run_scoped3A : memref<!tpu.dma_semaphore, #tpu.memory_space<semaphore_mem>>) src(%arg2 : memref<10000xf32, #tpu.memory_space<hbm>>) dst(%arg10 : memref<10000xf32, #tpu.memory_space<vmem>>)
      tpu.yield
    }) : () -> ()
    "tpu.region"() ({
      %run_scoped3A = tpu.sem_alloc : memref<!tpu.dma_semaphore, #tpu.memory_space<semaphore_mem>>
      tpu.enqueue_dma source(%arg3 : memref<10000xf32, #tpu.memory_space<hbm>>) target(%arg11 : memref<10000xf32, #tpu.memory_space<vmem>>) target_semaphore(%run_scoped3A : memref<!tpu.dma_semaphore, #tpu.memory_space<semaphore_mem>>)
      tpu.wait_dma2 semaphore(%run_scoped3A : memref<!tpu.dma_semaphore, #tpu.memory_space<semaphore_mem>>) src(%arg3 : memref<10000xf32, #tpu.memory_space<hbm>>) dst(%arg11 : memref<10000xf32, #tpu.memory_space<vmem>>)
      tpu.yield
    }) : () -> ()
    %mul3A_1 = arith.constant 16 : i32
    %mul3A_2 = arith.muli %arg0, %mul3A_1 : i32
    %add3A = arith.addi %mul3A_2, %arg1 : i32
    %mul3A_3 = arith.constant 10000 : i32
    %mul3A_4 = arith.muli %add3A, %mul3A_3 : i32
    "tpu.region"() ({
      %run_scoped3A = tpu.sem_alloc : memref<!tpu.dma_semaphore, #tpu.memory_space<semaphore_mem>>
      %dma_start3A = tpu.memref_slice %arg4[%mul3A_4] : memref<320000xi32, #tpu.memory_space<hbm>> -> memref<10000xi32, #tpu.memory_space<hbm>>
      %dma_start3A_31 = tpu.memref_slice %arg4[%mul3A_4] : memref<320000xi32, #tpu.memory_space<hbm>> -> memref<10000xi32, #tpu.memory_space<hbm>>
      tpu.enqueue_dma source(%dma_start3A_31 : memref<10000xi32, #tpu.memory_space<hbm>>) target(%arg12 : memref<10000xi32, #tpu.memory_space<vmem>>) target_semaphore(%run_scoped3A : memref<!tpu.dma_semaphore, #tpu.memory_space<semaphore_mem>>)
      %dma_wait3A_32 = tpu.memref_slice %arg4[%mul3A_4] : memref<320000xi32, #tpu.memory_space<hbm>> -> memref<10000xi32, #tpu.memory_space<hbm>>
      %dma_wait3A_33 = tpu.memref_slice %arg4[%mul3A_4] : memref<320000xi32, #tpu.memory_space<hbm>> -> memref<10000xi32, #tpu.memory_space<hbm>>
      tpu.wait_dma2 semaphore(%run_scoped3A : memref<!tpu.dma_semaphore, #tpu.memory_space<semaphore_mem>>) src(%dma_wait3A_33 : memref<10000xi32, #tpu.memory_space<hbm>>) dst(%arg12 : memref<10000xi32, #tpu.memory_space<vmem>>)
      tpu.yield
    }) : () -> ()
    "tpu.region"() ({
      %run_scoped3A = tpu.sem_alloc : memref<!tpu.dma_semaphore, #tpu.memory_space<semaphore_mem>>
      %dma_start3A = tpu.memref_slice %arg5[%mul3A_4] : memref<320000xi32, #tpu.memory_space<hbm>> -> memref<10000xi32, #tpu.memory_space<hbm>>
      %dma_start3A_31 = tpu.memref_slice %arg5[%mul3A_4] : memref<320000xi32, #tpu.memory_space<hbm>> -> memref<10000xi32, #tpu.memory_space<hbm>>
      tpu.enqueue_dma source(%dma_start3A_31 : memref<10000xi32, #tpu.memory_space<hbm>>) target(%arg13 : memref<10000xi32, #tpu.memory_space<vmem>>) target_semaphore(%run_scoped3A : memref<!tpu.dma_semaphore, #tpu.memory_space<semaphore_mem>>)
      %dma_wait3A_32 = tpu.memref_slice %arg5[%mul3A_4] : memref<320000xi32, #tpu.memory_space<hbm>> -> memref<10000xi32, #tpu.memory_space<hbm>>
      %dma_wait3A_33 = tpu.memref_slice %arg5[%mul3A_4] : memref<320000xi32, #tpu.memory_space<hbm>> -> memref<10000xi32, #tpu.memory_space<hbm>>
      tpu.wait_dma2 semaphore(%run_scoped3A : memref<!tpu.dma_semaphore, #tpu.memory_space<semaphore_mem>>) src(%dma_wait3A_33 : memref<10000xi32, #tpu.memory_space<hbm>>) dst(%arg13 : memref<10000xi32, #tpu.memory_space<vmem>>)
      tpu.yield
    }) : () -> ()
    %barrier3A = arith.constant 0 : index
    tpu.barrier barrier_id(%barrier3A)
    %scan3A = arith.constant 0 : i32
    %scan3A_5 = arith.constant 0 : i32
    %scan3A_6 = arith.constant 125 : i32
    %scan3A_7 = arith.addi %scan3A_5, %scan3A_6 : i32
    %scan3A_8 = arith.constant 1 : i32
    scf.for %scan3A_31 = %scan3A_5 to %scan3A_7 step %scan3A_8  : i32 {
      %jit3A = arith.constant 2 : i32
      %eq3A = arith.constant 0 : i32
      %eq3A_32 = arith.cmpi eq, %jit3A, %eq3A : i32
      %jit3A_33 = arith.constant 1 : i32
      %select_n3A = arith.select %eq3A_32, %jit3A_33, %jit3A : i32
      %rem3A = arith.remsi %scan3A_31, %select_n3A : i32
      %ne3A = arith.constant 0 : i32
      %ne3A_34 = arith.cmpi ne, %rem3A, %ne3A : i32
      %lt3A = arith.constant 0 : i32
      %lt3A_35 = arith.cmpi slt, %rem3A, %lt3A : i32
      %lt3A_36 = arith.constant 0 : i32
      %lt3A_37 = arith.cmpi slt, %select_n3A, %lt3A_36 : i32
      %ne3A_38 = arith.xori %lt3A_35, %lt3A_37 : i1
      %and3A = arith.andi %ne3A_38, %ne3A_34 : i1
      %add3A_39 = arith.addi %rem3A, %select_n3A : i32
      %select_n3A_40 = arith.select %and3A, %add3A_39, %rem3A : i32
      %eq3A_41 = arith.constant 0 : i32
      %eq3A_42 = arith.cmpi eq, %select_n3A_40, %eq3A_41 : i32
      %convert_element_type3A = arith.extui %eq3A_42 : i1 to i32
      %cond3A = arith.constant 0 : i32
      %cond3A_43 = arith.cmpi ne, %convert_element_type3A, %cond3A : i32
      scf.if %cond3A_43 {
        %ge3A = arith.constant 2 : i32
        %ge3A_65 = arith.cmpi sge, %scan3A_31, %ge3A : i32
        %convert_element_type3A_66 = arith.extui %ge3A_65 : i1 to i32
        %cond3A_67 = arith.constant 0 : i32
        %cond3A_68 = arith.cmpi ne, %convert_element_type3A_66, %cond3A_67 : i32
        scf.if %cond3A_68 {
          %dma_wait3A_124 = arith.constant 0 : i32
          %dma_wait3A_125 = tpu.memref_slice %arg13[%dma_wait3A_124] : memref<10000xi32, #tpu.memory_space<vmem>> -> memref<80xi32, #tpu.memory_space<vmem>>
          %dma_wait3A_126 = arith.constant 0 : i32
          %dma_wait3A_127 = tpu.memref_slice %arg8[%dma_wait3A_126] : memref<10240xf32, #tpu.memory_space<vmem_shared>> -> memref<10240xf32, #tpu.memory_space<vmem_shared>>
          tpu.wait_indirect_dma semaphore(%arg18 : memref<!tpu.dma_semaphore, #tpu.memory_space<semaphore_mem>>) src(%arg14 : memref<80xf32, #tpu.memory_space<vmem>>) dst(%dma_wait3A_127 : memref<10240xf32, #tpu.memory_space<vmem_shared>>)
          %dma_wait3A_128 = arith.constant 0 : i32
          %dma_wait3A_129 = tpu.memref_slice %arg13[%dma_wait3A_128] : memref<10000xi32, #tpu.memory_space<vmem>> -> memref<80xi32, #tpu.memory_space<vmem>>
          %dma_wait3A_130 = arith.constant 0 : i32
          %dma_wait3A_131 = tpu.memref_slice %arg8[%dma_wait3A_130] : memref<10240xf32, #tpu.memory_space<vmem_shared>> -> memref<10240xf32, #tpu.memory_space<vmem_shared>>
          tpu.wait_indirect_dma semaphore(%arg18 : memref<!tpu.dma_semaphore, #tpu.memory_space<semaphore_mem>>) src(%arg14 : memref<80xf32, #tpu.memory_space<vmem>>) dst(%dma_wait3A_131 : memref<10240xf32, #tpu.memory_space<vmem_shared>>)
        } else {
        }
        %mul3A_69 = arith.constant 80 : i32
        %mul3A_70 = arith.muli %scan3A_31, %mul3A_69 : i32
        %multiple_of3A_71 = tpu.assume_multiple %mul3A_70, 8 : i32
        %add3A_72 = arith.constant 0 : i32
        %add3A_73 = arith.addi %multiple_of3A_71, %add3A_72 : i32
        %get3A = arith.index_cast %add3A_73 : i32 to index
        %get3A_74 = tpu.vector_load %arg12[%get3A] {strides = array<i32>} : memref<10000xi32, #tpu.memory_space<vmem>>, vector<16xi32>,
        %gather3A = tpu.vector_load_idx %arg10[%get3A_74] : memref<10000xf32, #tpu.memory_space<vmem>>[vector<16xi32>], vector<16xf32>,
        %swap3A = arith.constant 0 : index
        %swap3A_75 = tpu.vector_load %arg14[%swap3A] {strides = array<i32>} : memref<80xf32, #tpu.memory_space<vmem>>, vector<16xf32>,
        tpu.vector_store %arg14[%swap3A], %gather3A {strides = array<i32>} : memref<80xf32, #tpu.memory_space<vmem>>, vector<16xf32>,
        %gather3A_76 = tpu.vector_load_idx %arg11[%get3A_74] : memref<10000xf32, #tpu.memory_space<vmem>>[vector<16xi32>], vector<16xf32>,
        %swap3A_77 = arith.constant 0 : index
        %swap3A_78 = tpu.vector_load %arg15[%swap3A_77] {strides = array<i32>} : memref<80xf32, #tpu.memory_space<vmem>>, vector<16xf32>,
        tpu.vector_store %arg15[%swap3A_77], %gather3A_76 {strides = array<i32>} : memref<80xf32, #tpu.memory_space<vmem>>, vector<16xf32>,
        %add3A_79 = arith.constant 16 : i32
        %add3A_80 = arith.addi %multiple_of3A_71, %add3A_79 : i32
        %get3A_81 = arith.index_cast %add3A_80 : i32 to index
        %get3A_82 = tpu.vector_load %arg12[%get3A_81] {strides = array<i32>} : memref<10000xi32, #tpu.memory_space<vmem>>, vector<16xi32>,
        %gather3A_83 = tpu.vector_load_idx %arg10[%get3A_82] : memref<10000xf32, #tpu.memory_space<vmem>>[vector<16xi32>], vector<16xf32>,
        %swap3A_84 = arith.constant 16 : index
        %swap3A_85 = tpu.vector_load %arg14[%swap3A_84] {strides = array<i32>} : memref<80xf32, #tpu.memory_space<vmem>>, vector<16xf32>,
        tpu.vector_store %arg14[%swap3A_84], %gather3A_83 {strides = array<i32>} : memref<80xf32, #tpu.memory_space<vmem>>, vector<16xf32>,
        %gather3A_86 = tpu.vector_load_idx %arg11[%get3A_82] : memref<10000xf32, #tpu.memory_space<vmem>>[vector<16xi32>], vector<16xf32>,
        %swap3A_87 = arith.constant 16 : index
        %swap3A_88 = tpu.vector_load %arg15[%swap3A_87] {strides = array<i32>} : memref<80xf32, #tpu.memory_space<vmem>>, vector<16xf32>,
        tpu.vector_store %arg15[%swap3A_87], %gather3A_86 {strides = array<i32>} : memref<80xf32, #tpu.memory_space<vmem>>, vector<16xf32>,
        %add3A_89 = arith.constant 32 : i32
        %add3A_90 = arith.addi %multiple_of3A_71, %add3A_89 : i32
        %get3A_91 = arith.index_cast %add3A_90 : i32 to index
        %get3A_92 = tpu.vector_load %arg12[%get3A_91] {strides = array<i32>} : memref<10000xi32, #tpu.memory_space<vmem>>, vector<16xi32>,
        %gather3A_93 = tpu.vector_load_idx %arg10[%get3A_92] : memref<10000xf32, #tpu.memory_space<vmem>>[vector<16xi32>], vector<16xf32>,
        %swap3A_94 = arith.constant 32 : index
        %swap3A_95 = tpu.vector_load %arg14[%swap3A_94] {strides = array<i32>} : memref<80xf32, #tpu.memory_space<vmem>>, vector<16xf32>,
        tpu.vector_store %arg14[%swap3A_94], %gather3A_93 {strides = array<i32>} : memref<80xf32, #tpu.memory_space<vmem>>, vector<16xf32>,
        %gather3A_96 = tpu.vector_load_idx %arg11[%get3A_92] : memref<10000xf32, #tpu.memory_space<vmem>>[vector<16xi32>], vector<16xf32>,
        %swap3A_97 = arith.constant 32 : index
        %swap3A_98 = tpu.vector_load %arg15[%swap3A_97] {strides = array<i32>} : memref<80xf32, #tpu.memory_space<vmem>>, vector<16xf32>,
        tpu.vector_store %arg15[%swap3A_97], %gather3A_96 {strides = array<i32>} : memref<80xf32, #tpu.memory_space<vmem>>, vector<16xf32>,
        %add3A_99 = arith.constant 48 : i32
        %add3A_100 = arith.addi %multiple_of3A_71, %add3A_99 : i32
        %get3A_101 = arith.index_cast %add3A_100 : i32 to index
        %get3A_102 = tpu.vector_load %arg12[%get3A_101] {strides = array<i32>} : memref<10000xi32, #tpu.memory_space<vmem>>, vector<16xi32>,
        %gather3A_103 = tpu.vector_load_idx %arg10[%get3A_102] : memref<10000xf32, #tpu.memory_space<vmem>>[vector<16xi32>], vector<16xf32>,
        %swap3A_104 = arith.constant 48 : index
        %swap3A_105 = tpu.vector_load %arg14[%swap3A_104] {strides = array<i32>} : memref<80xf32, #tpu.memory_space<vmem>>, vector<16xf32>,
        tpu.vector_store %arg14[%swap3A_104], %gather3A_103 {strides = array<i32>} : memref<80xf32, #tpu.memory_space<vmem>>, vector<16xf32>,
        %gather3A_106 = tpu.vector_load_idx %arg11[%get3A_102] : memref<10000xf32, #tpu.memory_space<vmem>>[vector<16xi32>], vector<16xf32>,
        %swap3A_107 = arith.constant 48 : index
        %swap3A_108 = tpu.vector_load %arg15[%swap3A_107] {strides = array<i32>} : memref<80xf32, #tpu.memory_space<vmem>>, vector<16xf32>,
        tpu.vector_store %arg15[%swap3A_107], %gather3A_106 {strides = array<i32>} : memref<80xf32, #tpu.memory_space<vmem>>, vector<16xf32>,
        %add3A_109 = arith.constant 64 : i32
        %add3A_110 = arith.addi %multiple_of3A_71, %add3A_109 : i32
        %get3A_111 = arith.index_cast %add3A_110 : i32 to index
        %get3A_112 = tpu.vector_load %arg12[%get3A_111] {strides = array<i32>} : memref<10000xi32, #tpu.memory_space<vmem>>, vector<16xi32>,
        %gather3A_113 = tpu.vector_load_idx %arg10[%get3A_112] : memref<10000xf32, #tpu.memory_space<vmem>>[vector<16xi32>], vector<16xf32>,
        %swap3A_114 = arith.constant 64 : index
        %swap3A_115 = tpu.vector_load %arg14[%swap3A_114] {strides = array<i32>} : memref<80xf32, #tpu.memory_space<vmem>>, vector<16xf32>,
        tpu.vector_store %arg14[%swap3A_114], %gather3A_113 {strides = array<i32>} : memref<80xf32, #tpu.memory_space<vmem>>, vector<16xf32>,
        %gather3A_116 = tpu.vector_load_idx %arg11[%get3A_112] : memref<10000xf32, #tpu.memory_space<vmem>>[vector<16xi32>], vector<16xf32>,
        %swap3A_117 = arith.constant 64 : index
        %swap3A_118 = tpu.vector_load %arg15[%swap3A_117] {strides = array<i32>} : memref<80xf32, #tpu.memory_space<vmem>>, vector<16xf32>,
        tpu.vector_store %arg15[%swap3A_117], %gather3A_116 {strides = array<i32>} : memref<80xf32, #tpu.memory_space<vmem>>, vector<16xf32>,
        %dma_start3A = tpu.memref_slice %arg13[%multiple_of3A_71] : memref<10000xi32, #tpu.memory_space<vmem>> -> memref<80xi32, #tpu.memory_space<vmem>>
        %dma_start3A_119 = arith.constant 0 : i32
        %dma_start3A_120 = tpu.memref_slice %arg8[%dma_start3A_119] : memref<10240xf32, #tpu.memory_space<vmem_shared>> -> memref<10240xf32, #tpu.memory_space<vmem_shared>>
        tpu.enqueue_indirect_dma source(%arg14 : memref<80xf32, #tpu.memory_space<vmem>>) target(%dma_start3A_120 : memref<10240xf32, #tpu.memory_space<vmem_shared>>) offsets(%dma_start3A : memref<80xi32, #tpu.memory_space<vmem>>) semaphore(%arg18 : memref<!tpu.dma_semaphore, #tpu.memory_space<semaphore_mem>>) {add = true}
        %dma_start3A_121 = tpu.memref_slice %arg13[%multiple_of3A_71] : memref<10000xi32, #tpu.memory_space<vmem>> -> memref<80xi32, #tpu.memory_space<vmem>>
        %dma_start3A_122 = arith.constant 0 : i32
        %dma_start3A_123 = tpu.memref_slice %arg9[%dma_start3A_122] : memref<10240xf32, #tpu.memory_space<vmem_shared>> -> memref<10240xf32, #tpu.memory_space<vmem_shared>>
        tpu.enqueue_indirect_dma source(%arg15 : memref<80xf32, #tpu.memory_space<vmem>>) target(%dma_start3A_123 : memref<10240xf32, #tpu.memory_space<vmem_shared>>) offsets(%dma_start3A_121 : memref<80xi32, #tpu.memory_space<vmem>>) semaphore(%arg18 : memref<!tpu.dma_semaphore, #tpu.memory_space<semaphore_mem>>) {add = true}
      } else {
      }
      %jit3A_44 = arith.constant 2 : i32
      %eq3A_45 = arith.constant 0 : i32
      %eq3A_46 = arith.cmpi eq, %jit3A_44, %eq3A_45 : i32
      %jit3A_47 = arith.constant 1 : i32
      %select_n3A_48 = arith.select %eq3A_46, %jit3A_47, %jit3A_44 : i32
      %rem3A_49 = arith.remsi %scan3A_31, %select_n3A_48 : i32
      %ne3A_50 = arith.constant 0 : i32
      %ne3A_51 = arith.cmpi ne, %rem3A_49, %ne3A_50 : i32
      %lt3A_52 = arith.constant 0 : i32
      %lt3A_53 = arith.cmpi slt, %rem3A_49, %lt3A_52 : i32
      %lt3A_54 = arith.constant 0 : i32
      %lt3A_55 = arith.cmpi slt, %select_n3A_48, %lt3A_54 : i32
      %ne3A_56 = arith.xori %lt3A_53, %lt3A_55 : i1
      %and3A_57 = arith.andi %ne3A_56, %ne3A_51 : i1
      %add3A_58 = arith.addi %rem3A_49, %select_n3A_48 : i32
      %select_n3A_59 = arith.select %and3A_57, %add3A_58, %rem3A_49 : i32
      %eq3A_60 = arith.constant 1 : i32
      %eq3A_61 = arith.cmpi eq, %select_n3A_59, %eq3A_60 : i32
      %convert_element_type3A_62 = arith.extui %eq3A_61 : i1 to i32
      %cond3A_63 = arith.constant 0 : i32
      %cond3A_64 = arith.cmpi ne, %convert_element_type3A_62, %cond3A_63 : i32
      scf.if %cond3A_64 {
        %ge3A = arith.constant 2 : i32
        %ge3A_65 = arith.cmpi sge, %scan3A_31, %ge3A : i32
        %convert_element_type3A_66 = arith.extui %ge3A_65 : i1 to i32
        %cond3A_67 = arith.constant 0 : i32
        %cond3A_68 = arith.cmpi ne, %convert_element_type3A_66, %cond3A_67 : i32
        scf.if %cond3A_68 {
          %dma_wait3A_124 = arith.constant 0 : i32
          %dma_wait3A_125 = tpu.memref_slice %arg13[%dma_wait3A_124] : memref<10000xi32, #tpu.memory_space<vmem>> -> memref<80xi32, #tpu.memory_space<vmem>>
          %dma_wait3A_126 = arith.constant 0 : i32
          %dma_wait3A_127 = tpu.memref_slice %arg8[%dma_wait3A_126] : memref<10240xf32, #tpu.memory_space<vmem_shared>> -> memref<10240xf32, #tpu.memory_space<vmem_shared>>
          tpu.wait_indirect_dma semaphore(%arg19 : memref<!tpu.dma_semaphore, #tpu.memory_space<semaphore_mem>>) src(%arg16 : memref<80xf32, #tpu.memory_space<vmem>>) dst(%dma_wait3A_127 : memref<10240xf32, #tpu.memory_space<vmem_shared>>)
          %dma_wait3A_128 = arith.constant 0 : i32
          %dma_wait3A_129 = tpu.memref_slice %arg13[%dma_wait3A_128] : memref<10000xi32, #tpu.memory_space<vmem>> -> memref<80xi32, #tpu.memory_space<vmem>>
          %dma_wait3A_130 = arith.constant 0 : i32
          %dma_wait3A_131 = tpu.memref_slice %arg8[%dma_wait3A_130] : memref<10240xf32, #tpu.memory_space<vmem_shared>> -> memref<10240xf32, #tpu.memory_space<vmem_shared>>
          tpu.wait_indirect_dma semaphore(%arg19 : memref<!tpu.dma_semaphore, #tpu.memory_space<semaphore_mem>>) src(%arg16 : memref<80xf32, #tpu.memory_space<vmem>>) dst(%dma_wait3A_131 : memref<10240xf32, #tpu.memory_space<vmem_shared>>)
        } else {
        }
        %mul3A_69 = arith.constant 80 : i32
        %mul3A_70 = arith.muli %scan3A_31, %mul3A_69 : i32
        %multiple_of3A_71 = tpu.assume_multiple %mul3A_70, 8 : i32
        %add3A_72 = arith.constant 0 : i32
        %add3A_73 = arith.addi %multiple_of3A_71, %add3A_72 : i32
        %get3A = arith.index_cast %add3A_73 : i32 to index
        %get3A_74 = tpu.vector_load %arg12[%get3A] {strides = array<i32>} : memref<10000xi32, #tpu.memory_space<vmem>>, vector<16xi32>,
        %gather3A = tpu.vector_load_idx %arg10[%get3A_74] : memref<10000xf32, #tpu.memory_space<vmem>>[vector<16xi32>], vector<16xf32>,
        %swap3A = arith.constant 0 : index
        %swap3A_75 = tpu.vector_load %arg16[%swap3A] {strides = array<i32>} : memref<80xf32, #tpu.memory_space<vmem>>, vector<16xf32>,
        tpu.vector_store %arg16[%swap3A], %gather3A {strides = array<i32>} : memref<80xf32, #tpu.memory_space<vmem>>, vector<16xf32>,
        %gather3A_76 = tpu.vector_load_idx %arg11[%get3A_74] : memref<10000xf32, #tpu.memory_space<vmem>>[vector<16xi32>], vector<16xf32>,
        %swap3A_77 = arith.constant 0 : index
        %swap3A_78 = tpu.vector_load %arg17[%swap3A_77] {strides = array<i32>} : memref<80xf32, #tpu.memory_space<vmem>>, vector<16xf32>,
        tpu.vector_store %arg17[%swap3A_77], %gather3A_76 {strides = array<i32>} : memref<80xf32, #tpu.memory_space<vmem>>, vector<16xf32>,
        %add3A_79 = arith.constant 16 : i32
        %add3A_80 = arith.addi %multiple_of3A_71, %add3A_79 : i32
        %get3A_81 = arith.index_cast %add3A_80 : i32 to index
        %get3A_82 = tpu.vector_load %arg12[%get3A_81] {strides = array<i32>} : memref<10000xi32, #tpu.memory_space<vmem>>, vector<16xi32>,
        %gather3A_83 = tpu.vector_load_idx %arg10[%get3A_82] : memref<10000xf32, #tpu.memory_space<vmem>>[vector<16xi32>], vector<16xf32>,
        %swap3A_84 = arith.constant 16 : index
        %swap3A_85 = tpu.vector_load %arg16[%swap3A_84] {strides = array<i32>} : memref<80xf32, #tpu.memory_space<vmem>>, vector<16xf32>,
        tpu.vector_store %arg16[%swap3A_84], %gather3A_83 {strides = array<i32>} : memref<80xf32, #tpu.memory_space<vmem>>, vector<16xf32>,
        %gather3A_86 = tpu.vector_load_idx %arg11[%get3A_82] : memref<10000xf32, #tpu.memory_space<vmem>>[vector<16xi32>], vector<16xf32>,
        %swap3A_87 = arith.constant 16 : index
        %swap3A_88 = tpu.vector_load %arg17[%swap3A_87] {strides = array<i32>} : memref<80xf32, #tpu.memory_space<vmem>>, vector<16xf32>,
        tpu.vector_store %arg17[%swap3A_87], %gather3A_86 {strides = array<i32>} : memref<80xf32, #tpu.memory_space<vmem>>, vector<16xf32>,
        %add3A_89 = arith.constant 32 : i32
        %add3A_90 = arith.addi %multiple_of3A_71, %add3A_89 : i32
        %get3A_91 = arith.index_cast %add3A_90 : i32 to index
        %get3A_92 = tpu.vector_load %arg12[%get3A_91] {strides = array<i32>} : memref<10000xi32, #tpu.memory_space<vmem>>, vector<16xi32>,
        %gather3A_93 = tpu.vector_load_idx %arg10[%get3A_92] : memref<10000xf32, #tpu.memory_space<vmem>>[vector<16xi32>], vector<16xf32>,
        %swap3A_94 = arith.constant 32 : index
        %swap3A_95 = tpu.vector_load %arg16[%swap3A_94] {strides = array<i32>} : memref<80xf32, #tpu.memory_space<vmem>>, vector<16xf32>,
        tpu.vector_store %arg16[%swap3A_94], %gather3A_93 {strides = array<i32>} : memref<80xf32, #tpu.memory_space<vmem>>, vector<16xf32>,
        %gather3A_96 = tpu.vector_load_idx %arg11[%get3A_92] : memref<10000xf32, #tpu.memory_space<vmem>>[vector<16xi32>], vector<16xf32>,
        %swap3A_97 = arith.constant 32 : index
        %swap3A_98 = tpu.vector_load %arg17[%swap3A_97] {strides = array<i32>} : memref<80xf32, #tpu.memory_space<vmem>>, vector<16xf32>,
        tpu.vector_store %arg17[%swap3A_97], %gather3A_96 {strides = array<i32>} : memref<80xf32, #tpu.memory_space<vmem>>, vector<16xf32>,
        %add3A_99 = arith.constant 48 : i32
        %add3A_100 = arith.addi %multiple_of3A_71, %add3A_99 : i32
        %get3A_101 = arith.index_cast %add3A_100 : i32 to index
        %get3A_102 = tpu.vector_load %arg12[%get3A_101] {strides = array<i32>} : memref<10000xi32, #tpu.memory_space<vmem>>, vector<16xi32>,
        %gather3A_103 = tpu.vector_load_idx %arg10[%get3A_102] : memref<10000xf32, #tpu.memory_space<vmem>>[vector<16xi32>], vector<16xf32>,
        %swap3A_104 = arith.constant 48 : index
        %swap3A_105 = tpu.vector_load %arg16[%swap3A_104] {strides = array<i32>} : memref<80xf32, #tpu.memory_space<vmem>>, vector<16xf32>,
        tpu.vector_store %arg16[%swap3A_104], %gather3A_103 {strides = array<i32>} : memref<80xf32, #tpu.memory_space<vmem>>, vector<16xf32>,
        %gather3A_106 = tpu.vector_load_idx %arg11[%get3A_102] : memref<10000xf32, #tpu.memory_space<vmem>>[vector<16xi32>], vector<16xf32>,
        %swap3A_107 = arith.constant 48 : index
        %swap3A_108 = tpu.vector_load %arg17[%swap3A_107] {strides = array<i32>} : memref<80xf32, #tpu.memory_space<vmem>>, vector<16xf32>,
        tpu.vector_store %arg17[%swap3A_107], %gather3A_106 {strides = array<i32>} : memref<80xf32, #tpu.memory_space<vmem>>, vector<16xf32>,
        %add3A_109 = arith.constant 64 : i32
        %add3A_110 = arith.addi %multiple_of3A_71, %add3A_109 : i32
        %get3A_111 = arith.index_cast %add3A_110 : i32 to index
        %get3A_112 = tpu.vector_load %arg12[%get3A_111] {strides = array<i32>} : memref<10000xi32, #tpu.memory_space<vmem>>, vector<16xi32>,
        %gather3A_113 = tpu.vector_load_idx %arg10[%get3A_112] : memref<10000xf32, #tpu.memory_space<vmem>>[vector<16xi32>], vector<16xf32>,
        %swap3A_114 = arith.constant 64 : index
        %swap3A_115 = tpu.vector_load %arg16[%swap3A_114] {strides = array<i32>} : memref<80xf32, #tpu.memory_space<vmem>>, vector<16xf32>,
        tpu.vector_store %arg16[%swap3A_114], %gather3A_113 {strides = array<i32>} : memref<80xf32, #tpu.memory_space<vmem>>, vector<16xf32>,
        %gather3A_116 = tpu.vector_load_idx %arg11[%get3A_112] : memref<10000xf32, #tpu.memory_space<vmem>>[vector<16xi32>], vector<16xf32>,
        %swap3A_117 = arith.constant 64 : index
        %swap3A_118 = tpu.vector_load %arg17[%swap3A_117] {strides = array<i32>} : memref<80xf32, #tpu.memory_space<vmem>>, vector<16xf32>,
        tpu.vector_store %arg17[%swap3A_117], %gather3A_116 {strides = array<i32>} : memref<80xf32, #tpu.memory_space<vmem>>, vector<16xf32>,
        %dma_start3A = tpu.memref_slice %arg13[%multiple_of3A_71] : memref<10000xi32, #tpu.memory_space<vmem>> -> memref<80xi32, #tpu.memory_space<vmem>>
        %dma_start3A_119 = arith.constant 0 : i32
        %dma_start3A_120 = tpu.memref_slice %arg8[%dma_start3A_119] : memref<10240xf32, #tpu.memory_space<vmem_shared>> -> memref<10240xf32, #tpu.memory_space<vmem_shared>>
        tpu.enqueue_indirect_dma source(%arg16 : memref<80xf32, #tpu.memory_space<vmem>>) target(%dma_start3A_120 : memref<10240xf32, #tpu.memory_space<vmem_shared>>) offsets(%dma_start3A : memref<80xi32, #tpu.memory_space<vmem>>) semaphore(%arg19 : memref<!tpu.dma_semaphore, #tpu.memory_space<semaphore_mem>>) {add = true}
        %dma_start3A_121 = tpu.memref_slice %arg13[%multiple_of3A_71] : memref<10000xi32, #tpu.memory_space<vmem>> -> memref<80xi32, #tpu.memory_space<vmem>>
        %dma_start3A_122 = arith.constant 0 : i32
        %dma_start3A_123 = tpu.memref_slice %arg9[%dma_start3A_122] : memref<10240xf32, #tpu.memory_space<vmem_shared>> -> memref<10240xf32, #tpu.memory_space<vmem_shared>>
        tpu.enqueue_indirect_dma source(%arg17 : memref<80xf32, #tpu.memory_space<vmem>>) target(%dma_start3A_123 : memref<10240xf32, #tpu.memory_space<vmem_shared>>) offsets(%dma_start3A_121 : memref<80xi32, #tpu.memory_space<vmem>>) semaphore(%arg19 : memref<!tpu.dma_semaphore, #tpu.memory_space<semaphore_mem>>) {add = true}
      } else {
      }
    }
    %scan3A_9 = arith.constant 125 : i32
    %dma_wait3A = arith.constant 0 : i32
    %dma_wait3A_10 = tpu.memref_slice %arg13[%dma_wait3A] : memref<10000xi32, #tpu.memory_space<vmem>> -> memref<80xi32, #tpu.memory_space<vmem>>
    %dma_wait3A_11 = arith.constant 0 : i32
    %dma_wait3A_12 = tpu.memref_slice %arg8[%dma_wait3A_11] : memref<10240xf32, #tpu.memory_space<vmem_shared>> -> memref<10240xf32, #tpu.memory_space<vmem_shared>>
    tpu.wait_indirect_dma semaphore(%arg18 : memref<!tpu.dma_semaphore, #tpu.memory_space<semaphore_mem>>) src(%arg14 : memref<80xf32, #tpu.memory_space<vmem>>) dst(%dma_wait3A_12 : memref<10240xf32, #tpu.memory_space<vmem_shared>>)
    %dma_wait3A_13 = arith.constant 0 : i32
    %dma_wait3A_14 = tpu.memref_slice %arg13[%dma_wait3A_13] : memref<10000xi32, #tpu.memory_space<vmem>> -> memref<80xi32, #tpu.memory_space<vmem>>
    %dma_wait3A_15 = arith.constant 0 : i32
    %dma_wait3A_16 = tpu.memref_slice %arg8[%dma_wait3A_15] : memref<10240xf32, #tpu.memory_space<vmem_shared>> -> memref<10240xf32, #tpu.memory_space<vmem_shared>>
    tpu.wait_indirect_dma semaphore(%arg18 : memref<!tpu.dma_semaphore, #tpu.memory_space<semaphore_mem>>) src(%arg14 : memref<80xf32, #tpu.memory_space<vmem>>) dst(%dma_wait3A_16 : memref<10240xf32, #tpu.memory_space<vmem_shared>>)
    %dma_wait3A_17 = arith.constant 0 : i32
    %dma_wait3A_18 = tpu.memref_slice %arg13[%dma_wait3A_17] : memref<10000xi32, #tpu.memory_space<vmem>> -> memref<80xi32, #tpu.memory_space<vmem>>
    %dma_wait3A_19 = arith.constant 0 : i32
    %dma_wait3A_20 = tpu.memref_slice %arg8[%dma_wait3A_19] : memref<10240xf32, #tpu.memory_space<vmem_shared>> -> memref<10240xf32, #tpu.memory_space<vmem_shared>>
    tpu.wait_indirect_dma semaphore(%arg19 : memref<!tpu.dma_semaphore, #tpu.memory_space<semaphore_mem>>) src(%arg16 : memref<80xf32, #tpu.memory_space<vmem>>) dst(%dma_wait3A_20 : memref<10240xf32, #tpu.memory_space<vmem_shared>>)
    %dma_wait3A_21 = arith.constant 0 : i32
    %dma_wait3A_22 = tpu.memref_slice %arg13[%dma_wait3A_21] : memref<10000xi32, #tpu.memory_space<vmem>> -> memref<80xi32, #tpu.memory_space<vmem>>
    %dma_wait3A_23 = arith.constant 0 : i32
    %dma_wait3A_24 = tpu.memref_slice %arg8[%dma_wait3A_23] : memref<10240xf32, #tpu.memory_space<vmem_shared>> -> memref<10240xf32, #tpu.memory_space<vmem_shared>>
    tpu.wait_indirect_dma semaphore(%arg19 : memref<!tpu.dma_semaphore, #tpu.memory_space<semaphore_mem>>) src(%arg16 : memref<80xf32, #tpu.memory_space<vmem>>) dst(%dma_wait3A_24 : memref<10240xf32, #tpu.memory_space<vmem_shared>>)
    %barrier3A_25 = arith.constant 0 : index
    tpu.barrier barrier_id(%barrier3A_25)
    %mul3A_26 = arith.constant 20480 : i32
    %mul3A_27 = arith.muli %arg0, %mul3A_26 : i32
    %add3A_28 = arith.addi %mul3A_27, %mul3A_0 : i32
    %multiple_of3A = tpu.assume_multiple %add3A_28, 8 : i32
    "tpu.region"() ({
      %run_scoped3A = tpu.sem_alloc : memref<!tpu.dma_semaphore, #tpu.memory_space<semaphore_mem>>
      %dma_start3A = tpu.memref_slice %arg7[%multiple_of3A] : memref<40960xf32, #tpu.memory_space<hbm>> -> memref<640xf32, #tpu.memory_space<hbm>>
      %dma_start3A_31 = tpu.memref_slice %arg8[%mul3A_0] : memref<10240xf32, #tpu.memory_space<vmem_shared>> -> memref<640xf32, #tpu.memory_space<vmem_shared>>
      tpu.enqueue_dma source(%dma_start3A_31 : memref<640xf32, #tpu.memory_space<vmem_shared>>) target(%dma_start3A : memref<640xf32, #tpu.memory_space<hbm>>) target_semaphore(%run_scoped3A : memref<!tpu.dma_semaphore, #tpu.memory_space<semaphore_mem>>)
      %dma_wait3A_32 = tpu.memref_slice %arg7[%multiple_of3A] : memref<40960xf32, #tpu.memory_space<hbm>> -> memref<640xf32, #tpu.memory_space<hbm>>
      %dma_wait3A_33 = tpu.memref_slice %arg8[%mul3A_0] : memref<10240xf32, #tpu.memory_space<vmem_shared>> -> memref<640xf32, #tpu.memory_space<vmem_shared>>
      tpu.wait_dma2 semaphore(%run_scoped3A : memref<!tpu.dma_semaphore, #tpu.memory_space<semaphore_mem>>) src(%dma_wait3A_33 : memref<640xf32, #tpu.memory_space<vmem_shared>>) dst(%dma_wait3A_32 : memref<640xf32, #tpu.memory_space<hbm>>)
      tpu.yield
    }) : () -> ()
    %add3A_29 = arith.constant 10240 : i32
    %add3A_30 = arith.addi %multiple_of3A, %add3A_29 : i32
    "tpu.region"() ({
      %run_scoped3A = tpu.sem_alloc : memref<!tpu.dma_semaphore, #tpu.memory_space<semaphore_mem>>
      %dma_start3A = tpu.memref_slice %arg7[%add3A_30] : memref<40960xf32, #tpu.memory_space<hbm>> -> memref<640xf32, #tpu.memory_space<hbm>>
      %dma_start3A_31 = tpu.memref_slice %arg9[%mul3A_0] : memref<10240xf32, #tpu.memory_space<vmem_shared>> -> memref<640xf32, #tpu.memory_space<vmem_shared>>
      tpu.enqueue_dma source(%dma_start3A_31 : memref<640xf32, #tpu.memory_space<vmem_shared>>) target(%dma_start3A : memref<640xf32, #tpu.memory_space<hbm>>) target_semaphore(%run_scoped3A : memref<!tpu.dma_semaphore, #tpu.memory_space<semaphore_mem>>)
      %dma_wait3A_32 = tpu.memref_slice %arg7[%add3A_30] : memref<40960xf32, #tpu.memory_space<hbm>> -> memref<640xf32, #tpu.memory_space<hbm>>
      %dma_wait3A_33 = tpu.memref_slice %arg9[%mul3A_0] : memref<10240xf32, #tpu.memory_space<vmem_shared>> -> memref<640xf32, #tpu.memory_space<vmem_shared>>
      tpu.wait_dma2 semaphore(%run_scoped3A : memref<!tpu.dma_semaphore, #tpu.memory_space<semaphore_mem>>) src(%dma_wait3A_33 : memref<640xf32, #tpu.memory_space<vmem_shared>>) dst(%dma_wait3A_32 : memref<640xf32, #tpu.memory_space<hbm>>)
      tpu.yield
    }) : () -> ()
    return
  }
}

module attributes {stable_mosaic.version = 14 : i64} {
  func.func @body(%arg0: i32, %arg1: memref<1000x128xf32, #tpu.memory_space<vmem>>, %arg2: memref<128x128xf32, #tpu.memory_space<vmem>>, %arg3: memref<1000x2xf32, #tpu.memory_space<vmem>>, %arg4: memref<1000x128xf32, #tpu.memory_space<vmem>>) attributes {dimension_semantics = [#tpu.dimension_semantics<arbitrary>], iteration_bounds = array<i64: 10>, scalar_prefetch = 0 : i64, scratch_operands = 0 : i64, tpu.core_type = #tpu.core_type<tc>, window_params = [{transform_indices = @transform_0, window_bounds = array<i64: 1000, 128>}, {pipeline_mode = #tpu.pipeline_mode<synchronous>, transform_indices = @transform_1, window_bounds = array<i64: 128, 128>}, {transform_indices = @transform_2, window_bounds = array<i64: 1000, 2>}, {transform_indices = @transform_3, window_bounds = array<i64: 1000, 128>}]} {
    %get3A = arith.constant 0 : index
    %get3A_0 = arith.constant 0 : index
    %get3A_1 = vector.load %arg3[%get3A, %get3A_0] : memref<1000x2xf32, #tpu.memory_space<vmem>>, vector<1000x1xf32>
    %max3A = arith.constant 1.000000e+00 : f32
    %max3A_2 = vector.broadcast %max3A : f32 to vector<1000x1xf32>
    %max3A_3 = arith.maximumf %get3A_1, %max3A_2 : vector<1000x1xf32>
    %rsqrt3A = math.rsqrt %max3A_3 : vector<1000x1xf32>
    %get3A_4 = arith.constant 0 : index
    %get3A_5 = arith.constant 0 : index
    %get3A_6 = vector.load %arg1[%get3A_4, %get3A_5] : memref<1000x128xf32, #tpu.memory_space<vmem>>, vector<1000x128xf32>
    %get3A_7 = arith.constant 0 : index
    %get3A_8 = arith.constant 0 : index
    %get3A_9 = vector.load %arg2[%get3A_7, %get3A_8] : memref<128x128xf32, #tpu.memory_space<vmem>>, vector<128x128xf32>
    %dot_general3A = arith.constant dense<0.000000e+00> : vector<1000x128xf32>
    %dot_general3A_10 = tpu.matmul %get3A_6, %get3A_9, %dot_general3A {dimension_numbers = #tpu.dot_dimension_numbers<[1], [0], [0], [1], [0, 0, 1, 1], [], []>, transpose_lhs_hint = false} : vector<1000x128xf32>, vector<128x128xf32>, vector<1000x128xf32> -> vector<1000x128xf32>
    %mul3A = vector.broadcast %rsqrt3A : vector<1000x1xf32> to vector<1000x128xf32>
    %mul3A_11 = arith.mulf %dot_general3A_10, %mul3A : vector<1000x128xf32>
    %swap3A = arith.constant 0 : index
    %swap3A_12 = arith.constant 0 : index
    %swap3A_13 = vector.load %arg4[%swap3A, %swap3A_12] : memref<1000x128xf32, #tpu.memory_space<vmem>>, vector<1000x128xf32>
    tpu.vector_store %arg4[%swap3A, %swap3A_12], %mul3A_11 {strides = array<i32>} : memref<1000x128xf32, #tpu.memory_space<vmem>>, vector<1000x128xf32>,
    return
  }
  func.func @transform_0(%arg0: i32) -> (i32, i32) {
    %c0_i32 = arith.constant 0 : i32
    %c0_i32_0 = arith.constant 0 : i32
    return %arg0, %c0_i32 : i32, i32
  }
  func.func @transform_1(%arg0: i32) -> (i32, i32) {
    %c0_i32 = arith.constant 0 : i32
    %c0_i32_0 = arith.constant 0 : i32
    %c0_i32_1 = arith.constant 0 : i32
    return %c0_i32, %c0_i32_0 : i32, i32
  }
  func.func @transform_2(%arg0: i32) -> (i32, i32) {
    %c0_i32 = arith.constant 0 : i32
    %c0_i32_0 = arith.constant 0 : i32
    return %arg0, %c0_i32 : i32, i32
  }
  func.func @transform_3(%arg0: i32) -> (i32, i32) {
    %c0_i32 = arith.constant 0 : i32
    %c0_i32_0 = arith.constant 0 : i32
    return %arg0, %c0_i32 : i32, i32
  }
}

module attributes {stable_mosaic.version = 14 : i64} {
  func.func @body(%arg0: i32, %arg1: memref<2x1000x128xf32, #tpu.memory_space<vmem>>, %arg2: memref<1000x2xf32, #tpu.memory_space<vmem>>, %arg3: memref<1x128xf32, #tpu.memory_space<vmem>>, %arg4: memref<128x128xf32, #tpu.memory_space<vmem>>, %arg5: memref<128x2xf32, #tpu.memory_space<vmem>>, %arg6: memref<1000x2xf32, #tpu.memory_space<vmem>>) attributes {dimension_semantics = [#tpu.dimension_semantics<arbitrary>], iteration_bounds = array<i64: 10>, scalar_prefetch = 0 : i64, scratch_operands = 0 : i64, tpu.core_type = #tpu.core_type<tc>, window_params = [{transform_indices = @transform_0, window_bounds = array<i64: 2, 1000, 128>}, {transform_indices = @transform_1, window_bounds = array<i64: 1000, 2>}, {pipeline_mode = #tpu.pipeline_mode<synchronous>, transform_indices = @transform_2, window_bounds = array<i64: 1, 128>}, {pipeline_mode = #tpu.pipeline_mode<synchronous>, transform_indices = @transform_3, window_bounds = array<i64: 128, 128>}, {pipeline_mode = #tpu.pipeline_mode<synchronous>, transform_indices = @transform_4, window_bounds = array<i64: 128, 2>}, {transform_indices = @transform_5, window_bounds = array<i64: 1000, 2>}]} {
    %get3A = arith.constant 0 : index
    %get3A_0 = arith.constant 0 : index
    %get3A_1 = arith.constant 0 : index
    %get3A_2 = vector.load %arg1[%get3A, %get3A_0, %get3A_1] : memref<2x1000x128xf32, #tpu.memory_space<vmem>>, vector<1x1000x128xf32>
    %get3A_3 = vector.shape_cast %get3A_2 : vector<1x1000x128xf32> to vector<1000x128xf32>
    %get3A_4 = arith.constant 1 : index
    %get3A_5 = arith.constant 0 : index
    %get3A_6 = arith.constant 0 : index
    %get3A_7 = vector.load %arg1[%get3A_4, %get3A_5, %get3A_6] : memref<2x1000x128xf32, #tpu.memory_space<vmem>>, vector<1x1000x128xf32>
    %get3A_8 = vector.shape_cast %get3A_7 : vector<1x1000x128xf32> to vector<1000x128xf32>
    %add3A = arith.addf %get3A_3, %get3A_8 : vector<1000x128xf32>
    %get3A_9 = arith.constant 0 : index
    %get3A_10 = arith.constant 1 : index
    %get3A_11 = vector.load %arg2[%get3A_9, %get3A_10] : memref<1000x2xf32, #tpu.memory_space<vmem>>, vector<1000x1xf32>
    %max3A = arith.constant 1.000000e+00 : f32
    %max3A_12 = vector.broadcast %max3A : f32 to vector<1000x1xf32>
    %max3A_13 = arith.maximumf %get3A_11, %max3A_12 : vector<1000x1xf32>
    %rsqrt3A = math.rsqrt %max3A_13 : vector<1000x1xf32>
    %mul3A = vector.broadcast %rsqrt3A : vector<1000x1xf32> to vector<1000x128xf32>
    %mul3A_14 = arith.mulf %add3A, %mul3A : vector<1000x128xf32>
    %get3A_15 = arith.constant 0 : index
    %get3A_16 = arith.constant 0 : index
    %get3A_17 = vector.load %arg3[%get3A_15, %get3A_16] : memref<1x128xf32, #tpu.memory_space<vmem>>, vector<1x128xf32>
    %add3A_18 = vector.broadcast %get3A_17 : vector<1x128xf32> to vector<1000x128xf32>
    %add3A_19 = arith.addf %mul3A_14, %add3A_18 : vector<1000x128xf32>
    %max3A_20 = arith.constant 0.000000e+00 : f32
    %max3A_21 = vector.broadcast %max3A_20 : f32 to vector<1000x128xf32>
    %max3A_22 = arith.maximumf %add3A_19, %max3A_21 : vector<1000x128xf32>
    %get3A_23 = arith.constant 0 : index
    %get3A_24 = arith.constant 0 : index
    %get3A_25 = vector.load %arg2[%get3A_23, %get3A_24] : memref<1000x2xf32, #tpu.memory_space<vmem>>, vector<1000x1xf32>
    %max3A_26 = arith.constant 1.000000e+00 : f32
    %max3A_27 = vector.broadcast %max3A_26 : f32 to vector<1000x1xf32>
    %max3A_28 = arith.maximumf %get3A_25, %max3A_27 : vector<1000x1xf32>
    %rsqrt3A_29 = math.rsqrt %max3A_28 : vector<1000x1xf32>
    %get3A_30 = arith.constant 0 : index
    %get3A_31 = arith.constant 0 : index
    %get3A_32 = vector.load %arg4[%get3A_30, %get3A_31] : memref<128x128xf32, #tpu.memory_space<vmem>>, vector<128x128xf32>
    %dot_general3A = arith.constant dense<0.000000e+00> : vector<1000x128xf32>
    %dot_general3A_33 = tpu.matmul %max3A_22, %get3A_32, %dot_general3A {dimension_numbers = #tpu.dot_dimension_numbers<[1], [0], [0], [1], [0, 0, 1, 1], [], []>, transpose_lhs_hint = false} : vector<1000x128xf32>, vector<128x128xf32>, vector<1000x128xf32> -> vector<1000x128xf32>
    %mul3A_34 = vector.broadcast %rsqrt3A_29 : vector<1000x1xf32> to vector<1000x128xf32>
    %mul3A_35 = arith.mulf %dot_general3A_33, %mul3A_34 : vector<1000x128xf32>
    %get3A_36 = arith.constant 0 : index
    %get3A_37 = arith.constant 0 : index
    %get3A_38 = vector.load %arg5[%get3A_36, %get3A_37] : memref<128x2xf32, #tpu.memory_space<vmem>>, vector<128x2xf32>
    %dot_general3A_39 = arith.constant dense<0.000000e+00> : vector<1000x2xf32>
    %dot_general3A_40 = tpu.matmul %mul3A_35, %get3A_38, %dot_general3A_39 {dimension_numbers = #tpu.dot_dimension_numbers<[1], [0], [0], [1], [0, 0, 1, 1], [], []>, transpose_lhs_hint = false} : vector<1000x128xf32>, vector<128x2xf32>, vector<1000x2xf32> -> vector<1000x2xf32>
    %swap3A = arith.constant 0 : index
    %swap3A_41 = arith.constant 0 : index
    %swap3A_42 = vector.load %arg6[%swap3A, %swap3A_41] : memref<1000x2xf32, #tpu.memory_space<vmem>>, vector<1000x2xf32>
    tpu.vector_store %arg6[%swap3A, %swap3A_41], %dot_general3A_40 {strides = array<i32>} : memref<1000x2xf32, #tpu.memory_space<vmem>>, vector<1000x2xf32>,
    return
  }
  func.func @transform_0(%arg0: i32) -> (i32, i32, i32) {
    %c0_i32 = arith.constant 0 : i32
    %c0_i32_0 = arith.constant 0 : i32
    %c0_i32_1 = arith.constant 0 : i32
    return %c0_i32, %arg0, %c0_i32_0 : i32, i32, i32
  }
  func.func @transform_1(%arg0: i32) -> (i32, i32) {
    %c0_i32 = arith.constant 0 : i32
    %c0_i32_0 = arith.constant 0 : i32
    return %arg0, %c0_i32 : i32, i32
  }
  func.func @transform_2(%arg0: i32) -> (i32, i32) {
    %c0_i32 = arith.constant 0 : i32
    %c0_i32_0 = arith.constant 0 : i32
    %c0_i32_1 = arith.constant 0 : i32
    return %c0_i32, %c0_i32_0 : i32, i32
  }
  func.func @transform_3(%arg0: i32) -> (i32, i32) {
    %c0_i32 = arith.constant 0 : i32
    %c0_i32_0 = arith.constant 0 : i32
    %c0_i32_1 = arith.constant 0 : i32
    return %c0_i32, %c0_i32_0 : i32, i32
  }
  func.func @transform_4(%arg0: i32) -> (i32, i32) {
    %c0_i32 = arith.constant 0 : i32
    %c0_i32_0 = arith.constant 0 : i32
    %c0_i32_1 = arith.constant 0 : i32
    return %c0_i32, %c0_i32_0 : i32, i32
  }
  func.func @transform_5(%arg0: i32) -> (i32, i32) {
    %c0_i32 = arith.constant 0 : i32
    %c0_i32_0 = arith.constant 0 : i32
    return %arg0, %c0_i32 : i32, i32
  }
}

module attributes {stable_mosaic.version = 14 : i64} {
  func.func @body(%arg0: i32, %arg1: memref<2048xf32, #tpu.memory_space<vmem>>, %arg2: memref<2048xf32, #tpu.memory_space<vmem>>, %arg3: memref<2048xf32, #tpu.memory_space<vmem>>, %arg4: memref<2048xf32, #tpu.memory_space<vmem>>, %arg5: memref<2048xf32, #tpu.memory_space<vmem>>, %arg6: memref<1x128xf32, #tpu.memory_space<vmem>>, %arg7: memref<128x2xf32, #tpu.memory_space<vmem>>, %arg8: memref<2048xf32, #tpu.memory_space<vmem>>, %arg9: memref<2048xf32, #tpu.memory_space<vmem>>) attributes {dimension_semantics = [#tpu.dimension_semantics<arbitrary>], iteration_bounds = array<i64: 5>, scalar_prefetch = 0 : i64, scratch_operands = 0 : i64, tpu.core_type = #tpu.core_type<tc>, window_params = [{transform_indices = @transform_0, window_bounds = array<i64: 2048>}, {transform_indices = @transform_1, window_bounds = array<i64: 2048>}, {transform_indices = @transform_2, window_bounds = array<i64: 2048>}, {transform_indices = @transform_3, window_bounds = array<i64: 2048>}, {transform_indices = @transform_4, window_bounds = array<i64: 2048>}, {pipeline_mode = #tpu.pipeline_mode<synchronous>, transform_indices = @transform_5, window_bounds = array<i64: 1, 128>}, {pipeline_mode = #tpu.pipeline_mode<synchronous>, transform_indices = @transform_6, window_bounds = array<i64: 128, 2>}, {transform_indices = @transform_7, window_bounds = array<i64: 2048>}, {transform_indices = @transform_8, window_bounds = array<i64: 2048>}]} {
    %get3A = arith.constant 0 : index
    %get3A_0 = arith.constant 0 : index
    %get3A_1 = vector.load %arg6[%get3A, %get3A_0] : memref<1x128xf32, #tpu.memory_space<vmem>>, vector<1x128xf32>
    %get3A_2 = arith.constant 0 : index
    %get3A_3 = arith.constant 0 : index
    %get3A_4 = vector.load %arg7[%get3A_2, %get3A_3] : memref<128x2xf32, #tpu.memory_space<vmem>>, vector<128x2xf32>
    %dot_general3A = arith.constant dense<0.000000e+00> : vector<1x2xf32>
    %dot_general3A_5 = tpu.matmul %get3A_1, %get3A_4, %dot_general3A {dimension_numbers = #tpu.dot_dimension_numbers<[1], [0], [0], [1], [0, 0, 1, 1], [], []>, transpose_lhs_hint = false} : vector<1x128xf32>, vector<128x2xf32>, vector<1x2xf32> -> vector<1x2xf32>
    %get3A_6 = arith.constant 0 : index
    %get3A_7 = vector.load %arg5[%get3A_6] : memref<2048xf32, #tpu.memory_space<vmem>>, vector<2048xf32>
    %max3A = arith.constant 1.000000e+00 : f32
    %max3A_8 = vector.broadcast %max3A : f32 to vector<2048xf32>
    %max3A_9 = arith.maximumf %get3A_7, %max3A_8 : vector<2048xf32>
    %rsqrt3A = math.rsqrt %max3A_9 : vector<2048xf32>
    %get3A_10 = arith.constant 0 : index
    %get3A_11 = vector.load %arg1[%get3A_10] : memref<2048xf32, #tpu.memory_space<vmem>>, vector<2048xf32>
    %get3A_12 = arith.constant 0 : index
    %get3A_13 = vector.load %arg2[%get3A_12] : memref<2048xf32, #tpu.memory_space<vmem>>, vector<2048xf32>
    %add3A = arith.addf %get3A_11, %get3A_13 : vector<2048xf32>
    %mul3A = arith.mulf %add3A, %rsqrt3A : vector<2048xf32>
    %slice3A = vector.extract_strided_slice %dot_general3A_5 {offsets = [0, 0], sizes = [1, 1], strides = [1, 1]} : vector<1x2xf32> to vector<1x1xf32>
    %squeeze3A = vector.extract %slice3A[0, 0] : f32 from vector<1x1xf32>
    %add3A_14 = vector.broadcast %squeeze3A : f32 to vector<2048xf32>
    %add3A_15 = arith.addf %mul3A, %add3A_14 : vector<2048xf32>
    %swap3A = arith.constant 0 : index
    %swap3A_16 = vector.load %arg8[%swap3A] : memref<2048xf32, #tpu.memory_space<vmem>>, vector<2048xf32>
    tpu.vector_store %arg8[%swap3A], %add3A_15 {strides = array<i32>} : memref<2048xf32, #tpu.memory_space<vmem>>, vector<2048xf32>,
    %get3A_17 = arith.constant 0 : index
    %get3A_18 = vector.load %arg3[%get3A_17] : memref<2048xf32, #tpu.memory_space<vmem>>, vector<2048xf32>
    %get3A_19 = arith.constant 0 : index
    %get3A_20 = vector.load %arg4[%get3A_19] : memref<2048xf32, #tpu.memory_space<vmem>>, vector<2048xf32>
    %add3A_21 = arith.addf %get3A_18, %get3A_20 : vector<2048xf32>
    %mul3A_22 = arith.mulf %add3A_21, %rsqrt3A : vector<2048xf32>
    %slice3A_23 = vector.extract_strided_slice %dot_general3A_5 {offsets = [0, 1], sizes = [1, 1], strides = [1, 1]} : vector<1x2xf32> to vector<1x1xf32>
    %squeeze3A_24 = vector.extract %slice3A_23[0, 0] : f32 from vector<1x1xf32>
    %add3A_25 = vector.broadcast %squeeze3A_24 : f32 to vector<2048xf32>
    %add3A_26 = arith.addf %mul3A_22, %add3A_25 : vector<2048xf32>
    %swap3A_27 = arith.constant 0 : index
    %swap3A_28 = vector.load %arg9[%swap3A_27] : memref<2048xf32, #tpu.memory_space<vmem>>, vector<2048xf32>
    tpu.vector_store %arg9[%swap3A_27], %add3A_26 {strides = array<i32>} : memref<2048xf32, #tpu.memory_space<vmem>>, vector<2048xf32>,
    return
  }
  func.func @transform_0(%arg0: i32) -> i32 {
    %c0_i32 = arith.constant 0 : i32
    return %arg0 : i32
  }
  func.func @transform_1(%arg0: i32) -> i32 {
    %c0_i32 = arith.constant 0 : i32
    return %arg0 : i32
  }
  func.func @transform_2(%arg0: i32) -> i32 {
    %c0_i32 = arith.constant 0 : i32
    return %arg0 : i32
  }
  func.func @transform_3(%arg0: i32) -> i32 {
    %c0_i32 = arith.constant 0 : i32
    return %arg0 : i32
  }
  func.func @transform_4(%arg0: i32) -> i32 {
    %c0_i32 = arith.constant 0 : i32
    return %arg0 : i32
  }
  func.func @transform_5(%arg0: i32) -> (i32, i32) {
    %c0_i32 = arith.constant 0 : i32
    %c0_i32_0 = arith.constant 0 : i32
    %c0_i32_1 = arith.constant 0 : i32
    return %c0_i32, %c0_i32_0 : i32, i32
  }
  func.func @transform_6(%arg0: i32) -> (i32, i32) {
    %c0_i32 = arith.constant 0 : i32
    %c0_i32_0 = arith.constant 0 : i32
    %c0_i32_1 = arith.constant 0 : i32
    return %c0_i32, %c0_i32_0 : i32, i32
  }
  func.func @transform_7(%arg0: i32) -> i32 {
    %c0_i32 = arith.constant 0 : i32
    return %arg0 : i32
  }
  func.func @transform_8(%arg0: i32) -> i32 {
    %c0_i32 = arith.constant 0 : i32
    return %arg0 : i32
  }
}

</mosaic_0001>

<sc_bundles>
// kernel: kernel.12.cloned.1.call-start
scs
__scs_entry_jumppad:
0x0: {  	(pc) =	sbr.rel $0x88, $3  }
0x1: {  	(tag) =	ssettag $0x0;
	lr =	simm.s32 $0x1  }
0x2: {  	[smem:$0x3F98] =	sst lr;
	_ =	strace $0xD0000000  }
0x3: {  	_ = 	snop  }
0x4: {  	_ = 	snop  }
0x5: {  	_ = 	snop  }
0x6: {  	_ = 	snop  }
0x7: {  	_ = 	snop  }
__scs_overlays_trampoline_lowered:
0x8: {  	[smem:$0x3FA7] =	sst s0  }
0x9: {  	[smem:$0x3FA8] =	sst s1  }
0xa: {  	[smem:$0x3FA9] =	sst s2  }
0xb: {  	[smem:$0x3FAA] =	sst s3  }
0xc: {  	[smem:$0x3FAB] =	sst s4  }
0xd: {  	[smem:$0x3FAC] =	sst s5  }
0xe: {  	[smem:$0x3FAD] =	sst s6  }
0xf: {  	[smem:$0x3FAE] =	sst s7  }
0x10: {  	[smem:$0x3FAF] =	sst s8  }
0x11: {  	[smem:$0x3FB0] =	sst s9;
	s0 =	simm.s32 @!p0 $0x0  }
0x12: {  	s1 =	sld [smem:$0x3F96];
	s0 =	simm.s32 @p0 $0x1  }
0x13: {  	[smem:$0x3FB1] =	sst s0;
	s0 =	simm.s32 @!p1 $0x0  }
0x14: {  	s2 =	sld [smem:$0x3F95];
	s0 =	simm.s32 @p1 $0x1  }
0x15: {  	[smem:$0x3FB2] =	sst s0;
	s0 =	simm.s32 @!p2 $0x0  }
0x16: {  	s3 =	sld [smem:$0x3FDB];
	s0 =	simm.s32 @p2 $0x1  }
0x17: {  	s4 =	simm.s32 $0x1BF5;
	[smem:$0x3FB4] =	sst s0  }
0x18: {  	s0 =	sld [smem:$0x3F97];
	_ =	swait.ge [sflag:s4], $0x0  }
0x19: {  	s7 =	sld [smem:$0x3F98]  }
0x1a: {  	s8 =	sadd.s32 $0xFFFFE003, lr  }
0x1b: {  	s9 =	sadd.s32 $0xFFFFFEF7, lr;
	s5 =	simm.s32 $0xFFFFFFFF;
	p2 =	slt.u32 s8, $0xFFFFF086  }
0x1c: {  	p1 =	slt.u32 s9, $0xF7A;
	s5 =	simm.s32 @!p2 $0x0  }
0x1d: {  	s5 =	simm.s32 @p1 $0x1;
	p0 =	seq.s32 s7, s2  }
0x1e: {  	s7 =	smul.u32 @!p0 $0xF7A, s2;
	p2 =	seq.s32 @!p0 s5, $0x0  }
0x1f: {  	s9 =	smul.u32 $0xF7A, s1;
	s8 =	simm.s32 @!p0 $0x1BF5;
	p2 =	por !p2, p0  }
0x20: {  	[sflag:s8] =	ssyncset.s32 @!p0 $0xFFFFF086;
	s6 =	sadd.s32 @!p0 s3, s7;
	s7 =	simm.s32 @!p0 $0x108  }
0x21: {  	s3 =	sadd.s32 s3, s9;
	s6 =	sadd.s32 @!p0 $0x88, s6;
	s7 =	simm.s32 @p2 $0x1082  }
0x22: {  	[simem:s7], [sflag:s8] =	dma.local @!p0 [hbm:s6], $0xF7A  }
0x23: {  	s9 =	sor.u32 $0xD0000000, s2;
	s6 =	simm.s32 $0x108;
	_ =	swait.ge @!p0 [sflag:s8], $0x0  }
0x24: {  	s3 =	sadd.s32 $0x88, s3;
	s6 =	simm.s32 @!p1 $0x1082;
	[sflag:s4] =	ssyncset.s32 $0xFFFFF086  }
0x25: {  	[simem:s6], [sflag:s4] =	dma.local [hbm:s3], $0xF7A  }
0x26: {  	[smem:$0x3F98] =	sst s1;
	(tag) =	ssettag s2;
	_ =	strace s9  }
0x27: {  	s1 =	sld [smem:$0x3FA8]  }
0x28: {  	s2 =	sld [smem:$0x3FA9]  }
0x29: {  	s4 =	sld [smem:$0x3FAB]  }
0x2a: {  	p0 =	seq.s32 s5, $0x0;
	s5 =	sld [smem:$0x3FAC]  }
0x2b: {  	s6 =	sld [smem:$0x3FAD]  }
0x2c: {  	s7 =	sld [smem:$0x3FAE]  }
0x2d: {  	s3 =	simm.s32 $0x108;
	s8 =	sld [smem:$0x3FAF]  }
0x2e: {  	s3 =	simm.s32 @!p0 $0x1082;
	s9 =	sld [smem:$0x3FB0]  }
0x2f: {  	lr =	sadd.s32 s0, s3;
	s0 =	sld [smem:$0x3FA7]  }
0x30: {  	s3 =	sld [smem:$0x3FAA]  }
0x31: {  	[smem:$0x3FB3] =	sst s10  }
0x32: {  	s10 =	sld [smem:$0x3FB1];
	_ =	sdelay $0x3  }
0x33: {  	p0 =	seq.s32 s10, $0x1;
	s10 =	sld [smem:$0x3FB3];
	_ =	sdelay $0x3  }
0x34: {  	[smem:$0x3FB3] =	sst s10  }
0x35: {  	s10 =	sld [smem:$0x3FB2];
	_ =	sdelay $0x3  }
0x36: {  	p1 =	seq.s32 s10, $0x1;
	s10 =	sld [smem:$0x3FB3];
	_ =	sdelay $0x3  }
0x37: {  	[smem:$0x3FB3] =	sst s10  }
0x38: {  	s10 =	sld [smem:$0x3FB4]  }
0x39: {  	_ = 	snop;
	(pc) =	sbr.ind lr, $3  }
0x3a: {  	_ = 	snop  }
0x3b: {  	_ = 	snop  }
0x3c: {  	p2 =	seq.s32 s10, $0x1;
	s10 =	sld [smem:$0x3FB3]  }
0x3d: {  	_ =	shalt  }
0x3e: {  	_ =	shalt  }
0x3f: {  	_ =	shalt  }
0x40: {  	_ =	shalt  }
0x41: {  	_ =	shalt  }
0x42: {  	_ =	shalt  }
0x43: {  	_ =	shalt  }
0x44: {  	_ =	shalt  }
0x45: {  	_ =	shalt  }
0x46: {  	_ =	shalt  }
0x47: {  	_ =	shalt  }
0x48: {  	_ =	shalt  }
0x49: {  	_ =	shalt  }
0x4a: {  	_ =	shalt  }
0x4b: {  	_ =	shalt  }
0x4c: {  	_ =	shalt  }
0x4d: {  	_ =	shalt  }
0x4e: {  	_ =	shalt  }
0x4f: {  	_ =	shalt  }
0x50: {  	_ =	shalt  }
0x51: {  	_ =	shalt  }
0x52: {  	_ =	shalt  }
0x53: {  	_ =	shalt  }
0x54: {  	_ =	shalt  }
0x55: {  	_ =	shalt  }
0x56: {  	_ =	shalt  }
0x57: {  	_ =	shalt  }
0x58: {  	_ =	shalt  }
0x59: {  	_ =	shalt  }
0x5a: {  	_ =	shalt  }
0x5b: {  	_ =	shalt  }
0x5c: {  	_ =	shalt  }
0x5d: {  	_ =	shalt  }
0x5e: {  	_ =	shalt  }
0x5f: {  	_ =	shalt  }
0x60: {  	_ =	shalt  }
0x61: {  	_ =	shalt  }
0x62: {  	_ =	shalt  }
0x63: {  	_ =	shalt  }
0x64: {  	_ =	shalt  }
0x65: {  	_ =	shalt  }
0x66: {  	_ =	shalt  }
0x67: {  	_ =	shalt  }
0x68: {  	_ =	shalt  }
0x69: {  	_ =	shalt  }
0x6a: {  	_ =	shalt  }
0x6b: {  	_ =	shalt  }
0x6c: {  	_ =	shalt  }
0x6d: {  	_ =	shalt  }
0x6e: {  	_ =	shalt  }
0x6f: {  	_ =	shalt  }
0x70: {  	_ =	shalt  }
0x71: {  	_ =	shalt  }
0x72: {  	_ =	shalt  }
0x73: {  	_ =	shalt  }
0x74: {  	_ =	shalt  }
0x75: {  	_ =	shalt  }
0x76: {  	_ =	shalt  }
0x77: {  	_ =	shalt  }
0x78: {  	_ =	shalt  }
0x79: {  	_ =	shalt  }
0x7a: {  	_ =	shalt  }
0x7b: {  	_ =	shalt  }
0x7c: {  	_ =	shalt  }
0x7d: {  	_ =	shalt  }
0x7e: {  	_ =	shalt  }
0x7f: {  	_ =	shalt  }
0x80: {  	_ =	shalt  }
0x81: {  	_ =	shalt  }
0x82: {  	_ =	shalt  }
0x83: {  	_ =	shalt  }
0x84: {  	_ =	shalt  }
0x85: {  	_ =	shalt  }
0x86: {  	_ =	shalt  }
0x87: {  	_ =	shalt  }
.Lfunc_end0:
.L_simem_size_0:
called_computation.1_lowered:
.L_overlay_start_0:
0x88: {  	s2 =	sld [smem:$0x3FD9]  }
0x89: {  	s3 =	sld [smem:$0x3FFE];
	_ =	sdelay $0x1  }
0x8a: {  	s1 =	srdreg.scid  }
0x8b: {  	s0 =	sand.u32 $0x1, s1  }
0x8c: {  	s16 =	sshll.u32 s0, $0xA;
	s2 =	sadd.s32 s3, s2  }
0x8d: {  	s2 =	sadd.s32 s2, s16  }
0x8e: {  	[smem:$0x3FBF] =	sst s2  }
0x8f: {  	_ = 	snop  }
0x90: {  	(tm) =	ssettm $0x1  }
0x91: {  	s17 =	sld [smem:$0x3FFB];
	_ =	sdelay $0x3  }
0x92: {  	_ =	strace s17  }
0x93: {  	s2 =	sld [smem:$0x3FFC];
	_ =	sdelay $0x3  }
0x94: {  	_ =	strace s2  }
0x95: {  	s2 =	sld [smem:$0x3FFD];
	_ =	sdelay $0x3  }
0x96: {  	_ =	strace s2  }
0x97: {  	_ =	strace $0x8FFFFFFF  }
0x98: {  	s18 =	sld [smem:$0x3FDB];
	_ =	sdelay $0x1  }
0x99: {  	s19 =	simm.s32 $_scs_section_size  }
0x9a: {  	s4 =	simm.s32 $_size__tile_overlayer_lowered;
	s5 =	simm.s32 $_tile_overlayer_lowered  }
0x9b: {  	s22 =	simm.s32 $0x1BFF;
	s21 =	sshll.u32 s5, $0x1;
	s2 =	sadd.s32 s19, s18  }
0x9c: {  	s6 =	simm.s32 $0x0;
	s20 =	sshll.u32 s4, $0x1;
	s4 =	sadd.s32 s21, s2  }
0x9d: {  	[timem:s6], [sflag:s22] =	dma.local [hbm:s4], s20  }
0x9e: {  	_ =	swait.ge [sflag:s22], s20  }
0x9f: {  	s3 =	ssub.s32 $0x0, s20;
	[sflag:s22] =	ssyncset.done $0x0  }
0xa0: {  	[sflag:s22] =	ssyncadd.s32 s3;
	_ =	sdelay $0x1  }
0xa1: {  	s23 =	simm.s32 $0x1B8B  }
0xa2: {  	_ =	swait.ge [sflag:s23], $0x1  }
0xa3: {  	[sflag:s23] =	ssyncset.done $0x0  }
0xa4: {  	s25 =	simm.s32 $0x1B8E;
	s24 =	sld [smem:$0x3FFE];
	[sflag:s23] =	ssyncadd.s32 $0xFFFFFFFF  }
0xa5: {  	s26 =	simm.s32 $execute0_lowered;
	[smem:$0x3FD2] =	sst s25  }
0xa6: {  	s4 =	sshll.u32 s26, $0x1;
	_ =	strace $0x80000049;
	[dreg:$0x1] =	wrdreg $0xFFFFFFFF  }
0xa7: {  	s28 =	simm.s32 $_size_execute0_lowered;
	s2 =	sadd.s32 s2, s4;
	[dreg:$0x0] =	wrdreg $0x0  }
0xa8: {  	s4 =	sshll.u32 s28, $0x1;
	[dreg:$0x2] =	wrdreg s2  }
0xa9: {  	[dreg:$0x3] =	wrdreg s4  }
0xaa: {  	[dreg:$0x4] =	wrdreg $0xC0  }
0xab: {  	_ =	task [dreg:s6], $0x5FFFF  }
0xac: {  	[dreg:$0x1] =	wrdreg $0xFFFFFFFF  }
0xad: {  	[dreg:$0x0] =	wrdreg $0x60  }
0xae: {  	[dreg:$0x2] =	wrdreg s24  }
0xaf: {  	[dreg:$0x3] =	wrdreg $0x0  }
0xb0: {  	[dreg:$0x4] =	wrdreg $0x9  }
0xb1: {  	_ =	task.clear_ibuf [dreg:s6], $0x5FFFF;
	_ =	strace $0x90000049  }
0xb2: {  	s29 =	simm.s32 $0x9;
	_ =	strace $0x8000004B  }
0xb3: {  	_ =	swait.ge [sflag:s29], $0x1  }
0xb4: {  	[sflag:s29] =	ssyncadd.s32 $0xFFFFFFFF  }
0xb5: {  	_ =	strace $0x9000004B  }
0xb6: {  	_ =	sfence  }
0xb7: {  	s30 =	sld [smem:$0x0];
	_ =	sdelay $0x2  }
0xb8: {  	s31 =	sshll.u32 s1, $0xD;
	s1 =	sshrl.u32 s1, $0x2  }
0xb9: {  	s3 =	sand.u32 $0x4000, s31;
	s1 =	sadd.s32 s1, s30  }
0xba: {  	s0 =	sor.u32 s3, s0;
	s1 =	sshll.u32 s1, $0x11  }
0xbb: {  	s0 =	sor.u32 s1, s0  }
0xbc: {  	s0 =	sadd.s32 $0x8F2B, s0  }
0xbd: {  	[sflag:s0] =	ssyncadd.remote.s32 $0x1  }
0xbe: {  	_ =	sfence.sel $0xFFFF  }
0xbf: {  	[dreg:$0x0] =	wrdreg $0xFFFFFFFF;
	(pc) =	sbr.abs _section_cstart, $3  }
0xc0: {  	[dreg:$0x1] =	wrdreg $0xFFFFFFFF  }
0xc1: {  	_ =	task.clear_ibuf [dreg:s6], $0x2FFFF;
	_ =	strace $0x9FFFFFFF  }
0xc2: {  	(tm) =	ssettm $0x7FFFFFFF  }
0xc3: {  	_ =	shalt  }
tec
execute0_lowered:
.L_overlay_start_1:
0x0: {  	(tag) =	ssettag $0x1  }
0x1: {  	s5 =	rddreg [dreg:$0x0]  }
0x2: {  	s2 =	rddreg [dreg:$0x1]  }
0x3: {  	s0 =	rddreg [dreg:$0x2];
	s4 =	srdreg.scid  }
0x4: {  	s3 =	simm.s32 $0x0;
	s1 =	stileid.u32;
	s14 =	simm.s32 $0x16780  }
0x5: {  	s15 =	simm.s32 $0x50;
	s16 =	simm.s32 $0x18F00;
	s17 =	simm.s32 $0x14050  }
0x6: {  	s18 =	simm.s32 $0x1B700;
	s19 =	simm.s32 $0x2;
	s20 =	simm.s32 $0x3  }
0x7: {  	s21 =	simm.s32 $0x1;
	s22 =	simm.s32 $0x4;
	s23 =	simm.s32 $0x18E40  }
0x8: {  	s24 =	simm.s32 $0x0;
	s6 =	sand.u32 $0x1, s4;
	s7 =	smul.u32 $0x14000, s1  }
0x9: {  	[smem:$0x7FF] =	sst s3;
	s28 =	smul.u32 $0x50000, s1;
	s31 =	sshll.u32 s1, $0x6  }
0xa: {  	s4 =	sshll.u32 s6, $0x4;
	_ =	strace $0x8000004A;
	p0 =	seq.s32 s6, $0x1  }
0xb: {  	s6 =	ssub.s32 $0x2, s6;
	s8 =	sor.u32 s1, s4;
	s4 =	sadd.s32 $0x16600, s5  }
0xc: {  	s7 =	sshrl.u32 s7, $0x3;
	s29 =	sshrl.u32 s6, $0x1;
	s30 =	sshrl.u32 s28, $0x2  }
0xd: {  	s8 =	smul.u32 $0x4E2, s8;
	s9 =	sadd.s32 s7, s5;
	s10 =	sadd.s32 $0x28000, s7  }
.Ltmp0:
0xe: {  	s12 =	ssub.s32 s6, s29;
	s13 =	sadd.s32 s30, s2;
	(pc) =	sbr.rel .LBB2_1-.Ltmp0, $4  }
0xf: {  	s6 =	sor.u32 $0x1C05, s31;
	s7 =	smov.u32 @p0 s10;
	s8 =	sadd.s32 s8, s5  }
0x10: {  	s11 =	sadd.s32 s7, s5;
	s5 =	sadd.s32 $0x3D800, s9;
	s9 =	smax.u32 s12, $0x1  }
0x11: {  	s12 =	simm.s32 $0x5;
	s7 =	sadd.s32 $0xBA00, s8;
	s8 =	sadd.s32 $0x1C00, s8  }
0x12: {  	s10 =	sadd.s32 $0x65800, s11;
	s11 =	sshrl.u32 s13, $0x3;
	s13 =	simm.s32 $0x14000  }
.LBB2_4:
0x13: {  	[spmem:s2] =	stream.indirect.scatter.add.f32 [tilespmem:s16], [sflag:$0x3], $0x80, s23, s15, $0xb8;
	[tilespmem:$0x1DF00] =	vst v63  }
.LBB2_8:
0x14: {  	_ =	swait.ge [sflag:s20], $0x2800  }
0x15: {  	s24 =	sadd.s32 $0x1, s24;
	[sflag:s20] =	ssyncset.done $0x0  }
0x16: {  	p0 =	sne.s32 s24, s9;
	[sflag:s20] =	ssyncadd.s32 $0xFFFFD800  }
.Ltmp1:
0x17: {  	[bflag:$0x0] =	sbarrier.arrive $0xFFFF;
	(pc) =	sbr.rel @!p0 .LBB2_9-.Ltmp1, $4  }
0x18: {  	[hbm:s10], [sflag:s6] =	dma.local [spmem:s11], $0x2800  }
0x19: {  	_ =	swait.ge [sflag:s12], $0x2800  }
0x1a: {  	[sflag:s12] =	ssyncset.done $0x0  }
0x1b: {  	[sflag:s12] =	ssyncadd.s32 $0xFFFFD800  }
.LBB2_1:
0x1c: {  	[spmem:s11], [sflag:s6] =	dma.local [hbm:s5], $0x2800  }
0x1d: {  	_ =	swait.ge [sflag:s12], $0x2800  }
0x1e: {  	[sflag:s12] =	ssyncset.done $0x0  }
0x1f: {  	[sflag:s12] =	ssyncadd.s32 $0xFFFFD800  }
0x20: {  	[tilespmem:s13], [sflag:$0x5] =	stream.linear.gather [hbm4b:s7+s3], $0x2710, $0x38;
	[tilespmem:$0x1DF00] =	vst v63  }
0x21: {  	_ =	swait.ge [sflag:s12], $0x2710  }
0x22: {  	[sflag:s12] =	ssyncset.done $0x0  }
0x23: {  	[sflag:s12] =	ssyncadd.s32 $0xFFFFD8F0  }
0x24: {  	[tilespmem:s14], [sflag:$0x5] =	stream.linear.gather [hbm4b:s8+s3], $0x2710, $0x38;
	[tilespmem:$0x1DF00] =	vst v63  }
0x25: {  	_ =	swait.ge [sflag:s12], $0x2710  }
0x26: {  	[sflag:s12] =	ssyncset.done $0x0  }
0x27: {  	[sflag:s12] =	ssyncadd.s32 $0xFFFFD8F0  }
0x28: {  	[bflag:$0x0] =	sbarrier.arrive $0xFFFF  }
0x29: {  	[tilespmem:s16], [sflag:$0x1] =	stream.indirect.gather [hbm4b:s4+s15], $0x80, s13, s15, $0xb8;
	[tilespmem:$0x1DF00] =	vst v63  }
0x2a: {  	_ =	swait.ge [sflag:s21], $0x2800  }
.Ltmp2:
0x2b: {  	[sflag:s21] =	ssyncset.done $0x0;
	(pc) =	sbr.rel .LBB2_2-.Ltmp2, $4  }
0x2c: {  	[sflag:s21] =	ssyncadd.s32 $0xFFFFD800  }
0x2d: {  	[tilespmem:s18], [sflag:$0x2] =	stream.indirect.gather [hbm4b:s4+s15], $0x80, s17, s15, $0xb8;
	[tilespmem:$0x1DF00] =	vst v63  }
0x2e: {  	s25 =	simm.s32 $0x0;
	s26 =	simm.s32 $0x1  }
0x2f: {  	[spmem:s2] =	stream.indirect.scatter.add.f32 [tilespmem:s16], [sflag:$0x3], $0x80, s14, s15, $0xb8;
	[tilespmem:$0x1DF00] =	vst v63  }
.LBB2_6:
0x30: {  	_ =	swait.ge [sflag:s19], $0x2800  }
0x31: {  	p0 =	seq.s32 s25, $0x99C0;
	[sflag:s19] =	ssyncset.done $0x0  }
0x32: {  	s28 =	sadd.s32 @!p0 $0x140, s25;
	[sflag:s19] =	ssyncadd.s32 $0xFFFFD800  }
0x33: {  	s29 =	sshra.s32 @!p0 s25, $0x2;
	s30 =	simm.s32 @!p0 $0x50;
	_ =	swait.ge [sflag:s20], $0x2800  }
0x34: {  	s31 =	simm.s32 @!p0 $0x18F00;
	s28 =	simm.s32 @p0 $0x9B00;
	[sflag:s20] =	ssyncset.done $0x0  }
0x35: {  	s29 =	sadd.s32 @!p0 $0x140A0, s29;
	s28 =	sshra.s32 s28, $0x2;
	[sflag:s20] =	ssyncadd.s32 $0xFFFFD800  }
0x36: {  	[tilespmem:s31], [sflag:$0x1] =	stream.indirect.gather @!p0 [hbm4b:s4+s30], $0x80, s29, s30, $0xb8;
	[tilespmem:$0x1DF00] =	vst v63  }
0x37: {  	s28 =	sadd.s32 $0x16780, s28  }
0x38: {  	[spmem:s2] =	stream.indirect.scatter.add.f32 [tilespmem:s18], [sflag:$0x4], $0x80, s28, s15, $0xb8;
	[tilespmem:$0x1DF00] =	vst v63  }
.LBB2_7:
0x39: {  	s25 =	sadd.s32 $0x140, s25  }
0x3a: {  	p0 =	sne.s32 s25, $0x9B00  }
.Ltmp3:
0x3b: {  	_ = 	snop;
	(pc) =	sbr.rel @!p0 .LBB2_8-.Ltmp3, $2  }
0x3c: {  	_ =	sdelay $0x2  }
0x3d: {  	s26 =	sadd.s32 $0x1, s26  }
.LBB2_2:
0x3e: {  	s28 =	sand.u32 $0x1, s26  }
0x3f: {  	p0 =	seq.s32 s28, $0x1  }
.Ltmp4:
0x40: {  	_ = 	snop;
	(pc) =	sbr.rel @p0 .LBB2_6-.Ltmp4, $1  }
0x41: {  	_ =	sdelay $0x3  }
0x42: {  	_ =	swait.ge [sflag:s21], $0x2800;
	p0 =	sne.s32 s25, $0x99C0  }
.Ltmp5:
0x43: {  	[sflag:s21] =	ssyncset.done $0x0;
	(pc) =	sbr.rel @!p0 .LBB2_4-.Ltmp5, $4  }
0x44: {  	[sflag:s21] =	ssyncadd.s32 $0xFFFFD800  }
0x45: {  	_ =	swait.ge [sflag:s22], $0x2800  }
0x46: {  	[sflag:s22] =	ssyncset.done $0x0  }
0x47: {  	[sflag:s22] =	ssyncadd.s32 $0xFFFFD800  }
0x48: {  	p0 =	seq.s32 s28, $0x0  }
.Ltmp6:
0x49: {  	s29 =	sshra.s32 s25, $0x2;
	(pc) =	sbr.rel @p0 .LBB2_7-.Ltmp6, $4  }
.Ltmp7:
0x4a: {  	s30 =	sadd.s32 $0x140A0, s29;
	(pc) =	sbr.rel @!p0 .LBB2_6-.Ltmp7, $4  }
0x4b: {  	[tilespmem:s18], [sflag:$0x2] =	stream.indirect.gather [hbm4b:s4+s15], $0x80, s30, s15, $0xb8;
	[tilespmem:$0x1DF00] =	vst v63  }
0x4c: {  	s29 =	sadd.s32 $0x167D0, s29  }
0x4d: {  	[spmem:s2] =	stream.indirect.scatter.add.f32 [tilespmem:s16], [sflag:$0x3], $0x80, s29, s15, $0xb8;
	[tilespmem:$0x1DF00] =	vst v63  }
0x4e: {  	_ = 	snop  }
.LBB2_9:
0x4f: {  	_ =	sfence.sel $0x180000  }
0x50: {  	[bflag:$0x0] =	sbarrier.arrive $0xFFFF  }
0x51: {  	p0 =	sne.s32 s1, $0x0;
	_ =	strace $0x9000004A  }
0x52: {  	s0 =	sadd.s32 @!p0 $0x100000, s0;
	[bflag:$0x2] =	sbarrier.arrive $0xFFFF  }
0x53: {  	[sflag:s0] =	ssyncadd.tile.s32 @!p0 $0x1;
	_ =	shalt  }
.Lfunc_end2:
_tile_overlayer_lowered:
.L_overlay_start_2:
0x54: {  	(tag) =	ssettag $0x2  }
0x55: {  	s0 =	rddreg [dreg:$0x0];
	s2 =	stileid.u32  }
0x56: {  	s1 =	rddreg [dreg:$0x1];
	p0 =	sne.s32 s2, $0x0  }
0x57: {  	s3 =	rddreg [dreg:$0x2];
	[bflag:$0x3] =	sbarrier.arrive $0xFFFF;
	s2 =	simm.s32 @!p0 $0x1C05  }
0x58: {  	[timem:s3], [sflag:s2] =	dma.local @!p0 [hbm:s0], s1  }
0x59: {  	s0 =	simm.s32 @!p0 $0x5  }
0x5a: {  	_ =	swait.ge @!p0 [sflag:s0], s1  }
0x5b: {  	s1 =	ssub.s32 @!p0 $0x0, s1;
	[sflag:s0] =	ssyncset.done @!p0 $0x0  }
0x5c: {  	[sflag:s0] =	ssyncadd.s32 @!p0 s1  }
0x5d: {  	[bflag:$0x3] =	sbarrier.arrive $0xFFFF  }
0x5e: {  	_ =	shalt  }

// kernel: kernel.15.cloned.1.call-start
scs
__scs_entry_jumppad:
0x0: {  	(pc) =	sbr.rel $0x88, $3  }
0x1: {  	(tag) =	ssettag $0x0;
	lr =	simm.s32 $0x1  }
0x2: {  	[smem:$0x3F98] =	sst lr;
	_ =	strace $0xD0000000  }
0x3: {  	_ = 	snop  }
0x4: {  	_ = 	snop  }
0x5: {  	_ = 	snop  }
0x6: {  	_ = 	snop  }
0x7: {  	_ = 	snop  }
__scs_overlays_trampoline_lowered:
0x8: {  	[smem:$0x3FA7] =	sst s0  }
0x9: {  	[smem:$0x3FA8] =	sst s1  }
0xa: {  	[smem:$0x3FA9] =	sst s2  }
0xb: {  	[smem:$0x3FAA] =	sst s3  }
0xc: {  	[smem:$0x3FAB] =	sst s4  }
0xd: {  	[smem:$0x3FAC] =	sst s5  }
0xe: {  	[smem:$0x3FAD] =	sst s6  }
0xf: {  	[smem:$0x3FAE] =	sst s7  }
0x10: {  	[smem:$0x3FAF] =	sst s8  }
0x11: {  	[smem:$0x3FB0] =	sst s9;
	s0 =	simm.s32 @!p0 $0x0  }
0x12: {  	s1 =	sld [smem:$0x3F96];
	s0 =	simm.s32 @p0 $0x1  }
0x13: {  	[smem:$0x3FB1] =	sst s0;
	s0 =	simm.s32 @!p1 $0x0  }
0x14: {  	s2 =	sld [smem:$0x3F95];
	s0 =	simm.s32 @p1 $0x1  }
0x15: {  	[smem:$0x3FB2] =	sst s0;
	s0 =	simm.s32 @!p2 $0x0  }
0x16: {  	s3 =	sld [smem:$0x3FDB];
	s0 =	simm.s32 @p2 $0x1  }
0x17: {  	s4 =	simm.s32 $0x1BF5;
	[smem:$0x3FB4] =	sst s0  }
0x18: {  	s0 =	sld [smem:$0x3F97];
	_ =	swait.ge [sflag:s4], $0x0  }
0x19: {  	s7 =	sld [smem:$0x3F98]  }
0x1a: {  	s8 =	sadd.s32 $0xFFFFE003, lr  }
0x1b: {  	s9 =	sadd.s32 $0xFFFFFEF7, lr;
	s5 =	simm.s32 $0xFFFFFFFF;
	p2 =	slt.u32 s8, $0xFFFFF086  }
0x1c: {  	p1 =	slt.u32 s9, $0xF7A;
	s5 =	simm.s32 @!p2 $0x0  }
0x1d: {  	s5 =	simm.s32 @p1 $0x1;
	p0 =	seq.s32 s7, s2  }
0x1e: {  	s7 =	smul.u32 @!p0 $0xF7A, s2;
	p2 =	seq.s32 @!p0 s5, $0x0  }
0x1f: {  	s9 =	smul.u32 $0xF7A, s1;
	s8 =	simm.s32 @!p0 $0x1BF5;
	p2 =	por !p2, p0  }
0x20: {  	[sflag:s8] =	ssyncset.s32 @!p0 $0xFFFFF086;
	s6 =	sadd.s32 @!p0 s3, s7;
	s7 =	simm.s32 @!p0 $0x108  }
0x21: {  	s3 =	sadd.s32 s3, s9;
	s6 =	sadd.s32 @!p0 $0x88, s6;
	s7 =	simm.s32 @p2 $0x1082  }
0x22: {  	[simem:s7], [sflag:s8] =	dma.local @!p0 [hbm:s6], $0xF7A  }
0x23: {  	s9 =	sor.u32 $0xD0000000, s2;
	s6 =	simm.s32 $0x108;
	_ =	swait.ge @!p0 [sflag:s8], $0x0  }
0x24: {  	s3 =	sadd.s32 $0x88, s3;
	s6 =	simm.s32 @!p1 $0x1082;
	[sflag:s4] =	ssyncset.s32 $0xFFFFF086  }
0x25: {  	[simem:s6], [sflag:s4] =	dma.local [hbm:s3], $0xF7A  }
0x26: {  	[smem:$0x3F98] =	sst s1;
	(tag) =	ssettag s2;
	_ =	strace s9  }
0x27: {  	s1 =	sld [smem:$0x3FA8]  }
0x28: {  	s2 =	sld [smem:$0x3FA9]  }
0x29: {  	s4 =	sld [smem:$0x3FAB]  }
0x2a: {  	p0 =	seq.s32 s5, $0x0;
	s5 =	sld [smem:$0x3FAC]  }
0x2b: {  	s6 =	sld [smem:$0x3FAD]  }
0x2c: {  	s7 =	sld [smem:$0x3FAE]  }
0x2d: {  	s3 =	simm.s32 $0x108;
	s8 =	sld [smem:$0x3FAF]  }
0x2e: {  	s3 =	simm.s32 @!p0 $0x1082;
	s9 =	sld [smem:$0x3FB0]  }
0x2f: {  	lr =	sadd.s32 s0, s3;
	s0 =	sld [smem:$0x3FA7]  }
0x30: {  	s3 =	sld [smem:$0x3FAA]  }
0x31: {  	[smem:$0x3FB3] =	sst s10  }
0x32: {  	s10 =	sld [smem:$0x3FB1];
	_ =	sdelay $0x3  }
0x33: {  	p0 =	seq.s32 s10, $0x1;
	s10 =	sld [smem:$0x3FB3];
	_ =	sdelay $0x3  }
0x34: {  	[smem:$0x3FB3] =	sst s10  }
0x35: {  	s10 =	sld [smem:$0x3FB2];
	_ =	sdelay $0x3  }
0x36: {  	p1 =	seq.s32 s10, $0x1;
	s10 =	sld [smem:$0x3FB3];
	_ =	sdelay $0x3  }
0x37: {  	[smem:$0x3FB3] =	sst s10  }
0x38: {  	s10 =	sld [smem:$0x3FB4]  }
0x39: {  	_ = 	snop;
	(pc) =	sbr.ind lr, $3  }
0x3a: {  	_ = 	snop  }
0x3b: {  	_ = 	snop  }
0x3c: {  	p2 =	seq.s32 s10, $0x1;
	s10 =	sld [smem:$0x3FB3]  }
0x3d: {  	_ =	shalt  }
0x3e: {  	_ =	shalt  }
0x3f: {  	_ =	shalt  }
0x40: {  	_ =	shalt  }
0x41: {  	_ =	shalt  }
0x42: {  	_ =	shalt  }
0x43: {  	_ =	shalt  }
0x44: {  	_ =	shalt  }
0x45: {  	_ =	shalt  }
0x46: {  	_ =	shalt  }
0x47: {  	_ =	shalt  }
0x48: {  	_ =	shalt  }
0x49: {  	_ =	shalt  }
0x4a: {  	_ =	shalt  }
0x4b: {  	_ =	shalt  }
0x4c: {  	_ =	shalt  }
0x4d: {  	_ =	shalt  }
0x4e: {  	_ =	shalt  }
0x4f: {  	_ =	shalt  }
0x50: {  	_ =	shalt  }
0x51: {  	_ =	shalt  }
0x52: {  	_ =	shalt  }
0x53: {  	_ =	shalt  }
0x54: {  	_ =	shalt  }
0x55: {  	_ =	shalt  }
0x56: {  	_ =	shalt  }
0x57: {  	_ =	shalt  }
0x58: {  	_ =	shalt  }
0x59: {  	_ =	shalt  }
0x5a: {  	_ =	shalt  }
0x5b: {  	_ =	shalt  }
0x5c: {  	_ =	shalt  }
0x5d: {  	_ =	shalt  }
0x5e: {  	_ =	shalt  }
0x5f: {  	_ =	shalt  }
0x60: {  	_ =	shalt  }
0x61: {  	_ =	shalt  }
0x62: {  	_ =	shalt  }
0x63: {  	_ =	shalt  }
0x64: {  	_ =	shalt  }
0x65: {  	_ =	shalt  }
0x66: {  	_ =	shalt  }
0x67: {  	_ =	shalt  }
0x68: {  	_ =	shalt  }
0x69: {  	_ =	shalt  }
0x6a: {  	_ =	shalt  }
0x6b: {  	_ =	shalt  }
0x6c: {  	_ =	shalt  }
0x6d: {  	_ =	shalt  }
0x6e: {  	_ =	shalt  }
0x6f: {  	_ =	shalt  }
0x70: {  	_ =	shalt  }
0x71: {  	_ =	shalt  }
0x72: {  	_ =	shalt  }
0x73: {  	_ =	shalt  }
0x74: {  	_ =	shalt  }
0x75: {  	_ =	shalt  }
0x76: {  	_ =	shalt  }
0x77: {  	_ =	shalt  }
0x78: {  	_ =	shalt  }
0x79: {  	_ =	shalt  }
0x7a: {  	_ =	shalt  }
0x7b: {  	_ =	shalt  }
0x7c: {  	_ =	shalt  }
0x7d: {  	_ =	shalt  }
0x7e: {  	_ =	shalt  }
0x7f: {  	_ =	shalt  }
0x80: {  	_ =	shalt  }
0x81: {  	_ =	shalt  }
0x82: {  	_ =	shalt  }
0x83: {  	_ =	shalt  }
0x84: {  	_ =	shalt  }
0x85: {  	_ =	shalt  }
0x86: {  	_ =	shalt  }
0x87: {  	_ =	shalt  }
.Lfunc_end0:
.L_simem_size_0:
called_computation.2_lowered:
.L_overlay_start_0:
0x88: {  	s2 =	sld [smem:$0x3FD9]  }
0x89: {  	s3 =	sld [smem:$0x3FFE];
	_ =	sdelay $0x1  }
0x8a: {  	s1 =	srdreg.scid  }
0x8b: {  	s0 =	sand.u32 $0x1, s1  }
0x8c: {  	s17 =	sshll.u32 s0, $0xA;
	s2 =	sadd.s32 s3, s2  }
0x8d: {  	s2 =	sadd.s32 s2, s17  }
0x8e: {  	[smem:$0x3FBF] =	sst s2  }
0x8f: {  	_ = 	snop  }
0x90: {  	s2 =	sld [smem:$0x3FD0];
	(tm) =	ssettm $0x1  }
0x91: {  	s18 =	sld [smem:$0x3FFB];
	_ =	sdelay $0x3  }
0x92: {  	_ =	strace s18  }
0x93: {  	s3 =	sld [smem:$0x3FFC];
	_ =	sdelay $0x3  }
0x94: {  	_ =	strace s3  }
0x95: {  	s3 =	sld [smem:$0x3FFD];
	_ =	sdelay $0x3  }
0x96: {  	_ =	strace s3  }
0x97: {  	_ =	strace $0x8FFFFFFF  }
0x98: {  	s19 =	sld [smem:$0x3FDB];
	_ =	sdelay $0x1  }
0x99: {  	s4 =	simm.s32 $_scs_section_size  }
0x9a: {  	s5 =	simm.s32 $_size__tile_overlayer_lowered;
	s6 =	simm.s32 $_tile_overlayer_lowered  }
0x9b: {  	s22 =	simm.s32 $0x1BFF;
	s21 =	sshll.u32 s6, $0x1;
	s3 =	sadd.s32 s4, s19  }
0x9c: {  	s7 =	simm.s32 $0x0;
	s20 =	sshll.u32 s5, $0x1;
	s5 =	sadd.s32 s21, s3  }
0x9d: {  	[timem:s7], [sflag:s22] =	dma.local [hbm:s5], s20  }
0x9e: {  	_ =	swait.ge [sflag:s22], s20  }
0x9f: {  	s4 =	ssub.s32 $0x0, s20;
	[sflag:s22] =	ssyncset.done $0x0  }
0xa0: {  	[sflag:s22] =	ssyncadd.s32 s4;
	_ =	sdelay $0x1  }
0xa1: {  	s23 =	simm.s32 $0x1B8B  }
0xa2: {  	_ =	swait.ge [sflag:s23], $0x1  }
0xa3: {  	[sflag:s23] =	ssyncset.done $0x0  }
0xa4: {  	s25 =	simm.s32 $0x1B8E;
	s24 =	sld [smem:$0x3FFE];
	[sflag:s23] =	ssyncadd.s32 $0xFFFFFFFF  }
0xa5: {  	s26 =	simm.s32 $execute0_lowered;
	[smem:$0x3FD2] =	sst s25  }
0xa6: {  	s5 =	sshll.u32 s26, $0x1;
	_ =	strace $0x8000004C;
	[dreg:$0x1] =	wrdreg $0xFFFFFFFF  }
0xa7: {  	s28 =	simm.s32 $_size_execute0_lowered;
	s3 =	sadd.s32 s3, s5;
	[dreg:$0x0] =	wrdreg $0x0  }
0xa8: {  	s5 =	sshll.u32 s28, $0x1;
	[dreg:$0x2] =	wrdreg s3  }
0xa9: {  	[dreg:$0x3] =	wrdreg s5  }
0xaa: {  	[dreg:$0x4] =	wrdreg $0xC0  }
0xab: {  	_ =	task [dreg:s7], $0x5FFFF  }
0xac: {  	[dreg:$0x1] =	wrdreg $0xFFFFFFFF  }
0xad: {  	[dreg:$0x0] =	wrdreg $0x60  }
0xae: {  	[dreg:$0x2] =	wrdreg s24  }
0xaf: {  	[dreg:$0x3] =	wrdreg s2  }
0xb0: {  	[dreg:$0x4] =	wrdreg $0x0  }
0xb1: {  	[dreg:$0x5] =	wrdreg $0x2800  }
0xb2: {  	[dreg:$0x6] =	wrdreg $0x9  }
0xb3: {  	_ =	task.clear_ibuf [dreg:s7], $0x7FFFF;
	_ =	strace $0x9000004C  }
0xb4: {  	s29 =	simm.s32 $0x9;
	_ =	strace $0x8000004E  }
0xb5: {  	_ =	swait.ge [sflag:s29], $0x1  }
0xb6: {  	[sflag:s29] =	ssyncadd.s32 $0xFFFFFFFF  }
0xb7: {  	_ =	strace $0x9000004E  }
0xb8: {  	_ =	sfence  }
0xb9: {  	s30 =	sld [smem:$0x0];
	_ =	sdelay $0x2  }
0xba: {  	s31 =	sshll.u32 s1, $0xD;
	s1 =	sshrl.u32 s1, $0x2  }
0xbb: {  	s3 =	sand.u32 $0x4000, s31;
	s1 =	sadd.s32 s1, s30  }
0xbc: {  	s0 =	sor.u32 s3, s0;
	s1 =	sshll.u32 s1, $0x11  }
0xbd: {  	s0 =	sor.u32 s1, s0  }
0xbe: {  	s0 =	sadd.s32 $0x8F2B, s0  }
0xbf: {  	[sflag:s0] =	ssyncadd.remote.s32 $0x1  }
0xc0: {  	_ =	sfence.sel $0xFFFF  }
0xc1: {  	[dreg:$0x0] =	wrdreg $0xFFFFFFFF;
	(pc) =	sbr.abs _section_cstart, $3  }
0xc2: {  	[dreg:$0x1] =	wrdreg $0xFFFFFFFF  }
0xc3: {  	_ =	task.clear_ibuf [dreg:s7], $0x2FFFF;
	_ =	strace $0x9FFFFFFF  }
0xc4: {  	(tm) =	ssettm $0x7FFFFFFF  }
0xc5: {  	_ =	shalt  }
tec
execute0_lowered:
.L_overlay_start_1:
0x0: {  	(tag) =	ssettag $0x1  }
0x1: {  	s7 =	rddreg [dreg:$0x0]  }
0x2: {  	s10 =	rddreg [dreg:$0x1]  }
0x3: {  	s1 =	rddreg [dreg:$0x2]  }
0x4: {  	s2 =	rddreg [dreg:$0x3];
	s3 =	simm.s32 $0x0;
	s4 =	srdreg.scid  }
0x5: {  	s17 =	simm.s32 $0x500;
	s18 =	simm.s32 $0x2C80;
	s19 =	simm.s32 $0x5400  }
0x6: {  	s20 =	simm.s32 $0x1;
	s21 =	simm.s32 $0x2;
	s22 =	simm.s32 $0x50  }
0x7: {  	s23 =	simm.s32 $0xA400;
	s24 =	simm.s32 $0xA480;
	s25 =	simm.s32 $0x0  }
0x8: {  	[smem:$0x7FF] =	sst s3;
	s8 =	sand.u32 $0x1, s4;
	s4 =	stileid.u32  }
0x9: {  	s5 =	sadd.s32 $0x16C00, s7;
	_ =	strace $0x8000004D;
	s11 =	smul.u32 $0x280, s4  }
0xa: {  	s6 =	sshll.u32 s8, $0x4;
	s12 =	ssub.s32 $0x2, s8;
	s8 =	smul.u32 $0x5000, s8  }
0xb: {  	s30 =	sshll.u32 s4, $0x6;
	s9 =	sor.u32 s4, s6;
	s6 =	sadd.s32 $0x16600, s7  }
0xc: {  	s14 =	sshrl.u32 s12, $0x1;
	s9 =	smul.u32 $0x4E2, s9;
	s13 =	sshrl.u32 s11, $0x3  }
0xd: {  	s28 =	ssub.s32 s12, s14;
	s29 =	sadd.s32 s11, s1;
	s31 =	sadd.s32 s11, s8  }
.Ltmp0:
0xe: {  	s8 =	sor.u32 $0x1C03, s30;
	s16 =	sadd.s32 s11, s2;
	(pc) =	sbr.rel .LBB2_1-.Ltmp0, $4  }
0xf: {  	s12 =	sshrl.u32 s31, $0x3;
	s14 =	sshrl.u32 s29, $0x3;
	s16 =	sshrl.u32 s16, $0x3  }
0x10: {  	s15 =	sadd.s32 s9, s7;
	s7 =	sadd.s32 s13, s7;
	s10 =	sadd.s32 s10, s12  }
0x11: {  	s13 =	smax.u32 s28, $0x1;
	s7 =	sadd.s32 $0x15800, s7;
	s9 =	sadd.s32 $0xBA00, s15  }
0x12: {  	s11 =	sadd.s32 $0x1C00, s15;
	s12 =	sadd.s32 $0x500, s10;
	s15 =	simm.s32 $0x3  }
.LBB2_5:
0x13: {  	_ =	swait.ge [sflag:s20], $0x50  }
0x14: {  	[sflag:s20] =	ssyncset.done $0x0  }
0x15: {  	[sflag:s20] =	ssyncadd.s32 $0xFFFFFFB0  }
0x16: {  	_ =	swait.ge [sflag:s20], $0x50  }
0x17: {  	[sflag:s20] =	ssyncset.done $0x0  }
0x18: {  	[sflag:s20] =	ssyncadd.s32 $0xFFFFFFB0  }
0x19: {  	_ =	swait.ge [sflag:s21], $0x50  }
0x1a: {  	[sflag:s21] =	ssyncset.done $0x0  }
0x1b: {  	[sflag:s21] =	ssyncadd.s32 $0xFFFFFFB0  }
0x1c: {  	_ =	swait.ge [sflag:s21], $0x50  }
0x1d: {  	[sflag:s21] =	ssyncset.done $0x0  }
0x1e: {  	[sflag:s21] =	ssyncadd.s32 $0xFFFFFFB0  }
0x1f: {  	[bflag:$0x0] =	sbarrier.arrive $0xFFFF  }
0x20: {  	[hbm:s10], [sflag:s8] =	dma.local [spmem:s14], $0x50  }
0x21: {  	s25 =	sadd.s32 $0x1, s25;
	_ =	swait.ge [sflag:s15], $0x50  }
0x22: {  	p0 =	sne.s32 s25, s13;
	[sflag:s15] =	ssyncset.done $0x0  }
.Ltmp1:
0x23: {  	[sflag:s15] =	ssyncadd.s32 $0xFFFFFFB0;
	(pc) =	sbr.rel @!p0 .LBB2_6-.Ltmp1, $4  }
0x24: {  	[hbm:s12], [sflag:s8] =	dma.local [spmem:s16], $0x50  }
0x25: {  	_ =	swait.ge [sflag:s15], $0x50  }
0x26: {  	[sflag:s15] =	ssyncset.done $0x0  }
0x27: {  	[sflag:s15] =	ssyncadd.s32 $0xFFFFFFB0  }
.LBB2_1:
0x28: {  	[spmem:s14], [sflag:s8] =	dma.local [hbm:s7], $0x50  }
0x29: {  	_ =	swait.ge [sflag:s15], $0x50  }
0x2a: {  	[sflag:s15] =	ssyncset.done $0x0  }
0x2b: {  	[sflag:s15] =	ssyncadd.s32 $0xFFFFFFB0  }
0x2c: {  	[spmem:s16], [sflag:s8] =	dma.local [hbm:s7], $0x50  }
0x2d: {  	_ =	swait.ge [sflag:s15], $0x50  }
0x2e: {  	[sflag:s15] =	ssyncset.done $0x0  }
0x2f: {  	[sflag:s15] =	ssyncadd.s32 $0xFFFFFFB0  }
0x30: {  	[tilespmem:s17], [sflag:$0x3] =	stream.linear.gather [hbm4b:s5+s3], $0x2780, $0x38;
	[tilespmem:$0xA500] =	vst v63  }
0x31: {  	_ =	swait.ge [sflag:s15], $0x2780  }
0x32: {  	[sflag:s15] =	ssyncset.done $0x0  }
0x33: {  	[sflag:s15] =	ssyncadd.s32 $0xFFFFD880  }
0x34: {  	[tilespmem:s18], [sflag:$0x3] =	stream.linear.gather [hbm4b:s6+s3], $0x2780, $0x38;
	[tilespmem:$0xA500] =	vst v63  }
0x35: {  	_ =	swait.ge [sflag:s15], $0x2780  }
0x36: {  	[sflag:s15] =	ssyncset.done $0x0  }
0x37: {  	[sflag:s15] =	ssyncadd.s32 $0xFFFFD880  }
0x38: {  	[tilespmem:s19], [sflag:$0x3] =	stream.linear.gather [hbm4b:s9+s3], $0x2710, $0x38;
	[tilespmem:$0xA500] =	vst v63  }
0x39: {  	_ =	swait.ge [sflag:s15], $0x2710  }
0x3a: {  	[sflag:s15] =	ssyncset.done $0x0  }
0x3b: {  	s26 =	simm.s32 $0x7B80;
	[sflag:s15] =	ssyncadd.s32 $0xFFFFD8F0  }
0x3c: {  	[tilespmem:s26], [sflag:$0x3] =	stream.linear.gather [hbm4b:s11+s3], $0x2710, $0x38;
	[tilespmem:$0xA500] =	vst v63  }
.Ltmp2:
0x3d: {  	_ =	swait.ge [sflag:s15], $0x2710;
	(pc) =	sbr.rel .LBB2_2-.Ltmp2, $4  }
0x3e: {  	[sflag:s15] =	ssyncset.done $0x0  }
0x3f: {  	[sflag:s15] =	ssyncadd.s32 $0xFFFFD8F0  }
0x40: {  	[bflag:$0x0] =	sbarrier.arrive $0xFFFF  }
0x41: {  	s28 =	simm.s32 $0x5420;
	s29 =	simm.s32 $0x0  }
.LBB2_4:
0x42: {  	s29 =	sadd.s32 $0x1, s29  }
0x43: {  	p0 =	sne.s32 s29, $0x7D  }
.Ltmp3:
0x44: {  	_ = 	snop;
	(pc) =	sbr.rel @!p0 .LBB2_5-.Ltmp3, $2  }
0x45: {  	_ =	sdelay $0x2  }
0x46: {  	s26 =	sadd.s32 $0x50, s26;
	s28 =	sadd.s32 $0x50, s28  }
.LBB2_2:
0x47: {  	s30 =	sand.u32 $0x1, s29  }
0x48: {  	p0 =	seq.s32 s30, $0x1  }
0x49: {  	p1 =	slt.u32 @!p0 s29, $0x2  }
0x4a: {  	p1 =	por p1, p0  }
0x4b: {  	s31 =	simm.s32 @!p1 $0x1  }
0x4c: {  	_ =	swait.ge @!p1 [sflag:s31], $0x50  }
0x4d: {  	[sflag:s31] =	ssyncset.done @!p1 $0x0  }
0x4e: {  	[sflag:s31] =	ssyncadd.s32 @!p1 $0xFFFFFFB0  }
0x4f: {  	_ =	swait.ge @!p1 [sflag:s31], $0x50  }
0x50: {  	[sflag:s31] =	ssyncset.done @!p1 $0x0  }
0x51: {  	[sflag:s31] =	ssyncadd.s32 @!p1 $0xFFFFFFB0  }
0x52: {  	v0 =	vld @!p0 [tilespmem:s28+$0xFFFFFFE0];
	_ =	sdelay $0x6  }
0x53: {  	s31 =	simm.s32 @!p0 $0x500  }
0x54: {  	v1 =	vld.idx.msk @!p0 [tilespmem:v0+s31+$0x0], $0xffff;
	_ =	sdelay $0x4  }
0x55: {  	s0 =	simm.s32 @!p0 $0x2C80;
	[tilespmem:$0xA300] =	vst @!p0 v1  }
0x56: {  	v0 =	vld.idx.msk @!p0 [tilespmem:v0+s0+$0x0], $0xffff;
	_ =	sdelay $0x4  }
0x57: {  	[tilespmem:$0xA380] =	vst @!p0 v0  }
0x58: {  	v0 =	vld @!p0 [tilespmem:s28+$0xFFFFFFF0];
	_ =	sdelay $0x7  }
0x59: {  	v1 =	vld.idx.msk @!p0 [tilespmem:v0+s31+$0x0], $0xffff;
	_ =	sdelay $0x4  }
0x5a: {  	[tilespmem:$0xA310] =	vst @!p0 v1  }
0x5b: {  	v0 =	vld.idx.msk @!p0 [tilespmem:v0+s0+$0x0], $0xffff;
	_ =	sdelay $0x4  }
0x5c: {  	[tilespmem:$0xA390] =	vst @!p0 v0  }
0x5d: {  	v0 =	vld @!p0 [tilespmem:s28+$0x0];
	_ =	sdelay $0x7  }
0x5e: {  	v1 =	vld.idx.msk @!p0 [tilespmem:v0+s31+$0x0], $0xffff;
	_ =	sdelay $0x4  }
0x5f: {  	[tilespmem:$0xA320] =	vst @!p0 v1  }
0x60: {  	v0 =	vld.idx.msk @!p0 [tilespmem:v0+s0+$0x0], $0xffff;
	_ =	sdelay $0x4  }
0x61: {  	[tilespmem:$0xA3A0] =	vst @!p0 v0  }
0x62: {  	v0 =	vld @!p0 [tilespmem:s28+$0x10];
	_ =	sdelay $0x7  }
0x63: {  	v1 =	vld.idx.msk @!p0 [tilespmem:v0+s31+$0x0], $0xffff;
	_ =	sdelay $0x4  }
0x64: {  	[tilespmem:$0xA330] =	vst @!p0 v1  }
0x65: {  	v0 =	vld.idx.msk @!p0 [tilespmem:v0+s0+$0x0], $0xffff;
	_ =	sdelay $0x4  }
0x66: {  	[tilespmem:$0xA3B0] =	vst @!p0 v0  }
0x67: {  	v0 =	vld @!p0 [tilespmem:s28+$0x20];
	_ =	sdelay $0x7  }
0x68: {  	v1 =	vld.idx.msk @!p0 [tilespmem:v0+s31+$0x0], $0xffff;
	_ =	sdelay $0x4  }
0x69: {  	[tilespmem:$0xA340] =	vst @!p0 v1  }
0x6a: {  	v0 =	vld.idx.msk @!p0 [tilespmem:v0+s0+$0x0], $0xffff;
	_ =	sdelay $0x4  }
0x6b: {  	s31 =	simm.s32 @!p0 $0xA300;
	s0 =	simm.s32 @!p0 $0x50;
	[tilespmem:$0xA3C0] =	vst @!p0 v0  }
0x6c: {  	[spmem:s1] =	stream.indirect.scatter.add.f32 @!p0 [tilespmem:s31], [sflag:$0x1], $0x1, s26, s0, $0xb8;
	[tilespmem:$0xA500] =	vst v63  }
0x6d: {  	p1 =	seq.s32 @!p0 s30, $0x0;
	s31 =	simm.s32 @!p0 $0xA380  }
0x6e: {  	[spmem:s2] =	stream.indirect.scatter.add.f32 @!p0 [tilespmem:s31], [sflag:$0x1], $0x1, s26, s0, $0xb8;
	[tilespmem:$0xA500] =	vst v63  }
0x6f: {  	p0 =	por p0, !p1  }
.Ltmp4:
0x70: {  	_ = 	snop;
	(pc) =	sbr.rel @!p0 .LBB2_4-.Ltmp4, $1  }
0x71: {  	_ =	sdelay $0x3  }
0x72: {  	p0 =	slt.u32 s29, $0x2  }
0x73: {  	s0 =	simm.s32 @!p0 $0x2  }
0x74: {  	_ =	swait.ge @!p0 [sflag:s0], $0x50  }
0x75: {  	[sflag:s0] =	ssyncset.done @!p0 $0x0  }
0x76: {  	[sflag:s0] =	ssyncadd.s32 @!p0 $0xFFFFFFB0  }
0x77: {  	_ =	swait.ge @!p0 [sflag:s0], $0x50  }
0x78: {  	[sflag:s0] =	ssyncset.done @!p0 $0x0  }
0x79: {  	[sflag:s0] =	ssyncadd.s32 @!p0 $0xFFFFFFB0  }
0x7a: {  	v0 =	vld [tilespmem:s28+$0xFFFFFFE0];
	_ =	sdelay $0x7  }
0x7b: {  	v1 =	vld.idx.msk [tilespmem:v0+s17+$0x0], $0xffff;
	_ =	sdelay $0x4  }
0x7c: {  	[tilespmem:$0xA400] =	vst v1  }
0x7d: {  	v0 =	vld.idx.msk [tilespmem:v0+s18+$0x0], $0xffff;
	_ =	sdelay $0x4  }
0x7e: {  	[tilespmem:$0xA480] =	vst v0  }
0x7f: {  	v0 =	vld [tilespmem:s28+$0xFFFFFFF0];
	_ =	sdelay $0x7  }
0x80: {  	v1 =	vld.idx.msk [tilespmem:v0+s17+$0x0], $0xffff;
	_ =	sdelay $0x4  }
0x81: {  	[tilespmem:$0xA410] =	vst v1  }
0x82: {  	v0 =	vld.idx.msk [tilespmem:v0+s18+$0x0], $0xffff;
	_ =	sdelay $0x4  }
0x83: {  	[tilespmem:$0xA490] =	vst v0  }
0x84: {  	v0 =	vld [tilespmem:s28+$0x0];
	_ =	sdelay $0x7  }
0x85: {  	v1 =	vld.idx.msk [tilespmem:v0+s17+$0x0], $0xffff;
	_ =	sdelay $0x4  }
0x86: {  	[tilespmem:$0xA420] =	vst v1  }
0x87: {  	v0 =	vld.idx.msk [tilespmem:v0+s18+$0x0], $0xffff;
	_ =	sdelay $0x4  }
0x88: {  	[tilespmem:$0xA4A0] =	vst v0  }
0x89: {  	v0 =	vld [tilespmem:s28+$0x10];
	_ =	sdelay $0x7  }
0x8a: {  	v1 =	vld.idx.msk [tilespmem:v0+s17+$0x0], $0xffff;
	_ =	sdelay $0x4  }
0x8b: {  	[tilespmem:$0xA430] =	vst v1  }
0x8c: {  	v0 =	vld.idx.msk [tilespmem:v0+s18+$0x0], $0xffff;
	_ =	sdelay $0x4  }
0x8d: {  	[tilespmem:$0xA4B0] =	vst v0  }
0x8e: {  	v0 =	vld [tilespmem:s28+$0x20];
	_ =	sdelay $0x7  }
0x8f: {  	v1 =	vld.idx.msk [tilespmem:v0+s17+$0x0], $0xffff;
	_ =	sdelay $0x4  }
0x90: {  	[tilespmem:$0xA440] =	vst v1  }
0x91: {  	v0 =	vld.idx.msk [tilespmem:v0+s18+$0x0], $0xffff;
	_ =	sdelay $0x3  }
.Ltmp5:
0x92: {  	_ = 	snop;
	(pc) =	sbr.rel .LBB2_4-.Ltmp5, $4  }
0x93: {  	[tilespmem:$0xA4C0] =	vst v0  }
0x94: {  	[spmem:s1] =	stream.indirect.scatter.add.f32 [tilespmem:s23], [sflag:$0x2], $0x1, s26, s22, $0xb8;
	[tilespmem:$0xA500] =	vst v63  }
0x95: {  	_ = 	snop  }
0x96: {  	[spmem:s2] =	stream.indirect.scatter.add.f32 [tilespmem:s24], [sflag:$0x2], $0x1, s26, s22, $0xb8;
	[tilespmem:$0xA500] =	vst v63  }
.LBB2_6:
0x97: {  	_ =	sfence.sel $0x180000  }
0x98: {  	[bflag:$0x0] =	sbarrier.arrive $0xFFFF  }
0x99: {  	_ =	strace $0x9000004D  }
0x9a: {  	[bflag:$0x2] =	sbarrier.arrive $0xFFFF  }
0x9b: {  	p0 =	sne.s32 s4, $0x0;
	s0 =	rddreg [dreg:$0x4]  }
0x9c: {  	s0 =	sadd.s32 @!p0 $0x100000, s0  }
0x9d: {  	[sflag:s0] =	ssyncadd.tile.s32 @!p0 $0x1;
	_ =	shalt  }
.Lfunc_end2:
_tile_overlayer_lowered:
.L_overlay_start_2:
0x9e: {  	(tag) =	ssettag $0x2  }
0x9f: {  	s0 =	rddreg [dreg:$0x0];
	s2 =	stileid.u32  }
0xa0: {  	s1 =	rddreg [dreg:$0x1];
	p0 =	sne.s32 s2, $0x0  }
0xa1: {  	s3 =	rddreg [dreg:$0x2];
	[bflag:$0x3] =	sbarrier.arrive $0xFFFF;
	s2 =	simm.s32 @!p0 $0x1C03  }
0xa2: {  	[timem:s3], [sflag:s2] =	dma.local @!p0 [hbm:s0], s1  }
0xa3: {  	s0 =	simm.s32 @!p0 $0x3  }
0xa4: {  	_ =	swait.ge @!p0 [sflag:s0], s1  }
0xa5: {  	s1 =	ssub.s32 @!p0 $0x0, s1;
	[sflag:s0] =	ssyncset.done @!p0 $0x0  }
0xa6: {  	[sflag:s0] =	ssyncadd.s32 @!p0 s1  }
0xa7: {  	[bflag:$0x3] =	sbarrier.arrive $0xFFFF  }
0xa8: {  	_ =	shalt  }

// kernel: kernel.18.cloned.1.call-start
scs
__scs_entry_jumppad:
0x0: {  	(pc) =	sbr.rel $0x88, $3  }
0x1: {  	(tag) =	ssettag $0x0;
	lr =	simm.s32 $0x1  }
0x2: {  	[smem:$0x3F98] =	sst lr;
	_ =	strace $0xD0000000  }
0x3: {  	_ = 	snop  }
0x4: {  	_ = 	snop  }
0x5: {  	_ = 	snop  }
0x6: {  	_ = 	snop  }
0x7: {  	_ = 	snop  }
__scs_overlays_trampoline_lowered:
0x8: {  	[smem:$0x3FA7] =	sst s0  }
0x9: {  	[smem:$0x3FA8] =	sst s1  }
0xa: {  	[smem:$0x3FA9] =	sst s2  }
0xb: {  	[smem:$0x3FAA] =	sst s3  }
0xc: {  	[smem:$0x3FAB] =	sst s4  }
0xd: {  	[smem:$0x3FAC] =	sst s5  }
0xe: {  	[smem:$0x3FAD] =	sst s6  }
0xf: {  	[smem:$0x3FAE] =	sst s7  }
0x10: {  	[smem:$0x3FAF] =	sst s8  }
0x11: {  	[smem:$0x3FB0] =	sst s9;
	s0 =	simm.s32 @!p0 $0x0  }
0x12: {  	s1 =	sld [smem:$0x3F96];
	s0 =	simm.s32 @p0 $0x1  }
0x13: {  	[smem:$0x3FB1] =	sst s0;
	s0 =	simm.s32 @!p1 $0x0  }
0x14: {  	s2 =	sld [smem:$0x3F95];
	s0 =	simm.s32 @p1 $0x1  }
0x15: {  	[smem:$0x3FB2] =	sst s0;
	s0 =	simm.s32 @!p2 $0x0  }
0x16: {  	s3 =	sld [smem:$0x3FDB];
	s0 =	simm.s32 @p2 $0x1  }
0x17: {  	s4 =	simm.s32 $0x1BF5;
	[smem:$0x3FB4] =	sst s0  }
0x18: {  	s0 =	sld [smem:$0x3F97];
	_ =	swait.ge [sflag:s4], $0x0  }
0x19: {  	s7 =	sld [smem:$0x3F98]  }
0x1a: {  	s8 =	sadd.s32 $0xFFFFE003, lr  }
0x1b: {  	s9 =	sadd.s32 $0xFFFFFEF7, lr;
	s5 =	simm.s32 $0xFFFFFFFF;
	p2 =	slt.u32 s8, $0xFFFFF086  }
0x1c: {  	p1 =	slt.u32 s9, $0xF7A;
	s5 =	simm.s32 @!p2 $0x0  }
0x1d: {  	s5 =	simm.s32 @p1 $0x1;
	p0 =	seq.s32 s7, s2  }
0x1e: {  	s7 =	smul.u32 @!p0 $0xF7A, s2;
	p2 =	seq.s32 @!p0 s5, $0x0  }
0x1f: {  	s9 =	smul.u32 $0xF7A, s1;
	s8 =	simm.s32 @!p0 $0x1BF5;
	p2 =	por !p2, p0  }
0x20: {  	[sflag:s8] =	ssyncset.s32 @!p0 $0xFFFFF086;
	s6 =	sadd.s32 @!p0 s3, s7;
	s7 =	simm.s32 @!p0 $0x108  }
0x21: {  	s3 =	sadd.s32 s3, s9;
	s6 =	sadd.s32 @!p0 $0x88, s6;
	s7 =	simm.s32 @p2 $0x1082  }
0x22: {  	[simem:s7], [sflag:s8] =	dma.local @!p0 [hbm:s6], $0xF7A  }
0x23: {  	s9 =	sor.u32 $0xD0000000, s2;
	s6 =	simm.s32 $0x108;
	_ =	swait.ge @!p0 [sflag:s8], $0x0  }
0x24: {  	s3 =	sadd.s32 $0x88, s3;
	s6 =	simm.s32 @!p1 $0x1082;
	[sflag:s4] =	ssyncset.s32 $0xFFFFF086  }
0x25: {  	[simem:s6], [sflag:s4] =	dma.local [hbm:s3], $0xF7A  }
0x26: {  	[smem:$0x3F98] =	sst s1;
	(tag) =	ssettag s2;
	_ =	strace s9  }
0x27: {  	s1 =	sld [smem:$0x3FA8]  }
0x28: {  	s2 =	sld [smem:$0x3FA9]  }
0x29: {  	s4 =	sld [smem:$0x3FAB]  }
0x2a: {  	p0 =	seq.s32 s5, $0x0;
	s5 =	sld [smem:$0x3FAC]  }
0x2b: {  	s6 =	sld [smem:$0x3FAD]  }
0x2c: {  	s7 =	sld [smem:$0x3FAE]  }
0x2d: {  	s3 =	simm.s32 $0x108;
	s8 =	sld [smem:$0x3FAF]  }
0x2e: {  	s3 =	simm.s32 @!p0 $0x1082;
	s9 =	sld [smem:$0x3FB0]  }
0x2f: {  	lr =	sadd.s32 s0, s3;
	s0 =	sld [smem:$0x3FA7]  }
0x30: {  	s3 =	sld [smem:$0x3FAA]  }
0x31: {  	[smem:$0x3FB3] =	sst s10  }
0x32: {  	s10 =	sld [smem:$0x3FB1];
	_ =	sdelay $0x3  }
0x33: {  	p0 =	seq.s32 s10, $0x1;
	s10 =	sld [smem:$0x3FB3];
	_ =	sdelay $0x3  }
0x34: {  	[smem:$0x3FB3] =	sst s10  }
0x35: {  	s10 =	sld [smem:$0x3FB2];
	_ =	sdelay $0x3  }
0x36: {  	p1 =	seq.s32 s10, $0x1;
	s10 =	sld [smem:$0x3FB3];
	_ =	sdelay $0x3  }
0x37: {  	[smem:$0x3FB3] =	sst s10  }
0x38: {  	s10 =	sld [smem:$0x3FB4]  }
0x39: {  	_ = 	snop;
	(pc) =	sbr.ind lr, $3  }
0x3a: {  	_ = 	snop  }
0x3b: {  	_ = 	snop  }
0x3c: {  	p2 =	seq.s32 s10, $0x1;
	s10 =	sld [smem:$0x3FB3]  }
0x3d: {  	_ =	shalt  }
0x3e: {  	_ =	shalt  }
0x3f: {  	_ =	shalt  }
0x40: {  	_ =	shalt  }
0x41: {  	_ =	shalt  }
0x42: {  	_ =	shalt  }
0x43: {  	_ =	shalt  }
0x44: {  	_ =	shalt  }
0x45: {  	_ =	shalt  }
0x46: {  	_ =	shalt  }
0x47: {  	_ =	shalt  }
0x48: {  	_ =	shalt  }
0x49: {  	_ =	shalt  }
0x4a: {  	_ =	shalt  }
0x4b: {  	_ =	shalt  }
0x4c: {  	_ =	shalt  }
0x4d: {  	_ =	shalt  }
0x4e: {  	_ =	shalt  }
0x4f: {  	_ =	shalt  }
0x50: {  	_ =	shalt  }
0x51: {  	_ =	shalt  }
0x52: {  	_ =	shalt  }
0x53: {  	_ =	shalt  }
0x54: {  	_ =	shalt  }
0x55: {  	_ =	shalt  }
0x56: {  	_ =	shalt  }
0x57: {  	_ =	shalt  }
0x58: {  	_ =	shalt  }
0x59: {  	_ =	shalt  }
0x5a: {  	_ =	shalt  }
0x5b: {  	_ =	shalt  }
0x5c: {  	_ =	shalt  }
0x5d: {  	_ =	shalt  }
0x5e: {  	_ =	shalt  }
0x5f: {  	_ =	shalt  }
0x60: {  	_ =	shalt  }
0x61: {  	_ =	shalt  }
0x62: {  	_ =	shalt  }
0x63: {  	_ =	shalt  }
0x64: {  	_ =	shalt  }
0x65: {  	_ =	shalt  }
0x66: {  	_ =	shalt  }
0x67: {  	_ =	shalt  }
0x68: {  	_ =	shalt  }
0x69: {  	_ =	shalt  }
0x6a: {  	_ =	shalt  }
0x6b: {  	_ =	shalt  }
0x6c: {  	_ =	shalt  }
0x6d: {  	_ =	shalt  }
0x6e: {  	_ =	shalt  }
0x6f: {  	_ =	shalt  }
0x70: {  	_ =	shalt  }
0x71: {  	_ =	shalt  }
0x72: {  	_ =	shalt  }
0x73: {  	_ =	shalt  }
0x74: {  	_ =	shalt  }
0x75: {  	_ =	shalt  }
0x76: {  	_ =	shalt  }
0x77: {  	_ =	shalt  }
0x78: {  	_ =	shalt  }
0x79: {  	_ =	shalt  }
0x7a: {  	_ =	shalt  }
0x7b: {  	_ =	shalt  }
0x7c: {  	_ =	shalt  }
0x7d: {  	_ =	shalt  }
0x7e: {  	_ =	shalt  }
0x7f: {  	_ =	shalt  }
0x80: {  	_ =	shalt  }
0x81: {  	_ =	shalt  }
0x82: {  	_ =	shalt  }
0x83: {  	_ =	shalt  }
0x84: {  	_ =	shalt  }
0x85: {  	_ =	shalt  }
0x86: {  	_ =	shalt  }
0x87: {  	_ =	shalt  }
.Lfunc_end0:
.L_simem_size_0:
called_computation.3_lowered:
.L_overlay_start_0:
0x88: {  	s2 =	sld [smem:$0x3FD9]  }
0x89: {  	s3 =	sld [smem:$0x3FFE];
	_ =	sdelay $0x1  }
0x8a: {  	s1 =	srdreg.scid  }
0x8b: {  	s0 =	sand.u32 $0x1, s1  }
0x8c: {  	s17 =	sshll.u32 s0, $0xA;
	s2 =	sadd.s32 s3, s2  }
0x8d: {  	s2 =	sadd.s32 s2, s17  }
0x8e: {  	[smem:$0x3FBF] =	sst s2  }
0x8f: {  	_ = 	snop  }
0x90: {  	s2 =	sld [smem:$0x3FD0];
	(tm) =	ssettm $0x1  }
0x91: {  	s18 =	sld [smem:$0x3FFB];
	_ =	sdelay $0x3  }
0x92: {  	_ =	strace s18  }
0x93: {  	s3 =	sld [smem:$0x3FFC];
	_ =	sdelay $0x3  }
0x94: {  	_ =	strace s3  }
0x95: {  	s3 =	sld [smem:$0x3FFD];
	_ =	sdelay $0x3  }
0x96: {  	_ =	strace s3  }
0x97: {  	_ =	strace $0x8FFFFFFF  }
0x98: {  	s19 =	sld [smem:$0x3FDB];
	_ =	sdelay $0x1  }
0x99: {  	s4 =	simm.s32 $_scs_section_size  }
0x9a: {  	s5 =	simm.s32 $_size__tile_overlayer_lowered;
	s6 =	simm.s32 $_tile_overlayer_lowered  }
0x9b: {  	s22 =	simm.s32 $0x1BFF;
	s21 =	sshll.u32 s6, $0x1;
	s3 =	sadd.s32 s4, s19  }
0x9c: {  	s7 =	simm.s32 $0x0;
	s20 =	sshll.u32 s5, $0x1;
	s5 =	sadd.s32 s21, s3  }
0x9d: {  	[timem:s7], [sflag:s22] =	dma.local [hbm:s5], s20  }
0x9e: {  	_ =	swait.ge [sflag:s22], s20  }
0x9f: {  	s4 =	ssub.s32 $0x0, s20;
	[sflag:s22] =	ssyncset.done $0x0  }
0xa0: {  	[sflag:s22] =	ssyncadd.s32 s4;
	_ =	sdelay $0x1  }
0xa1: {  	s23 =	simm.s32 $0x1B8B  }
0xa2: {  	_ =	swait.ge [sflag:s23], $0x1  }
0xa3: {  	[sflag:s23] =	ssyncset.done $0x0  }
0xa4: {  	s25 =	simm.s32 $0x1B8E;
	s24 =	sld [smem:$0x3FFE];
	[sflag:s23] =	ssyncadd.s32 $0xFFFFFFFF  }
0xa5: {  	s26 =	simm.s32 $execute0_lowered;
	[smem:$0x3FD2] =	sst s25  }
0xa6: {  	s5 =	sshll.u32 s26, $0x1;
	_ =	strace $0x8000004F;
	[dreg:$0x1] =	wrdreg $0xFFFFFFFF  }
0xa7: {  	s28 =	simm.s32 $_size_execute0_lowered;
	s3 =	sadd.s32 s3, s5;
	[dreg:$0x0] =	wrdreg $0x0  }
0xa8: {  	s5 =	sshll.u32 s28, $0x1;
	[dreg:$0x2] =	wrdreg s3  }
0xa9: {  	[dreg:$0x3] =	wrdreg s5  }
0xaa: {  	[dreg:$0x4] =	wrdreg $0xC0  }
0xab: {  	_ =	task [dreg:s7], $0x5FFFF  }
0xac: {  	[dreg:$0x1] =	wrdreg $0xFFFFFFFF  }
0xad: {  	[dreg:$0x0] =	wrdreg $0x60  }
0xae: {  	[dreg:$0x2] =	wrdreg s24  }
0xaf: {  	[dreg:$0x3] =	wrdreg s2  }
0xb0: {  	[dreg:$0x4] =	wrdreg $0x9  }
0xb1: {  	_ =	task.clear_ibuf [dreg:s7], $0x5FFFF;
	_ =	strace $0x9000004F  }
0xb2: {  	s29 =	simm.s32 $0x9;
	_ =	strace $0x80000051  }
0xb3: {  	_ =	swait.ge [sflag:s29], $0x1  }
0xb4: {  	[sflag:s29] =	ssyncadd.s32 $0xFFFFFFFF  }
0xb5: {  	_ =	strace $0x90000051  }
0xb6: {  	_ =	sfence  }
0xb7: {  	s30 =	sld [smem:$0x0];
	_ =	sdelay $0x2  }
0xb8: {  	s31 =	sshll.u32 s1, $0xD;
	s1 =	sshrl.u32 s1, $0x2  }
0xb9: {  	s3 =	sand.u32 $0x4000, s31;
	s1 =	sadd.s32 s1, s30  }
0xba: {  	s0 =	sor.u32 s3, s0;
	s1 =	sshll.u32 s1, $0x11  }
0xbb: {  	s0 =	sor.u32 s1, s0  }
0xbc: {  	s0 =	sadd.s32 $0x8F2B, s0  }
0xbd: {  	[sflag:s0] =	ssyncadd.remote.s32 $0x1  }
0xbe: {  	_ =	sfence.sel $0xFFFF  }
0xbf: {  	[dreg:$0x0] =	wrdreg $0xFFFFFFFF;
	(pc) =	sbr.abs _section_cstart, $3  }
0xc0: {  	[dreg:$0x1] =	wrdreg $0xFFFFFFFF  }
0xc1: {  	_ =	task.clear_ibuf [dreg:s7], $0x2FFFF;
	_ =	strace $0x9FFFFFFF  }
0xc2: {  	(tm) =	ssettm $0x7FFFFFFF  }
0xc3: {  	_ =	shalt  }
tec
execute0_lowered:
.L_overlay_start_1:
0x0: {  	(tag) =	ssettag $0x1  }
0x1: {  	s0 =	rddreg [dreg:$0x0]  }
0x2: {  	s1 =	rddreg [dreg:$0x1];
	s2 =	simm.s32 $0x0  }
0x3: {  	s3 =	srdreg.scid;
	s5 =	stileid.u32;
	s20 =	simm.s32 $0x5  }
0x4: {  	s21 =	simm.s32 $0x2800;
	s29 =	simm.s32 $0x2;
	s30 =	simm.s32 $0xA800  }
0x5: {  	s31 =	simm.s32 $0x3;
	s22 =	simm.s32 $0x7800;
	s23 =	simm.s32 $0x0  }
0x6: {  	[smem:$0x7FF] =	sst s2;
	s3 =	sand.u32 $0x1, s3;
	s6 =	sadd.s32 $0x15800, s0  }
0x7: {  	s25 =	sadd.s32 $0x16000, s0;
	s7 =	sadd.s32 $0x1C00, s0;
	s9 =	sadd.s32 $0x2AE00, s0  }
0x8: {  	s10 =	sadd.s32 $0x21000, s0;
	s11 =	sadd.s32 $0x17200, s0;
	s4 =	sshll.u32 s3, $0x4  }
0x9: {  	s12 =	sadd.s32 $0x15E00, s0;
	_ =	strace $0x80000050;
	s4 =	sor.u32 s5, s4  }
0xa: {  	[dreg:$0x3] =	wrdreg s6;
	s3 =	ssub.s32 $0x2, s3;
	s8 =	smul.u32 $0x2710, s4  }
.Ltmp0:
0xb: {  	[dreg:$0x4] =	wrdreg s25;
	s26 =	sshrl.u32 s3, $0x1;
	(pc) =	sbr.rel .LBB2_1-.Ltmp0, $4  }
0xc: {  	s6 =	sadd.s32 $0xBA00, s0;
	s0 =	simm.s32 $0x4;
	s28 =	ssub.s32 s3, s26  }
0xd: {  	s3 =	simm.s32 $0x1;
	s19 =	smax.u32 s28, $0x1;
	s17 =	sshrl.u32 s8, $0x3  }
0xe: {  	s18 =	sadd.s32 $0x7D0, s8;
	s13 =	sadd.s32 s6, s17;
	s14 =	sadd.s32 s7, s17  }
0xf: {  	s15 =	sadd.s32 s9, s17;
	s16 =	sadd.s32 s10, s17;
	s17 =	sadd.s32 s11, s17  }
.LBB2_10:
0x10: {  	s23 =	sadd.s32 $0x1, s23  }
0x11: {  	_ =	swait.ge [sflag:s31], $0x7D0;
	p0 =	sne.s32 s23, s19  }
.Ltmp1:
0x12: {  	[sflag:s31] =	ssyncset.done $0x0;
	(pc) =	sbr.rel @!p0 .LBB2_11-.Ltmp1, $4  }
0x13: {  	[sflag:s31] =	ssyncadd.s32 $0xFFFFF830  }
0x14: {  	_ =	swait.ge [sflag:s0], $0x7D0  }
0x15: {  	[sflag:s0] =	ssyncset.done $0x0  }
0x16: {  	[sflag:s0] =	ssyncadd.s32 $0xFFFFF830  }
.LBB2_1:
0x17: {  	s4 =	rddreg [dreg:$0x3]  }
0x18: {  	[tilespmem:s2], [sflag:$0x5] =	stream.linear.gather [hbm4b:s4+s2], $0x2800, $0x38;
	[tilespmem:$0xB080] =	vst v63  }
0x19: {  	_ =	swait.ge [sflag:s20], $0x2800  }
0x1a: {  	[sflag:s20] =	ssyncset.done $0x0  }
0x1b: {  	s26 =	rddreg [dreg:$0x4];
	[sflag:s20] =	ssyncadd.s32 $0xFFFFD800  }
0x1c: {  	[tilespmem:s21], [sflag:$0x5] =	stream.linear.gather [hbm4b:s26+s2], $0x2800, $0x38;
	[tilespmem:$0xB080] =	vst v63  }
0x1d: {  	_ =	swait.ge [sflag:s20], $0x2800  }
0x1e: {  	[sflag:s20] =	ssyncset.done $0x0  }
0x1f: {  	s28 =	simm.s32 $0xB000;
	[sflag:s20] =	ssyncadd.s32 $0xFFFFD800  }
0x20: {  	[tilespmem:s28], [sflag:$0x5] =	stream.linear.gather [hbm4b:s12+s2], $0x80, $0x38;
	[tilespmem:$0xB080] =	vst v63  }
0x21: {  	_ =	swait.ge [sflag:s20], $0x80  }
0x22: {  	[sflag:s20] =	ssyncset.done $0x0  }
0x23: {  	s5 =	simm.s32 $0x5000;
	[sflag:s20] =	ssyncadd.s32 $0xFFFFFF80  }
0x24: {  	v3 =	vld [tilespmem:$0xB000];
	[tilespmem:s5], [sflag:$0x1] =	stream.linear.gather [hbm4b:s13+s2], $0x7D0, $0x38  }
0x25: {  	s24 =	simm.s32 $0x5800  }
0x26: {  	[tilespmem:s24], [sflag:$0x1] =	stream.linear.gather [hbm4b:s14+s2], $0x7D0, $0x38;
	[tilespmem:$0xB080] =	vst v63  }
0x27: {  	s25 =	simm.s32 $0x6000  }
0x28: {  	[tilespmem:s25], [sflag:$0x1] =	stream.linear.gather [hbm4b:s15+s2], $0x7D0, $0x38;
	[tilespmem:$0xB080] =	vst v63  }
.Ltmp2:
0x29: {  	_ = 	snop;
	(pc) =	sbr.rel .LBB2_2-.Ltmp2, $4  }
0x2a: {  	s26 =	simm.s32 $0x6800  }
0x2b: {  	[tilespmem:s26], [sflag:$0x1] =	stream.linear.gather [hbm4b:s16+s2], $0x7D0, $0x38;
	[tilespmem:$0xB080] =	vst v63  }
0x2c: {  	s28 =	simm.s32 $0x7000;
	s24 =	simm.s32 $0x0;
	v0 =	vbroadcast v3, $0x0;
	v1 =	vbroadcast v3, $0x1  }
0x2d: {  	v2 =	vbroadcast v3, $0x2;
	v3 =	vbroadcast v3, $0x3;
	[tilespmem:s28], [sflag:$0x1] =	stream.linear.gather [hbm4b:s17+s2], $0x7D0, $0x38;
	[tilespmem:$0xB080] =	vst v63  }
.LBB2_9:
0x2e: {  	s24 =	sadd.s32 $0x1, s24  }
0x2f: {  	p0 =	sne.s32 s24, $0x5  }
.Ltmp3:
0x30: {  	_ = 	snop;
	(pc) =	sbr.rel @!p0 .LBB2_10-.Ltmp3, $1  }
0x31: {  	_ =	sdelay $0x3  }
.LBB2_2:
0x32: {  	s25 =	sand.u32 $0x1, s24  }
0x33: {  	p0 =	seq.s32 s25, $0x1  }
.Ltmp4:
0x34: {  	_ = 	snop;
	(pc) =	sbr.rel @p0 .LBB2_6-.Ltmp4, $1  }
0x35: {  	_ =	sdelay $0x3  }
0x36: {  	p0 =	seq.s32 s24, $0x4  }
0x37: {  	s4 =	smul.u32 @!p0 $0x7D0, s24;
	_ =	sdelay $0x1  }
0x38: {  	s4 =	sadd.s32 @!p0 s4, s18  }
0x39: {  	s4 =	sshrl.u32 @!p0 s4, $0x3  }
0x3a: {  	s28 =	simm.s32 @!p0 $0x0;
	s5 =	simm.s32 @!p0 $0x8000;
	s26 =	sadd.s32 @!p0 s6, s4  }
0x3b: {  	[tilespmem:s5], [sflag:$0x2] =	stream.linear.gather @!p0 [hbm4b:s26+s28], $0x7D0, $0x38;
	[tilespmem:$0xB080] =	vst v63  }
0x3c: {  	s5 =	sadd.s32 @!p0 s7, s4;
	s26 =	simm.s32 @!p0 $0x8800  }
0x3d: {  	[tilespmem:s26], [sflag:$0x2] =	stream.linear.gather @!p0 [hbm4b:s5+s28], $0x7D0, $0x38;
	[tilespmem:$0xB080] =	vst v63  }
0x3e: {  	s5 =	sadd.s32 @!p0 s9, s4;
	s26 =	simm.s32 @!p0 $0x9000  }
0x3f: {  	[tilespmem:s26], [sflag:$0x2] =	stream.linear.gather @!p0 [hbm4b:s5+s28], $0x7D0, $0x38;
	[tilespmem:$0xB080] =	vst v63  }
0x40: {  	s5 =	sadd.s32 @!p0 s10, s4;
	s26 =	simm.s32 @!p0 $0x9800  }
0x41: {  	[tilespmem:s26], [sflag:$0x2] =	stream.linear.gather @!p0 [hbm4b:s5+s28], $0x7D0, $0x38;
	[tilespmem:$0xB080] =	vst v63  }
0x42: {  	s4 =	sadd.s32 @!p0 s11, s4;
	s5 =	simm.s32 @!p0 $0xA000  }
0x43: {  	[tilespmem:s5], [sflag:$0x2] =	stream.linear.gather @!p0 [hbm4b:s4+s28], $0x7D0, $0x38;
	[tilespmem:$0xB080] =	vst v63  }
0x44: {  	_ =	swait.ge [sflag:s3], $0x7D0  }
0x45: {  	[sflag:s3] =	ssyncset.done $0x0  }
0x46: {  	[sflag:s3] =	ssyncadd.s32 $0xFFFFF830  }
0x47: {  	_ =	swait.ge [sflag:s3], $0x7D0  }
0x48: {  	[sflag:s3] =	ssyncset.done $0x0  }
0x49: {  	[sflag:s3] =	ssyncadd.s32 $0xFFFFF830  }
0x4a: {  	_ =	swait.ge [sflag:s3], $0x7D0  }
0x4b: {  	[sflag:s3] =	ssyncset.done $0x0  }
0x4c: {  	[sflag:s3] =	ssyncadd.s32 $0xFFFFF830  }
0x4d: {  	_ =	swait.ge [sflag:s3], $0x7D0  }
0x4e: {  	[sflag:s3] =	ssyncset.done $0x0  }
0x4f: {  	[sflag:s3] =	ssyncadd.s32 $0xFFFFF830  }
0x50: {  	_ =	swait.ge [sflag:s3], $0x7D0  }
0x51: {  	p0 =	slt.u32 s24, $0x2;
	[sflag:s3] =	ssyncset.done $0x0  }
0x52: {  	s4 =	simm.s32 @!p0 $0x3;
	[sflag:s3] =	ssyncadd.s32 $0xFFFFF830  }
0x53: {  	_ =	swait.ge @!p0 [sflag:s4], $0x7D0  }
0x54: {  	[sflag:s4] =	ssyncset.done @!p0 $0x0  }
0x55: {  	s26 =	simm.s32 $0x0;
	[sflag:s4] =	ssyncadd.s32 @!p0 $0xFFFFF830  }
0x56: {  	v4 =	vld [tilespmem:s26+$0x5800]  }
0x57: {  	v5 =	vld [tilespmem:s26+$0x5000];
	_ =	sdelay $0x5  }
0x58: {  	v6 =	vld [tilespmem:s26+$0x6000]  }
0x59: {  	v4 =	vld.idx.msk [tilespmem:v4+s21+$0x0], $0xffff  }
0x5a: {  	v5 =	vld.idx.msk [tilespmem:v5+s2+$0x0], $0xffff;
	_ =	sdelay $0x1  }
0x5b: {  	v7 =	vld [tilespmem:s26+$0x6800];
	_ =	sdelay $0x1  }
0x5c: {  	v8 =	vld [tilespmem:s26+$0x7000]  }
0x5d: {  	v4 =	vadd.f32 v4, v5;
	v5 =	vmul.f32 v6, v0;
	_ =	sdelay $0x1  }
0x5e: {  	v4 =	vadd.f32 v5, v4;
	v5 =	vmul.f32 v7, v1;
	_ =	sdelay $0x1  }
0x5f: {  	v4 =	vadd.f32 v5, v4;
	v5 =	vmul.f32 v8, v2;
	_ =	sdelay $0x1  }
0x60: {  	v4 =	vadd.f32 v5, v4;
	_ =	sdelay $0x1  }
0x61: {  	v4 =	vadd.f32 v4, v3;
	_ =	sdelay $0x1  }
0x62: {  	v4 =	vsub.f32 $0.0e+00, v4;
	_ =	sdelay $0x1  }
0x63: {  	v4 =	vmul.f32 $1.442695020e+00, v4;
	_ =	sdelay $0x1  }
0x64: {  	(erf) = vpow2.f32 v4;
	_ =	sdelay $0x8  }
0x65: {  	v4 =	vpop (erf)  }
0x66: {  	v4 =	vadd.f32 $1.000000000e+00, v4;
	_ =	sdelay $0x1  }
0x67: {  	(erf) = vrcp.f32 v4;
	_ =	sdelay $0x1  }
0x68: {  	s4 =	simm.s32 $0x10  }
0x69: {  	s28 =	simm.s32 $0x80;
	v4 =	vld [tilespmem:s4+$0x5800]  }
.LBB2_4:
0x6a: {  	p0 =	sne.s32 s28, $0x1F00;
	v5 =	vld [tilespmem:s4+$0x5000];
	_ =	sdelay $0x4  }
0x6b: {  	v6 =	vpop (erf)  }
0x6c: {  	[tilespmem:s26+$0x7800] =	vst v6;
	s26 =	smov.u32 s4  }
0x6d: {  	v4 =	vld.idx.msk [tilespmem:v4+s21+$0x0], $0xffff  }
0x6e: {  	v5 =	vld.idx.msk [tilespmem:v5+s2+$0x0], $0xffff  }
0x6f: {  	v6 =	vld [tilespmem:s26+$0x6000];
	_ =	sdelay $0x1  }
0x70: {  	v7 =	vld [tilespmem:s26+$0x6800];
	_ =	sdelay $0x1  }
0x71: {  	v8 =	vld [tilespmem:s26+$0x7000]  }
0x72: {  	v4 =	vadd.f32 v4, v5;
	v5 =	vmul.f32 v6, v0;
	_ =	sdelay $0x1  }
0x73: {  	v4 =	vadd.f32 v5, v4;
	v5 =	vmul.f32 v7, v1;
	_ =	sdelay $0x1  }
0x74: {  	v4 =	vadd.f32 v5, v4;
	v5 =	vmul.f32 v8, v2;
	_ =	sdelay $0x1  }
0x75: {  	v4 =	vadd.f32 v5, v4;
	_ =	sdelay $0x1  }
0x76: {  	v4 =	vadd.f32 v4, v3;
	_ =	sdelay $0x1  }
0x77: {  	v4 =	vsub.f32 $0.0e+00, v4;
	_ =	sdelay $0x1  }
0x78: {  	v4 =	vmul.f32 $1.442695020e+00, v4;
	_ =	sdelay $0x1  }
0x79: {  	(erf) = vpow2.f32 v4;
	_ =	sdelay $0x8  }
0x7a: {  	v4 =	vpop (erf)  }
0x7b: {  	v4 =	vadd.f32 $1.000000000e+00, v4  }
.Ltmp5:
0x7c: {  	(pc) =	sbr.rel @p0 .LBB2_4-.Ltmp5, $3  }
0x7d: {  	(erf) = vrcp.f32 v4;
	_ =	sdelay $0x1  }
0x7e: {  	s4 =	sshra.s32 s28, $0x2  }
0x7f: {  	s28 =	sadd.s32 $0x40, s28;
	v4 =	vld [tilespmem:s4+$0x5800]  }
0x80: {  	_ =	sdelay $0x1  }
0x81: {  	v5 =	vld [tilespmem:s4+$0x5000];
	_ =	sdelay $0x3  }
0x82: {  	v6 =	vpop (erf)  }
0x83: {  	[tilespmem:s26+$0x7800] =	vst v6  }
0x84: {  	v4 =	vld.idx.msk [tilespmem:v4+s21+$0x0], $0xffff  }
0x85: {  	v6 =	vld [tilespmem:s4+$0x6000]  }
0x86: {  	v5 =	vld.idx.msk [tilespmem:v5+s2+$0x0], $0xffff;
	_ =	sdelay $0x1  }
0x87: {  	v7 =	vld [tilespmem:s4+$0x6800];
	_ =	sdelay $0x1  }
0x88: {  	v8 =	vld [tilespmem:s4+$0x7000]  }
0x89: {  	v4 =	vadd.f32 v4, v5;
	v5 =	vmul.f32 v6, v0;
	_ =	sdelay $0x1  }
0x8a: {  	v4 =	vadd.f32 v5, v4;
	v5 =	vmul.f32 v7, v1;
	_ =	sdelay $0x1  }
0x8b: {  	v4 =	vadd.f32 v5, v4;
	v5 =	vmul.f32 v8, v2;
	_ =	sdelay $0x1  }
0x8c: {  	v4 =	vadd.f32 v5, v4;
	_ =	sdelay $0x1  }
0x8d: {  	v4 =	vadd.f32 v4, v3;
	_ =	sdelay $0x1  }
0x8e: {  	v4 =	vsub.f32 $0.0e+00, v4;
	_ =	sdelay $0x1  }
0x8f: {  	v4 =	vmul.f32 $1.442695020e+00, v4;
	_ =	sdelay $0x1  }
0x90: {  	(erf) = vpow2.f32 v4;
	_ =	sdelay $0x8  }
0x91: {  	v4 =	vpop (erf)  }
0x92: {  	v4 =	vadd.f32 $1.000000000e+00, v4;
	_ =	sdelay $0x1  }
0x93: {  	(erf) = vrcp.f32 v4;
	_ =	sdelay $0x5  }
0x94: {  	s5 =	smul.u32 $0x7D0, s24;
	p0 =	seq.s32 s25, $0x0  }
.Ltmp6:
0x95: {  	_ = 	snop;
	(pc) =	sbr.rel @p0 .LBB2_9-.Ltmp6, $4  }
0x96: {  	s5 =	sadd.s32 s8, s5  }
0x97: {  	s5 =	sshrl.u32 s5, $0x3;
	v4 =	vpop (erf)  }
0x98: {  	s28 =	sadd.s32 s1, s5;
	[tilespmem:s4+$0x7800] =	vst v4  }
0x99: {  	[hbm4b:s28+s2] =	stream.linear.scatter [tilespmem:s22], [sflag:$0x3], $0x7D0, $0x38;
	[tilespmem:$0xB080] =	vst v63  }
.LBB2_6:
0x9a: {  	p0 =	seq.s32 s24, $0x4  }
0x9b: {  	s4 =	smul.u32 @!p0 $0x7D0, s24;
	_ =	sdelay $0x1  }
0x9c: {  	s4 =	sadd.s32 @!p0 s4, s18  }
0x9d: {  	s4 =	sshrl.u32 @!p0 s4, $0x3  }
0x9e: {  	s25 =	simm.s32 @!p0 $0x0;
	s26 =	simm.s32 @!p0 $0x5000;
	s5 =	sadd.s32 @!p0 s6, s4  }
0x9f: {  	[tilespmem:s26], [sflag:$0x1] =	stream.linear.gather @!p0 [hbm4b:s5+s25], $0x7D0, $0x38;
	[tilespmem:$0xB080] =	vst v63  }
0xa0: {  	s5 =	sadd.s32 @!p0 s7, s4;
	s26 =	simm.s32 @!p0 $0x5800  }
0xa1: {  	[tilespmem:s26], [sflag:$0x1] =	stream.linear.gather @!p0 [hbm4b:s5+s25], $0x7D0, $0x38;
	[tilespmem:$0xB080] =	vst v63  }
0xa2: {  	s5 =	sadd.s32 @!p0 s9, s4;
	s26 =	simm.s32 @!p0 $0x6000  }
0xa3: {  	[tilespmem:s26], [sflag:$0x1] =	stream.linear.gather @!p0 [hbm4b:s5+s25], $0x7D0, $0x38;
	[tilespmem:$0xB080] =	vst v63  }
0xa4: {  	s5 =	sadd.s32 @!p0 s10, s4;
	s26 =	simm.s32 @!p0 $0x6800  }
0xa5: {  	[tilespmem:s26], [sflag:$0x1] =	stream.linear.gather @!p0 [hbm4b:s5+s25], $0x7D0, $0x38;
	[tilespmem:$0xB080] =	vst v63  }
0xa6: {  	s4 =	sadd.s32 @!p0 s11, s4;
	s5 =	simm.s32 @!p0 $0x7000  }
0xa7: {  	[tilespmem:s5], [sflag:$0x1] =	stream.linear.gather @!p0 [hbm4b:s4+s25], $0x7D0, $0x38;
	[tilespmem:$0xB080] =	vst v63  }
0xa8: {  	_ =	swait.ge [sflag:s29], $0x7D0  }
0xa9: {  	[sflag:s29] =	ssyncset.done $0x0  }
0xaa: {  	[sflag:s29] =	ssyncadd.s32 $0xFFFFF830  }
0xab: {  	_ =	swait.ge [sflag:s29], $0x7D0  }
0xac: {  	[sflag:s29] =	ssyncset.done $0x0  }
0xad: {  	[sflag:s29] =	ssyncadd.s32 $0xFFFFF830  }
0xae: {  	_ =	swait.ge [sflag:s29], $0x7D0  }
0xaf: {  	[sflag:s29] =	ssyncset.done $0x0  }
0xb0: {  	[sflag:s29] =	ssyncadd.s32 $0xFFFFF830  }
0xb1: {  	_ =	swait.ge [sflag:s29], $0x7D0  }
0xb2: {  	[sflag:s29] =	ssyncset.done $0x0  }
0xb3: {  	[sflag:s29] =	ssyncadd.s32 $0xFFFFF830  }
0xb4: {  	_ =	swait.ge [sflag:s29], $0x7D0  }
0xb5: {  	p0 =	slt.u32 s24, $0x2;
	[sflag:s29] =	ssyncset.done $0x0  }
0xb6: {  	s4 =	simm.s32 @!p0 $0x4;
	[sflag:s29] =	ssyncadd.s32 $0xFFFFF830  }
0xb7: {  	_ =	swait.ge @!p0 [sflag:s4], $0x7D0  }
0xb8: {  	[sflag:s4] =	ssyncset.done @!p0 $0x0  }
0xb9: {  	s25 =	simm.s32 $0x0;
	[sflag:s4] =	ssyncadd.s32 @!p0 $0xFFFFF830  }
0xba: {  	v4 =	vld [tilespmem:s25+$0x8800]  }
0xbb: {  	v5 =	vld [tilespmem:s25+$0x8000];
	_ =	sdelay $0x5  }
0xbc: {  	v6 =	vld [tilespmem:s25+$0x9000]  }
0xbd: {  	v4 =	vld.idx.msk [tilespmem:v4+s21+$0x0], $0xffff  }
0xbe: {  	v5 =	vld.idx.msk [tilespmem:v5+s2+$0x0], $0xffff;
	_ =	sdelay $0x1  }
0xbf: {  	v7 =	vld [tilespmem:s25+$0x9800];
	_ =	sdelay $0x1  }
0xc0: {  	v8 =	vld [tilespmem:s25+$0xA000]  }
0xc1: {  	v4 =	vadd.f32 v4, v5;
	v5 =	vmul.f32 v6, v0;
	_ =	sdelay $0x1  }
0xc2: {  	v4 =	vadd.f32 v5, v4;
	v5 =	vmul.f32 v7, v1;
	_ =	sdelay $0x1  }
0xc3: {  	v4 =	vadd.f32 v5, v4;
	v5 =	vmul.f32 v8, v2;
	_ =	sdelay $0x1  }
0xc4: {  	v4 =	vadd.f32 v5, v4;
	_ =	sdelay $0x1  }
0xc5: {  	v4 =	vadd.f32 v4, v3;
	_ =	sdelay $0x1  }
0xc6: {  	v4 =	vsub.f32 $0.0e+00, v4;
	_ =	sdelay $0x1  }
0xc7: {  	v4 =	vmul.f32 $1.442695020e+00, v4;
	_ =	sdelay $0x1  }
0xc8: {  	(erf) = vpow2.f32 v4;
	_ =	sdelay $0x8  }
0xc9: {  	v4 =	vpop (erf)  }
0xca: {  	v4 =	vadd.f32 $1.000000000e+00, v4;
	_ =	sdelay $0x1  }
0xcb: {  	(erf) = vrcp.f32 v4;
	_ =	sdelay $0x1  }
0xcc: {  	s4 =	simm.s32 $0x10  }
0xcd: {  	s26 =	simm.s32 $0x80;
	v4 =	vld [tilespmem:s4+$0x8800]  }
.LBB2_7:
0xce: {  	p0 =	sne.s32 s26, $0x1F00;
	v5 =	vld [tilespmem:s4+$0x8000];
	_ =	sdelay $0x4  }
0xcf: {  	v6 =	vpop (erf)  }
0xd0: {  	[tilespmem:s25+$0xA800] =	vst v6;
	s25 =	smov.u32 s4  }
0xd1: {  	v4 =	vld.idx.msk [tilespmem:v4+s21+$0x0], $0xffff  }
0xd2: {  	v5 =	vld.idx.msk [tilespmem:v5+s2+$0x0], $0xffff  }
0xd3: {  	v6 =	vld [tilespmem:s25+$0x9000];
	_ =	sdelay $0x1  }
0xd4: {  	v7 =	vld [tilespmem:s25+$0x9800];
	_ =	sdelay $0x1  }
0xd5: {  	v8 =	vld [tilespmem:s25+$0xA000]  }
0xd6: {  	v4 =	vadd.f32 v4, v5;
	v5 =	vmul.f32 v6, v0;
	_ =	sdelay $0x1  }
0xd7: {  	v4 =	vadd.f32 v5, v4;
	v5 =	vmul.f32 v7, v1;
	_ =	sdelay $0x1  }
0xd8: {  	v4 =	vadd.f32 v5, v4;
	v5 =	vmul.f32 v8, v2;
	_ =	sdelay $0x1  }
0xd9: {  	v4 =	vadd.f32 v5, v4;
	_ =	sdelay $0x1  }
0xda: {  	v4 =	vadd.f32 v4, v3;
	_ =	sdelay $0x1  }
0xdb: {  	v4 =	vsub.f32 $0.0e+00, v4;
	_ =	sdelay $0x1  }
0xdc: {  	v4 =	vmul.f32 $1.442695020e+00, v4;
	_ =	sdelay $0x1  }
0xdd: {  	(erf) = vpow2.f32 v4;
	_ =	sdelay $0x8  }
0xde: {  	v4 =	vpop (erf)  }
0xdf: {  	v4 =	vadd.f32 $1.000000000e+00, v4  }
.Ltmp7:
0xe0: {  	(pc) =	sbr.rel @p0 .LBB2_7-.Ltmp7, $3  }
0xe1: {  	(erf) = vrcp.f32 v4;
	_ =	sdelay $0x1  }
0xe2: {  	s4 =	sshra.s32 s26, $0x2  }
0xe3: {  	s26 =	sadd.s32 $0x40, s26;
	v4 =	vld [tilespmem:s4+$0x8800]  }
0xe4: {  	_ =	sdelay $0x1  }
0xe5: {  	v5 =	vld [tilespmem:s4+$0x8000];
	_ =	sdelay $0x3  }
0xe6: {  	v6 =	vpop (erf)  }
0xe7: {  	[tilespmem:s25+$0xA800] =	vst v6  }
0xe8: {  	v4 =	vld.idx.msk [tilespmem:v4+s21+$0x0], $0xffff  }
0xe9: {  	v6 =	vld [tilespmem:s4+$0x9000]  }
0xea: {  	v5 =	vld.idx.msk [tilespmem:v5+s2+$0x0], $0xffff;
	_ =	sdelay $0x1  }
0xeb: {  	v7 =	vld [tilespmem:s4+$0x9800];
	_ =	sdelay $0x1  }
0xec: {  	v8 =	vld [tilespmem:s4+$0xA000]  }
0xed: {  	v4 =	vadd.f32 v4, v5;
	v5 =	vmul.f32 v6, v0;
	_ =	sdelay $0x1  }
0xee: {  	v4 =	vadd.f32 v5, v4;
	v5 =	vmul.f32 v7, v1;
	_ =	sdelay $0x1  }
0xef: {  	v4 =	vadd.f32 v5, v4;
	v5 =	vmul.f32 v8, v2;
	_ =	sdelay $0x1  }
0xf0: {  	v4 =	vadd.f32 v5, v4;
	_ =	sdelay $0x1  }
0xf1: {  	v4 =	vadd.f32 v4, v3;
	_ =	sdelay $0x1  }
0xf2: {  	v4 =	vsub.f32 $0.0e+00, v4;
	_ =	sdelay $0x1  }
0xf3: {  	v4 =	vmul.f32 $1.442695020e+00, v4;
	_ =	sdelay $0x1  }
0xf4: {  	(erf) = vpow2.f32 v4;
	_ =	sdelay $0x8  }
0xf5: {  	v4 =	vpop (erf)  }
0xf6: {  	v4 =	vadd.f32 $1.000000000e+00, v4;
	_ =	sdelay $0x1  }
0xf7: {  	(erf) = vrcp.f32 v4;
	_ =	sdelay $0x5  }
0xf8: {  	s5 =	smul.u32 $0x7D0, s24  }
.Ltmp8:
0xf9: {  	_ = 	snop;
	(pc) =	sbr.rel .LBB2_9-.Ltmp8, $4  }
0xfa: {  	s5 =	sadd.s32 s8, s5  }
0xfb: {  	s5 =	sshrl.u32 s5, $0x3;
	v4 =	vpop (erf)  }
0xfc: {  	s28 =	sadd.s32 s1, s5;
	[tilespmem:s4+$0xA800] =	vst v4  }
0xfd: {  	[hbm4b:s28+s2] =	stream.linear.scatter [tilespmem:s30], [sflag:$0x4], $0x7D0, $0x38;
	[tilespmem:$0xB080] =	vst v63  }
.LBB2_11:
0xfe: {  	_ =	sfence.sel $0x180000  }
0xff: {  	[bflag:$0x0] =	sbarrier.arrive $0xFFFF  }
0x100: {  	_ =	strace $0x90000050  }
0x101: {  	s0 =	stileid.u32;
	[bflag:$0x2] =	sbarrier.arrive $0xFFFF  }
0x102: {  	p0 =	sne.s32 s0, $0x0;
	s0 =	rddreg [dreg:$0x2]  }
0x103: {  	s0 =	sadd.s32 @!p0 $0x100000, s0  }
0x104: {  	[sflag:s0] =	ssyncadd.tile.s32 @!p0 $0x1;
	_ =	shalt  }
.Lfunc_end2:
_tile_overlayer_lowered:
.L_overlay_start_2:
0x105: {  	(tag) =	ssettag $0x2  }
0x106: {  	s0 =	rddreg [dreg:$0x0];
	s2 =	stileid.u32  }
0x107: {  	s1 =	rddreg [dreg:$0x1];
	p0 =	sne.s32 s2, $0x0  }
0x108: {  	s3 =	rddreg [dreg:$0x2];
	[bflag:$0x3] =	sbarrier.arrive $0xFFFF;
	s2 =	simm.s32 @!p0 $0x1C05  }
0x109: {  	[timem:s3], [sflag:s2] =	dma.local @!p0 [hbm:s0], s1  }
0x10a: {  	s0 =	simm.s32 @!p0 $0x5  }
0x10b: {  	_ =	swait.ge @!p0 [sflag:s0], s1  }
0x10c: {  	s1 =	ssub.s32 @!p0 $0x0, s1;
	[sflag:s0] =	ssyncset.done @!p0 $0x0  }
0x10d: {  	[sflag:s0] =	ssyncadd.s32 @!p0 s1  }
0x10e: {  	[bflag:$0x3] =	sbarrier.arrive $0xFFFF  }
0x10f: {  	_ =	shalt  }

// kernel: kernel.9.cloned.1.call-start
scs
__scs_entry_jumppad:
0x0: {  	(pc) =	sbr.rel $0x88, $3  }
0x1: {  	(tag) =	ssettag $0x0;
	lr =	simm.s32 $0x1  }
0x2: {  	[smem:$0x3F98] =	sst lr;
	_ =	strace $0xD0000000  }
0x3: {  	_ = 	snop  }
0x4: {  	_ = 	snop  }
0x5: {  	_ = 	snop  }
0x6: {  	_ = 	snop  }
0x7: {  	_ = 	snop  }
__scs_overlays_trampoline_lowered:
0x8: {  	[smem:$0x3FA7] =	sst s0  }
0x9: {  	[smem:$0x3FA8] =	sst s1  }
0xa: {  	[smem:$0x3FA9] =	sst s2  }
0xb: {  	[smem:$0x3FAA] =	sst s3  }
0xc: {  	[smem:$0x3FAB] =	sst s4  }
0xd: {  	[smem:$0x3FAC] =	sst s5  }
0xe: {  	[smem:$0x3FAD] =	sst s6  }
0xf: {  	[smem:$0x3FAE] =	sst s7  }
0x10: {  	[smem:$0x3FAF] =	sst s8  }
0x11: {  	[smem:$0x3FB0] =	sst s9;
	s0 =	simm.s32 @!p0 $0x0  }
0x12: {  	s1 =	sld [smem:$0x3F96];
	s0 =	simm.s32 @p0 $0x1  }
0x13: {  	[smem:$0x3FB1] =	sst s0;
	s0 =	simm.s32 @!p1 $0x0  }
0x14: {  	s2 =	sld [smem:$0x3F95];
	s0 =	simm.s32 @p1 $0x1  }
0x15: {  	[smem:$0x3FB2] =	sst s0;
	s0 =	simm.s32 @!p2 $0x0  }
0x16: {  	s3 =	sld [smem:$0x3FDB];
	s0 =	simm.s32 @p2 $0x1  }
0x17: {  	s4 =	simm.s32 $0x1BF5;
	[smem:$0x3FB4] =	sst s0  }
0x18: {  	s0 =	sld [smem:$0x3F97];
	_ =	swait.ge [sflag:s4], $0x0  }
0x19: {  	s7 =	sld [smem:$0x3F98]  }
0x1a: {  	s8 =	sadd.s32 $0xFFFFE003, lr  }
0x1b: {  	s9 =	sadd.s32 $0xFFFFFEF7, lr;
	s5 =	simm.s32 $0xFFFFFFFF;
	p2 =	slt.u32 s8, $0xFFFFF086  }
0x1c: {  	p1 =	slt.u32 s9, $0xF7A;
	s5 =	simm.s32 @!p2 $0x0  }
0x1d: {  	s5 =	simm.s32 @p1 $0x1;
	p0 =	seq.s32 s7, s2  }
0x1e: {  	s7 =	smul.u32 @!p0 $0xF7A, s2;
	p2 =	seq.s32 @!p0 s5, $0x0  }
0x1f: {  	s9 =	smul.u32 $0xF7A, s1;
	s8 =	simm.s32 @!p0 $0x1BF5;
	p2 =	por !p2, p0  }
0x20: {  	[sflag:s8] =	ssyncset.s32 @!p0 $0xFFFFF086;
	s6 =	sadd.s32 @!p0 s3, s7;
	s7 =	simm.s32 @!p0 $0x108  }
0x21: {  	s3 =	sadd.s32 s3, s9;
	s6 =	sadd.s32 @!p0 $0x88, s6;
	s7 =	simm.s32 @p2 $0x1082  }
0x22: {  	[simem:s7], [sflag:s8] =	dma.local @!p0 [hbm:s6], $0xF7A  }
0x23: {  	s9 =	sor.u32 $0xD0000000, s2;
	s6 =	simm.s32 $0x108;
	_ =	swait.ge @!p0 [sflag:s8], $0x0  }
0x24: {  	s3 =	sadd.s32 $0x88, s3;
	s6 =	simm.s32 @!p1 $0x1082;
	[sflag:s4] =	ssyncset.s32 $0xFFFFF086  }
0x25: {  	[simem:s6], [sflag:s4] =	dma.local [hbm:s3], $0xF7A  }
0x26: {  	[smem:$0x3F98] =	sst s1;
	(tag) =	ssettag s2;
	_ =	strace s9  }
0x27: {  	s1 =	sld [smem:$0x3FA8]  }
0x28: {  	s2 =	sld [smem:$0x3FA9]  }
0x29: {  	s4 =	sld [smem:$0x3FAB]  }
0x2a: {  	p0 =	seq.s32 s5, $0x0;
	s5 =	sld [smem:$0x3FAC]  }
0x2b: {  	s6 =	sld [smem:$0x3FAD]  }
0x2c: {  	s7 =	sld [smem:$0x3FAE]  }
0x2d: {  	s3 =	simm.s32 $0x108;
	s8 =	sld [smem:$0x3FAF]  }
0x2e: {  	s3 =	simm.s32 @!p0 $0x1082;
	s9 =	sld [smem:$0x3FB0]  }
0x2f: {  	lr =	sadd.s32 s0, s3;
	s0 =	sld [smem:$0x3FA7]  }
0x30: {  	s3 =	sld [smem:$0x3FAA]  }
0x31: {  	[smem:$0x3FB3] =	sst s10  }
0x32: {  	s10 =	sld [smem:$0x3FB1];
	_ =	sdelay $0x3  }
0x33: {  	p0 =	seq.s32 s10, $0x1;
	s10 =	sld [smem:$0x3FB3];
	_ =	sdelay $0x3  }
0x34: {  	[smem:$0x3FB3] =	sst s10  }
0x35: {  	s10 =	sld [smem:$0x3FB2];
	_ =	sdelay $0x3  }
0x36: {  	p1 =	seq.s32 s10, $0x1;
	s10 =	sld [smem:$0x3FB3];
	_ =	sdelay $0x3  }
0x37: {  	[smem:$0x3FB3] =	sst s10  }
0x38: {  	s10 =	sld [smem:$0x3FB4]  }
0x39: {  	_ = 	snop;
	(pc) =	sbr.ind lr, $3  }
0x3a: {  	_ = 	snop  }
0x3b: {  	_ = 	snop  }
0x3c: {  	p2 =	seq.s32 s10, $0x1;
	s10 =	sld [smem:$0x3FB3]  }
0x3d: {  	_ =	shalt  }
0x3e: {  	_ =	shalt  }
0x3f: {  	_ =	shalt  }
0x40: {  	_ =	shalt  }
0x41: {  	_ =	shalt  }
0x42: {  	_ =	shalt  }
0x43: {  	_ =	shalt  }
0x44: {  	_ =	shalt  }
0x45: {  	_ =	shalt  }
0x46: {  	_ =	shalt  }
0x47: {  	_ =	shalt  }
0x48: {  	_ =	shalt  }
0x49: {  	_ =	shalt  }
0x4a: {  	_ =	shalt  }
0x4b: {  	_ =	shalt  }
0x4c: {  	_ =	shalt  }
0x4d: {  	_ =	shalt  }
0x4e: {  	_ =	shalt  }
0x4f: {  	_ =	shalt  }
0x50: {  	_ =	shalt  }
0x51: {  	_ =	shalt  }
0x52: {  	_ =	shalt  }
0x53: {  	_ =	shalt  }
0x54: {  	_ =	shalt  }
0x55: {  	_ =	shalt  }
0x56: {  	_ =	shalt  }
0x57: {  	_ =	shalt  }
0x58: {  	_ =	shalt  }
0x59: {  	_ =	shalt  }
0x5a: {  	_ =	shalt  }
0x5b: {  	_ =	shalt  }
0x5c: {  	_ =	shalt  }
0x5d: {  	_ =	shalt  }
0x5e: {  	_ =	shalt  }
0x5f: {  	_ =	shalt  }
0x60: {  	_ =	shalt  }
0x61: {  	_ =	shalt  }
0x62: {  	_ =	shalt  }
0x63: {  	_ =	shalt  }
0x64: {  	_ =	shalt  }
0x65: {  	_ =	shalt  }
0x66: {  	_ =	shalt  }
0x67: {  	_ =	shalt  }
0x68: {  	_ =	shalt  }
0x69: {  	_ =	shalt  }
0x6a: {  	_ =	shalt  }
0x6b: {  	_ =	shalt  }
0x6c: {  	_ =	shalt  }
0x6d: {  	_ =	shalt  }
0x6e: {  	_ =	shalt  }
0x6f: {  	_ =	shalt  }
0x70: {  	_ =	shalt  }
0x71: {  	_ =	shalt  }
0x72: {  	_ =	shalt  }
0x73: {  	_ =	shalt  }
0x74: {  	_ =	shalt  }
0x75: {  	_ =	shalt  }
0x76: {  	_ =	shalt  }
0x77: {  	_ =	shalt  }
0x78: {  	_ =	shalt  }
0x79: {  	_ =	shalt  }
0x7a: {  	_ =	shalt  }
0x7b: {  	_ =	shalt  }
0x7c: {  	_ =	shalt  }
0x7d: {  	_ =	shalt  }
0x7e: {  	_ =	shalt  }
0x7f: {  	_ =	shalt  }
0x80: {  	_ =	shalt  }
0x81: {  	_ =	shalt  }
0x82: {  	_ =	shalt  }
0x83: {  	_ =	shalt  }
0x84: {  	_ =	shalt  }
0x85: {  	_ =	shalt  }
0x86: {  	_ =	shalt  }
0x87: {  	_ =	shalt  }
.Lfunc_end0:
.L_simem_size_0:
called_computation_lowered:
.L_overlay_start_0:
0x88: {  	s2 =	sld [smem:$0x3FD9]  }
0x89: {  	s3 =	sld [smem:$0x3FFE];
	_ =	sdelay $0x1  }
0x8a: {  	s1 =	srdreg.scid  }
0x8b: {  	s0 =	sand.u32 $0x1, s1  }
0x8c: {  	s17 =	sshll.u32 s0, $0xA;
	s2 =	sadd.s32 s3, s2  }
0x8d: {  	s2 =	sadd.s32 s2, s17  }
0x8e: {  	[smem:$0x3FBF] =	sst s2  }
0x8f: {  	_ = 	snop  }
0x90: {  	s2 =	sld [smem:$0x3FD0];
	(tm) =	ssettm $0x1  }
0x91: {  	s18 =	sld [smem:$0x3FFB];
	_ =	sdelay $0x3  }
0x92: {  	_ =	strace s18  }
0x93: {  	s3 =	sld [smem:$0x3FFC];
	_ =	sdelay $0x3  }
0x94: {  	_ =	strace s3  }
0x95: {  	s3 =	sld [smem:$0x3FFD];
	_ =	sdelay $0x3  }
0x96: {  	_ =	strace s3  }
0x97: {  	_ =	strace $0x8FFFFFFF  }
0x98: {  	s19 =	sld [smem:$0x3FDB];
	_ =	sdelay $0x1  }
0x99: {  	s4 =	simm.s32 $_scs_section_size  }
0x9a: {  	s5 =	simm.s32 $_size__tile_overlayer_lowered;
	s6 =	simm.s32 $_tile_overlayer_lowered  }
0x9b: {  	s22 =	simm.s32 $0x1BFF;
	s21 =	sshll.u32 s6, $0x1;
	s3 =	sadd.s32 s4, s19  }
0x9c: {  	s7 =	simm.s32 $0x0;
	s20 =	sshll.u32 s5, $0x1;
	s5 =	sadd.s32 s21, s3  }
0x9d: {  	[timem:s7], [sflag:s22] =	dma.local [hbm:s5], s20  }
0x9e: {  	_ =	swait.ge [sflag:s22], s20  }
0x9f: {  	s4 =	ssub.s32 $0x0, s20;
	[sflag:s22] =	ssyncset.done $0x0  }
0xa0: {  	[sflag:s22] =	ssyncadd.s32 s4;
	_ =	sdelay $0x1  }
0xa1: {  	s23 =	simm.s32 $0x1B8B  }
0xa2: {  	_ =	swait.ge [sflag:s23], $0x1  }
0xa3: {  	[sflag:s23] =	ssyncset.done $0x0  }
0xa4: {  	s25 =	simm.s32 $0x1B8E;
	s24 =	sld [smem:$0x3FFE];
	[sflag:s23] =	ssyncadd.s32 $0xFFFFFFFF  }
0xa5: {  	s26 =	simm.s32 $execute0_lowered;
	[smem:$0x3FD2] =	sst s25  }
0xa6: {  	s5 =	sshll.u32 s26, $0x1;
	_ =	strace $0x80000046;
	[dreg:$0x1] =	wrdreg $0xFFFFFFFF  }
0xa7: {  	s28 =	simm.s32 $_size_execute0_lowered;
	s3 =	sadd.s32 s3, s5;
	[dreg:$0x0] =	wrdreg $0x0  }
0xa8: {  	s5 =	sshll.u32 s28, $0x1;
	[dreg:$0x2] =	wrdreg s3  }
0xa9: {  	[dreg:$0x3] =	wrdreg s5  }
0xaa: {  	[dreg:$0x4] =	wrdreg $0xC0  }
0xab: {  	_ =	task [dreg:s7], $0x5FFFF  }
0xac: {  	[dreg:$0x1] =	wrdreg $0xFFFFFFFF  }
0xad: {  	[dreg:$0x0] =	wrdreg $0x60  }
0xae: {  	[dreg:$0x2] =	wrdreg s24  }
0xaf: {  	[dreg:$0x3] =	wrdreg s2  }
0xb0: {  	[dreg:$0x4] =	wrdreg $0x0  }
0xb1: {  	[dreg:$0x5] =	wrdreg $0x9  }
0xb2: {  	_ =	task.clear_ibuf [dreg:s7], $0x6FFFF;
	_ =	strace $0x90000046  }
0xb3: {  	s29 =	simm.s32 $0x9;
	_ =	strace $0x80000048  }
0xb4: {  	_ =	swait.ge [sflag:s29], $0x1  }
0xb5: {  	[sflag:s29] =	ssyncadd.s32 $0xFFFFFFFF  }
0xb6: {  	_ =	strace $0x90000048  }
0xb7: {  	_ =	sfence  }
0xb8: {  	s30 =	sld [smem:$0x0];
	_ =	sdelay $0x2  }
0xb9: {  	s31 =	sshll.u32 s1, $0xD;
	s1 =	sshrl.u32 s1, $0x2  }
0xba: {  	s3 =	sand.u32 $0x4000, s31;
	s1 =	sadd.s32 s1, s30  }
0xbb: {  	s0 =	sor.u32 s3, s0;
	s1 =	sshll.u32 s1, $0x11  }
0xbc: {  	s0 =	sor.u32 s1, s0  }
0xbd: {  	s0 =	sadd.s32 $0x8F2B, s0  }
0xbe: {  	[sflag:s0] =	ssyncadd.remote.s32 $0x1  }
0xbf: {  	_ =	sfence.sel $0xFFFF  }
0xc0: {  	[dreg:$0x0] =	wrdreg $0xFFFFFFFF;
	(pc) =	sbr.abs _section_cstart, $3  }
0xc1: {  	[dreg:$0x1] =	wrdreg $0xFFFFFFFF  }
0xc2: {  	_ =	task.clear_ibuf [dreg:s7], $0x2FFFF;
	_ =	strace $0x9FFFFFFF  }
0xc3: {  	(tm) =	ssettm $0x7FFFFFFF  }
tec
execute0_lowered:
.L_overlay_start_1:
0x0: {  	(tag) =	ssettag $0x1  }
0x1: {  	s5 =	rddreg [dreg:$0x0]  }
0x2: {  	s8 =	rddreg [dreg:$0x1]  }
0x3: {  	s2 =	rddreg [dreg:$0x2]  }
0x4: {  	s0 =	rddreg [dreg:$0x3];
	s3 =	simm.s32 $0x0  }
0x5: {  	s1 =	stileid.u32;
	s4 =	srdreg.scid;
	s16 =	simm.s32 $0x0  }
0x6: {  	[smem:$0x7FF] =	sst s3;
	s6 =	smul.u32 $0x280, s1;
	s7 =	sand.u32 $0x1, s4  }
0x7: {  	s9 =	sadd.s32 $0xBA00, s5;
	s10 =	sadd.s32 $0x1C00, s5;
	s4 =	sadd.s32 $0x15E00, s5  }
0x8: {  	s15 =	sadd.s32 $0x16000, s5;
	s30 =	sshll.u32 s1, $0x6;
	s31 =	smul.u32 $0x9C4, s1  }
0x9: {  	_ =	strace $0x80000047;
	s11 =	ssub.s32 $0x2, s7;
	p0 =	seq.s32 s7, $0x0  }
0xa: {  	s12 =	sshrl.u32 s6, $0x3;
	s13 =	sshrl.u32 s11, $0x1;
	s29 =	sadd.s32 s6, s2  }
0xb: {  	s6 =	sor.u32 $0x1C02, s30;
	s10 =	smov.u32 @p0 s9;
	s15 =	smov.u32 @p0 s8  }
0xc: {  	s14 =	sadd.s32 s12, s5;
	s11 =	ssub.s32 s11, s13;
	s8 =	sadd.s32 s10, s31  }
0xd: {  	s9 =	sadd.s32 s15, s12;
	s10 =	sshrl.u32 s29, $0x3;
	s12 =	simm.s32 $0x5100  }
0xe: {  	s13 =	simm.s32 $0x280;
	s15 =	simm.s32 $0x1;
	s5 =	sadd.s32 $0x15800, s14  }
0xf: {  	s7 =	smax.u32 s11, $0x1;
	s11 =	simm.s32 $0x2;
	s14 =	simm.s32 $0x50  }
.LBB2_1:
0x10: {  	[spmem:s10], [sflag:s6] =	dma.local [hbm:s5], $0x50  }
0x11: {  	_ =	swait.ge [sflag:s11], $0x50  }
0x12: {  	[sflag:s11] =	ssyncset.done $0x0  }
0x13: {  	[sflag:s11] =	ssyncadd.s32 $0xFFFFFFB0  }
0x14: {  	[tilespmem:s12], [sflag:$0x2] =	stream.linear.gather [hbm4b:s4+s3], $0x80, $0x38;
	[tilespmem:$0x5180] =	vst v63  }
0x15: {  	_ =	swait.ge [sflag:s11], $0x80  }
0x16: {  	[sflag:s11] =	ssyncset.done $0x0  }
0x17: {  	[sflag:s11] =	ssyncadd.s32 $0xFFFFFF80  }
0x18: {  	[tilespmem:s13], [sflag:$0x2] =	stream.linear.gather [hbm4b:s8+s3], $0x4E20, $0x38;
	[tilespmem:$0x5180] =	vst v63  }
0x19: {  	_ =	swait.ge [sflag:s11], $0x4E20  }
0x1a: {  	[sflag:s11] =	ssyncset.done $0x0  }
0x1b: {  	[sflag:s11] =	ssyncadd.s32 $0xFFFFB1E0  }
0x1c: {  	s17 =	simm.s32 $0x280;
	[bflag:$0x0] =	sbarrier.arrive $0xFFFF  }
0x1d: {  	[spmem:s2] =	stream.indirect.scatter.add.f32 [tilespmem:s12], [sflag:$0x1], $0x1, s17, s14, $0xb8;
	[tilespmem:$0x5180] =	vst v63  }
0x1e: {  	s22 =	simm.s32 $0x2D0  }
0x1f: {  	[spmem:s2] =	stream.indirect.scatter.add.f32 [tilespmem:s12], [sflag:$0x1], $0x1, s22, s14, $0xb8;
	[tilespmem:$0x5180] =	vst v63  }
0x20: {  	s23 =	simm.s32 $0x320  }
0x21: {  	[spmem:s2] =	stream.indirect.scatter.add.f32 [tilespmem:s12], [sflag:$0x1], $0x1, s23, s14, $0xb8;
	[tilespmem:$0x5180] =	vst v63  }
0x22: {  	s24 =	simm.s32 $0x370  }
0x23: {  	[spmem:s2] =	stream.indirect.scatter.add.f32 [tilespmem:s12], [sflag:$0x1], $0x1, s24, s14, $0xb8;
	[tilespmem:$0x5180] =	vst v63  }
0x24: {  	s25 =	simm.s32 $0x3C0  }
0x25: {  	[spmem:s2] =	stream.indirect.scatter.add.f32 [tilespmem:s12], [sflag:$0x1], $0x1, s25, s14, $0xb8;
	[tilespmem:$0x5180] =	vst v63  }
0x26: {  	s26 =	simm.s32 $0x410  }
0x27: {  	[spmem:s2] =	stream.indirect.scatter.add.f32 [tilespmem:s12], [sflag:$0x1], $0x1, s26, s14, $0xb8;
	[tilespmem:$0x5180] =	vst v63  }
0x28: {  	s28 =	simm.s32 $0x460  }
0x29: {  	[spmem:s2] =	stream.indirect.scatter.add.f32 [tilespmem:s12], [sflag:$0x1], $0x1, s28, s14, $0xb8;
	[tilespmem:$0x5180] =	vst v63  }
0x2a: {  	s29 =	simm.s32 $0x4B0  }
0x2b: {  	[spmem:s2] =	stream.indirect.scatter.add.f32 [tilespmem:s12], [sflag:$0x1], $0x1, s29, s14, $0xb8;
	[tilespmem:$0x5180] =	vst v63  }
0x2c: {  	s30 =	simm.s32 $0x500  }
0x2d: {  	[spmem:s2] =	stream.indirect.scatter.add.f32 [tilespmem:s12], [sflag:$0x1], $0x1, s30, s14, $0xb8;
	[tilespmem:$0x5180] =	vst v63  }
0x2e: {  	s31 =	simm.s32 $0x550  }
0x2f: {  	[spmem:s2] =	stream.indirect.scatter.add.f32 [tilespmem:s12], [sflag:$0x1], $0x1, s31, s14, $0xb8;
	[tilespmem:$0x5180] =	vst v63  }
0x30: {  	_ =	swait.ge [sflag:s15], $0x50  }
0x31: {  	[sflag:s15] =	ssyncset.done $0x0  }
0x32: {  	[sflag:s15] =	ssyncadd.s32 $0xFFFFFFB0  }
0x33: {  	_ =	swait.ge [sflag:s15], $0x50  }
0x34: {  	[sflag:s15] =	ssyncset.done $0x0  }
0x35: {  	[sflag:s15] =	ssyncadd.s32 $0xFFFFFFB0  }
0x36: {  	_ =	swait.ge [sflag:s15], $0x50  }
0x37: {  	[sflag:s15] =	ssyncset.done $0x0  }
0x38: {  	[sflag:s15] =	ssyncadd.s32 $0xFFFFFFB0  }
0x39: {  	_ =	swait.ge [sflag:s15], $0x50  }
0x3a: {  	[sflag:s15] =	ssyncset.done $0x0  }
0x3b: {  	[sflag:s15] =	ssyncadd.s32 $0xFFFFFFB0  }
0x3c: {  	_ =	swait.ge [sflag:s15], $0x50  }
0x3d: {  	[sflag:s15] =	ssyncset.done $0x0  }
0x3e: {  	[sflag:s15] =	ssyncadd.s32 $0xFFFFFFB0  }
0x3f: {  	_ =	swait.ge [sflag:s15], $0x50  }
0x40: {  	[sflag:s15] =	ssyncset.done $0x0  }
0x41: {  	[sflag:s15] =	ssyncadd.s32 $0xFFFFFFB0  }
0x42: {  	_ =	swait.ge [sflag:s15], $0x50  }
0x43: {  	[sflag:s15] =	ssyncset.done $0x0  }
0x44: {  	[sflag:s15] =	ssyncadd.s32 $0xFFFFFFB0  }
0x45: {  	_ =	swait.ge [sflag:s15], $0x50  }
0x46: {  	[sflag:s15] =	ssyncset.done $0x0  }
0x47: {  	[sflag:s15] =	ssyncadd.s32 $0xFFFFFFB0  }
0x48: {  	_ =	swait.ge [sflag:s15], $0x50  }
0x49: {  	[sflag:s15] =	ssyncset.done $0x0  }
0x4a: {  	[sflag:s15] =	ssyncadd.s32 $0xFFFFFFB0  }
0x4b: {  	_ =	swait.ge [sflag:s15], $0x50  }
0x4c: {  	s20 =	simm.s32 $0x1900;
	s19 =	simm.s32 $0x320;
	[sflag:s15] =	ssyncset.done $0x0  }
.LBB2_2:
0x4d: {  	s21 =	sadd.s32 $0x280, s19  }
0x4e: {  	[sflag:s15] =	ssyncadd.s32 $0xFFFFFFB0;
	s18 =	smov.u32 s20;
	s17 =	sadd.s32 $0xC80, s20  }
0x4f: {  	[spmem:s2] =	stream.indirect.scatter.add.f32 [tilespmem:s12], [sflag:$0x1], $0x1, s21, s14, $0xb8;
	[tilespmem:$0x5180] =	vst v63  }
0x50: {  	p0 =	sne.s32 s20, $0x12C00;
	s20 =	sadd.s32 $0x2D0, s19  }
0x51: {  	[spmem:s2] =	stream.indirect.scatter.add.f32 [tilespmem:s12], [sflag:$0x1], $0x1, s20, s14, $0xb8;
	[tilespmem:$0x5180] =	vst v63  }
0x52: {  	s20 =	sadd.s32 $0x320, s19  }
0x53: {  	[spmem:s2] =	stream.indirect.scatter.add.f32 [tilespmem:s12], [sflag:$0x1], $0x1, s20, s14, $0xb8;
	[tilespmem:$0x5180] =	vst v63  }
0x54: {  	s20 =	sadd.s32 $0x370, s19  }
0x55: {  	[spmem:s2] =	stream.indirect.scatter.add.f32 [tilespmem:s12], [sflag:$0x1], $0x1, s20, s14, $0xb8;
	[tilespmem:$0x5180] =	vst v63  }
0x56: {  	s20 =	sadd.s32 $0x3C0, s19  }
0x57: {  	[spmem:s2] =	stream.indirect.scatter.add.f32 [tilespmem:s12], [sflag:$0x1], $0x1, s20, s14, $0xb8;
	[tilespmem:$0x5180] =	vst v63  }
0x58: {  	s20 =	sadd.s32 $0x410, s19  }
0x59: {  	[spmem:s2] =	stream.indirect.scatter.add.f32 [tilespmem:s12], [sflag:$0x1], $0x1, s20, s14, $0xb8;
	[tilespmem:$0x5180] =	vst v63  }
0x5a: {  	s20 =	sadd.s32 $0x460, s19  }
0x5b: {  	[spmem:s2] =	stream.indirect.scatter.add.f32 [tilespmem:s12], [sflag:$0x1], $0x1, s20, s14, $0xb8;
	[tilespmem:$0x5180] =	vst v63  }
0x5c: {  	s20 =	sadd.s32 $0x4B0, s19  }
0x5d: {  	[spmem:s2] =	stream.indirect.scatter.add.f32 [tilespmem:s12], [sflag:$0x1], $0x1, s20, s14, $0xb8;
	[tilespmem:$0x5180] =	vst v63  }
0x5e: {  	s20 =	sadd.s32 $0x500, s19  }
0x5f: {  	[spmem:s2] =	stream.indirect.scatter.add.f32 [tilespmem:s12], [sflag:$0x1], $0x1, s20, s14, $0xb8;
	[tilespmem:$0x5180] =	vst v63  }
0x60: {  	s19 =	sadd.s32 $0x550, s19  }
0x61: {  	[spmem:s2] =	stream.indirect.scatter.add.f32 [tilespmem:s12], [sflag:$0x1], $0x1, s19, s14, $0xb8;
	[tilespmem:$0x5180] =	vst v63  }
0x62: {  	_ =	swait.ge [sflag:s15], $0x50  }
0x63: {  	[sflag:s15] =	ssyncset.done $0x0  }
0x64: {  	[sflag:s15] =	ssyncadd.s32 $0xFFFFFFB0  }
0x65: {  	_ =	swait.ge [sflag:s15], $0x50  }
0x66: {  	[sflag:s15] =	ssyncset.done $0x0  }
0x67: {  	[sflag:s15] =	ssyncadd.s32 $0xFFFFFFB0  }
0x68: {  	_ =	swait.ge [sflag:s15], $0x50  }
0x69: {  	[sflag:s15] =	ssyncset.done $0x0  }
0x6a: {  	[sflag:s15] =	ssyncadd.s32 $0xFFFFFFB0  }
0x6b: {  	_ =	swait.ge [sflag:s15], $0x50  }
0x6c: {  	[sflag:s15] =	ssyncset.done $0x0  }
0x6d: {  	[sflag:s15] =	ssyncadd.s32 $0xFFFFFFB0  }
0x6e: {  	_ =	swait.ge [sflag:s15], $0x50  }
0x6f: {  	[sflag:s15] =	ssyncset.done $0x0  }
0x70: {  	[sflag:s15] =	ssyncadd.s32 $0xFFFFFFB0  }
0x71: {  	_ =	swait.ge [sflag:s15], $0x50  }
0x72: {  	[sflag:s15] =	ssyncset.done $0x0  }
0x73: {  	[sflag:s15] =	ssyncadd.s32 $0xFFFFFFB0  }
0x74: {  	_ =	swait.ge [sflag:s15], $0x50  }
0x75: {  	[sflag:s15] =	ssyncset.done $0x0  }
0x76: {  	[sflag:s15] =	ssyncadd.s32 $0xFFFFFFB0  }
0x77: {  	_ =	swait.ge [sflag:s15], $0x50  }
0x78: {  	[sflag:s15] =	ssyncset.done $0x0  }
0x79: {  	[sflag:s15] =	ssyncadd.s32 $0xFFFFFFB0  }
.Ltmp0:
0x7a: {  	_ =	swait.ge [sflag:s15], $0x50;
	(pc) =	sbr.rel @p0 .LBB2_2-.Ltmp0, $4  }
0x7b: {  	[sflag:s15] =	ssyncset.done $0x0  }
0x7c: {  	[sflag:s15] =	ssyncadd.s32 $0xFFFFFFB0  }
0x7d: {  	_ =	swait.ge [sflag:s15], $0x50  }
0x7e: {  	s20 =	smov.u32 s17;
	s19 =	sshra.s32 s18, $0x2;
	[sflag:s15] =	ssyncset.done $0x0  }
0x7f: {  	s17 =	sadd.s32 $0x280, s19;
	[sflag:s15] =	ssyncadd.s32 $0xFFFFFFB0  }
0x80: {  	[spmem:s2] =	stream.indirect.scatter.add.f32 [tilespmem:s12], [sflag:$0x1], $0x1, s17, s14, $0xb8;
	[tilespmem:$0x5180] =	vst v63  }
0x81: {  	s22 =	sadd.s32 $0x2D0, s19  }
0x82: {  	[spmem:s2] =	stream.indirect.scatter.add.f32 [tilespmem:s12], [sflag:$0x1], $0x1, s22, s14, $0xb8;
	[tilespmem:$0x5180] =	vst v63  }
0x83: {  	s23 =	sadd.s32 $0x320, s19  }
0x84: {  	[spmem:s2] =	stream.indirect.scatter.add.f32 [tilespmem:s12], [sflag:$0x1], $0x1, s23, s14, $0xb8;
	[tilespmem:$0x5180] =	vst v63  }
0x85: {  	s24 =	sadd.s32 $0x370, s19  }
0x86: {  	[spmem:s2] =	stream.indirect.scatter.add.f32 [tilespmem:s12], [sflag:$0x1], $0x1, s24, s14, $0xb8;
	[tilespmem:$0x5180] =	vst v63  }
0x87: {  	s25 =	sadd.s32 $0x3C0, s19  }
0x88: {  	[spmem:s2] =	stream.indirect.scatter.add.f32 [tilespmem:s12], [sflag:$0x1], $0x1, s25, s14, $0xb8;
	[tilespmem:$0x5180] =	vst v63  }
0x89: {  	s26 =	sadd.s32 $0x410, s19  }
0x8a: {  	[spmem:s2] =	stream.indirect.scatter.add.f32 [tilespmem:s12], [sflag:$0x1], $0x1, s26, s14, $0xb8;
	[tilespmem:$0x5180] =	vst v63  }
0x8b: {  	s28 =	sadd.s32 $0x460, s19  }
0x8c: {  	[spmem:s2] =	stream.indirect.scatter.add.f32 [tilespmem:s12], [sflag:$0x1], $0x1, s28, s14, $0xb8;
	[tilespmem:$0x5180] =	vst v63  }
0x8d: {  	s29 =	sadd.s32 $0x4B0, s19  }
0x8e: {  	[spmem:s2] =	stream.indirect.scatter.add.f32 [tilespmem:s12], [sflag:$0x1], $0x1, s29, s14, $0xb8;
	[tilespmem:$0x5180] =	vst v63  }
0x8f: {  	s30 =	sadd.s32 $0x500, s19  }
0x90: {  	[spmem:s2] =	stream.indirect.scatter.add.f32 [tilespmem:s12], [sflag:$0x1], $0x1, s30, s14, $0xb8;
	[tilespmem:$0x5180] =	vst v63  }
0x91: {  	s31 =	sadd.s32 $0x550, s19  }
0x92: {  	[spmem:s2] =	stream.indirect.scatter.add.f32 [tilespmem:s12], [sflag:$0x1], $0x1, s31, s14, $0xb8;
	[tilespmem:$0x5180] =	vst v63  }
0x93: {  	_ =	swait.ge [sflag:s15], $0x50  }
0x94: {  	[sflag:s15] =	ssyncset.done $0x0  }
0x95: {  	[sflag:s15] =	ssyncadd.s32 $0xFFFFFFB0  }
0x96: {  	_ =	swait.ge [sflag:s15], $0x50  }
0x97: {  	[sflag:s15] =	ssyncset.done $0x0  }
0x98: {  	[sflag:s15] =	ssyncadd.s32 $0xFFFFFFB0  }
0x99: {  	_ =	swait.ge [sflag:s15], $0x50  }
0x9a: {  	[sflag:s15] =	ssyncset.done $0x0  }
0x9b: {  	[sflag:s15] =	ssyncadd.s32 $0xFFFFFFB0  }
0x9c: {  	_ =	swait.ge [sflag:s15], $0x50  }
0x9d: {  	[sflag:s15] =	ssyncset.done $0x0  }
0x9e: {  	[sflag:s15] =	ssyncadd.s32 $0xFFFFFFB0  }
0x9f: {  	_ =	swait.ge [sflag:s15], $0x50  }
0xa0: {  	[sflag:s15] =	ssyncset.done $0x0  }
0xa1: {  	[sflag:s15] =	ssyncadd.s32 $0xFFFFFFB0  }
0xa2: {  	_ =	swait.ge [sflag:s15], $0x50  }
0xa3: {  	[sflag:s15] =	ssyncset.done $0x0  }
0xa4: {  	[sflag:s15] =	ssyncadd.s32 $0xFFFFFFB0  }
0xa5: {  	_ =	swait.ge [sflag:s15], $0x50  }
0xa6: {  	[sflag:s15] =	ssyncset.done $0x0  }
0xa7: {  	[sflag:s15] =	ssyncadd.s32 $0xFFFFFFB0  }
0xa8: {  	_ =	swait.ge [sflag:s15], $0x50  }
0xa9: {  	[sflag:s15] =	ssyncset.done $0x0  }
0xaa: {  	[sflag:s15] =	ssyncadd.s32 $0xFFFFFFB0  }
0xab: {  	_ =	swait.ge [sflag:s15], $0x50  }
0xac: {  	[sflag:s15] =	ssyncset.done $0x0  }
0xad: {  	[sflag:s15] =	ssyncadd.s32 $0xFFFFFFB0  }
0xae: {  	_ =	swait.ge [sflag:s15], $0x50  }
0xaf: {  	s16 =	sadd.s32 $0x1, s16;
	[sflag:s15] =	ssyncset.done $0x0  }
0xb0: {  	p0 =	sne.s32 s16, s7;
	[sflag:s15] =	ssyncadd.s32 $0xFFFFFFB0  }
.Ltmp1:
0xb1: {  	[bflag:$0x0] =	sbarrier.arrive $0xFFFF;
	(pc) =	sbr.rel @p0 .LBB2_1-.Ltmp1, $4  }
0xb2: {  	[hbm:s9], [sflag:s6] =	dma.local [spmem:s10], $0x50  }
0xb3: {  	_ =	swait.ge [sflag:s11], $0x50  }
0xb4: {  	[sflag:s11] =	ssyncset.done $0x0  }
0xb5: {  	[sflag:s11] =	ssyncadd.s32 $0xFFFFFFB0  }
0xb6: {  	_ =	sfence.sel $0x180000  }
0xb7: {  	[bflag:$0x0] =	sbarrier.arrive $0xFFFF  }
0xb8: {  	p0 =	sne.s32 s1, $0x0;
	_ =	strace $0x90000047  }
0xb9: {  	s0 =	sadd.s32 @!p0 $0x100000, s0;
	[bflag:$0x2] =	sbarrier.arrive $0xFFFF  }
0xba: {  	[sflag:s0] =	ssyncadd.tile.s32 @!p0 $0x1;
	_ =	shalt  }
.Lfunc_end2:
_tile_overlayer_lowered:
.L_overlay_start_2:
0xbb: {  	(tag) =	ssettag $0x2  }
0xbc: {  	s0 =	rddreg [dreg:$0x0];
	s2 =	stileid.u32  }
0xbd: {  	s1 =	rddreg [dreg:$0x1];
	p0 =	sne.s32 s2, $0x0  }
0xbe: {  	s3 =	rddreg [dreg:$0x2];
	[bflag:$0x3] =	sbarrier.arrive $0xFFFF;
	s2 =	simm.s32 @!p0 $0x1C02  }
0xbf: {  	[timem:s3], [sflag:s2] =	dma.local @!p0 [hbm:s0], s1  }
0xc0: {  	s0 =	simm.s32 @!p0 $0x2  }
0xc1: {  	_ =	swait.ge @!p0 [sflag:s0], s1  }
0xc2: {  	s1 =	ssub.s32 @!p0 $0x0, s1;
	[sflag:s0] =	ssyncset.done @!p0 $0x0  }
0xc3: {  	[sflag:s0] =	ssyncadd.s32 @!p0 s1  }
0xc4: {  	[bflag:$0x3] =	sbarrier.arrive $0xFFFF  }
0xc5: {  	_ =	shalt  }

</sc_bundles>
